<compile_context>
chip_gen: v7x
topology: tpu7x:2x2x1
jax: 0.10.2.dev20260603
libtpu: 0.0.44.dev20260713+nightly
codegen_flags: <defaults>
</compile_context>

<pallas_src>
import functools

import jax
import jax.numpy as jnp
from jax import lax
from jax.experimental import pallas as pl
from jax.experimental.pallas import tpu as pltpu
from jax.experimental.pallas import tpu_sc as plsc

_N = 10240
_E = 76800
_B = 16
_L = 640
_D = 1024
_H = 256
_R = 3
_HH = 128
_NSUB = 16
_EPT = _E // _NSUB
_CH = 96
_NCH = _EPT // _CH
_NSLOT = 2
_NB = 256
_NPT = _N // 16


def _mm_body(x_ref, w_ref, wg_ref, t2_ref):
    xb = x_ref[...]
    g = jax.nn.sigmoid(
        jnp.dot(xb, wg_ref[...], preferred_element_type=jnp.float32))
    for r in range(_R):
        t = jnp.dot(xb, w_ref[r], preferred_element_type=jnp.float32)
        scale = g[:, r][:, None]
        t2_ref[0, r] = t[:, :_HH] * scale
        t2_ref[1, r] = t[:, _HH:] * scale


def _build_mm(interpret=False):
    return pl.pallas_call(
        _mm_body,
        grid=(_N // _NB,),
        in_specs=[
            pl.BlockSpec((_NB, _D), lambda n: (n, 0)),
            pl.BlockSpec((_R, _D, _H), lambda n: (0, 0, 0)),
            pl.BlockSpec((_D, _HH), lambda n: (0, 0)),
        ],
        out_specs=pl.BlockSpec((2, _R, _NB, _HH), lambda n: (0, 0, n, 0)),
        out_shape=jax.ShapeDtypeStruct((2, _R, _N, _HH), jnp.float32),
        interpret=interpret,
    )


def _build_sc():
    mesh = plsc.VectorSubcoreMesh(core_axis_name="c", subcore_axis_name="s")

    @functools.partial(
        pl.kernel,
        mesh=mesh,
        out_type=jax.ShapeDtypeStruct((2, _N, _HH), jnp.float32),
        compiler_params=pltpu.CompilerParams(needs_layout_passes=False),
        scratch_types=[
            pltpu.VMEM((_NCH, _CH), jnp.int32),
            pltpu.VMEM((_NCH, _CH), jnp.int32),
            pltpu.VMEM((_EPT,), jnp.float32),
            pltpu.VMEM((_NSLOT * _CH, _HH), jnp.float32),
            pltpu.VMEM_SHARED((_N, _HH), jnp.float32),
            pltpu.SemaphoreType.DMA,
            pltpu.SemaphoreType.DMA,
            pltpu.SemaphoreType.DMA,
            pltpu.SemaphoreType.DMA,
        ],
    )
    def sc(t2, gidx_in, dst3, nrm, out,
           gidx, didx, nrmv, rowsb, hsh, rsem0, rsem1, ssem0, ssem1):
        c = lax.axis_index("c")
        s = lax.axis_index("s")
        nbase = s * _NPT
        rsems = (rsem0, rsem1)
        ssems = (ssem0, ssem1)
        slots = [rowsb.at[pl.ds(b * _CH, _CH)] for b in range(_NSLOT)]

        pltpu.sync_copy(gidx_in.at[s], gidx)
        pltpu.sync_copy(dst3.at[s], didx)
        pltpu.sync_copy(nrm.at[s], nrmv)

        cv = jnp.full((16,), c * (_R * _N), jnp.int32)

        def addc(j, carry):
            for t in range(_CH // 16):
                sl = pl.ds(t * 16, 16)
                gidx[j, sl] = gidx[j, sl] + cv
            return carry
        lax.fori_loop(0, _NCH, addc, 0)

        z16 = jnp.zeros((16,), jnp.float32)

        def zrow(r, carry):
            for m in range(_HH // 16):
                rowsb[r, pl.ds(m * 16, 16)] = z16
            return carry
        lax.fori_loop(0, 64, zrow, 0)
        for q in range(_NPT // 64):
            pltpu.sync_copy(rowsb.at[pl.ds(0, 64)],
                            hsh.at[pl.ds(nbase + q * 64, 64)])

        plsc.subcore_barrier()

        pltpu.async_copy(t2.at[gidx.at[0]], slots[0], rsems[0])

        def step(ii, carry):
            for b in range(2):
                j = ii * 2 + b
                rb = slots[b]
                pltpu.make_async_copy(t2.at[gidx.at[j]], rb,
                                      rsems[b]).wait()

                @pl.when(j + 1 < _NCH)
                def _():
                    @pl.when(j >= 1)
                    def _():
                        pltpu.make_async_copy(slots[1 - b],
                                              hsh.at[didx.at[j]],
                                              ssems[1 - b]).wait()
                    pltpu.async_copy(t2.at[gidx.at[j + 1]], slots[1 - b],
                                     rsems[1 - b])

                base = j * _CH

                def edge(kk, kc):
                    k = kk * 4
                    cv0 = plsc.load_gather(
                        nrmv, [jnp.full((16,), base + k, jnp.int32)])
                    cv1 = plsc.load_gather(
                        nrmv, [jnp.full((16,), base + k + 1, jnp.int32)])
                    cv2 = plsc.load_gather(
                        nrmv, [jnp.full((16,), base + k + 2, jnp.int32)])
                    cv3 = plsc.load_gather(
                        nrmv, [jnp.full((16,), base + k + 3, jnp.int32)])
                    for m in range(_HH // 16):
                        sl = pl.ds(m * 16, 16)
                        rb[k, sl] = rb[k, sl] * cv0
                        rb[k + 1, sl] = rb[k + 1, sl] * cv1
                        rb[k + 2, sl] = rb[k + 2, sl] * cv2
                        rb[k + 3, sl] = rb[k + 3, sl] * cv3
                    return kc
                lax.fori_loop(0, _CH // 4, edge, 0)

                pltpu.async_copy(rb, hsh.at[didx.at[j]], ssems[b],
                                 add=True)
            return carry
        lax.fori_loop(0, _NCH // 2, step, 0)

        for b in range(2):
            pltpu.make_async_copy(slots[b], hsh.at[didx.at[0]],
                                  ssems[b]).wait()

        plsc.subcore_barrier()
        pltpu.sync_copy(hsh.at[pl.ds(nbase, _NPT)],
                        out.at[c, pl.ds(nbase, _NPT)])

    return sc


def _pool_body(h_ref, tok_ref, e1_ref, e2_ref, out_ref):
    g0 = jnp.maximum(h_ref[0, 0], 0.0)
    g1 = jnp.maximum(h_ref[1, 0], 0.0)
    tok = tok_ref[0]
    e1 = e1_ref[0]
    e2 = e2_ref[0]
    tokb = jnp.broadcast_to(tok, (_L, _HH))
    e1b = jnp.broadcast_to(e1, (_L, _HH))
    e2b = jnp.broadcast_to(e2, (_L, _HH))
    neg = jnp.float32(-1e12)
    d1 = jnp.float32(_L) - jnp.sum(e1)
    d2 = jnp.float32(_L) - jnp.sum(e2)
    out_ref[0, 0, pl.ds(0, _HH)] = jnp.max(
        jnp.where(tokb > 0.5, neg, g0), axis=0)
    out_ref[0, 0, pl.ds(_HH, _HH)] = jnp.max(
        jnp.where(tokb > 0.5, neg, g1), axis=0)
    out_ref[0, 0, pl.ds(2 * _HH, _HH)] = jnp.sum(
        jnp.where(e1b > 0.5, 0.0, g0), axis=0) / d1
    out_ref[0, 0, pl.ds(3 * _HH, _HH)] = jnp.sum(
        jnp.where(e1b > 0.5, 0.0, g1), axis=0) / d1
    out_ref[0, 0, pl.ds(4 * _HH, _HH)] = jnp.sum(
        jnp.where(e2b > 0.5, 0.0, g0), axis=0) / d2
    out_ref[0, 0, pl.ds(5 * _HH, _HH)] = jnp.sum(
        jnp.where(e2b > 0.5, 0.0, g1), axis=0) / d2


def _build_pool(interpret=False):
    return pl.pallas_call(
        _pool_body,
        grid=(_B,),
        in_specs=[
            pl.BlockSpec((2, 1, _L, _HH), lambda b: (0, b, 0, 0)),
            pl.BlockSpec((1, _L, 1), lambda b: (b, 0, 0)),
            pl.BlockSpec((1, _L, 1), lambda b: (b, 0, 0)),
            pl.BlockSpec((1, _L, 1), lambda b: (b, 0, 0)),
        ],
        out_specs=pl.BlockSpec((1, 1, 6 * _HH), lambda b: (b, 0, 0)),
        out_shape=jax.ShapeDtypeStruct((_B, 1, 6 * _HH), jnp.float32),
        interpret=interpret,
    )


def _head_body(gp_ref, be_ref, bnhg_ref, bnhb_ref, f1w_ref, f1b_ref,
               bn2g_ref, bn2b_ref, f2w_ref, f2b_ref, bn3g_ref, bn3b_ref,
               f3w_ref, f3b_ref, out_ref):
    def bn(v, g, b):
        m = jnp.mean(v, axis=0, keepdims=True)
        var = jnp.mean((v - m) * (v - m), axis=0, keepdims=True)
        return (v - m) / jnp.sqrt(var + 1e-5) * g + b

    be = bn(be_ref[...], bnhg_ref[...], bnhb_ref[...])
    be = jnp.maximum(
        jnp.dot(be, f1w_ref[...], preferred_element_type=jnp.float32)
        + f1b_ref[...], 0.0)
    emb = jnp.concatenate([gp_ref[...], be], axis=1)
    z = bn(emb, bn2g_ref[...], bn2b_ref[...])
    z = jnp.maximum(
        jnp.dot(z, f2w_ref[...], preferred_element_type=jnp.float32)
        + f2b_ref[...], 0.0)
    z = bn(z, bn3g_ref[...], bn3b_ref[...])
    out_ref[...] = (jnp.dot(z, f3w_ref[...], preferred_element_type=jnp.float32)
                    + f3b_ref[...])


def _build_head(interpret=False):
    return pl.pallas_call(
        _head_body,
        out_shape=jax.ShapeDtypeStruct((_B, _HH), jnp.float32),
        interpret=interpret,
    )


_mm_call = _build_mm()
_pool_call = _build_pool()
_head_call = _build_head()
_sc_cache = []


def _get_sc():
    if not _sc_cache:
        _sc_cache.append(_build_sc())
    return _sc_cache[0]


def kernel(x, edge_index, rel_type, norm, bert_embeddings, token_mask,
           event1_mask, event2_mask, W, gate_W, bnh_g, bnh_b, fc1_W, fc1_b,
           bn2_g, bn2_b, fc2_W, fc2_b, bn3_g, bn3_b, fc3_W, fc3_b):
    wg = jnp.zeros((_D, _HH), jnp.float32).at[:, :_R].set(gate_W[:, :, 0].T)
    t2 = _mm_call(x, W, wg)
    t2f = t2.reshape(2 * _R * _N, _HH)

    gidxb = (rel_type.astype(jnp.int32) * _N
             + edge_index[0].astype(jnp.int32)).reshape(_NSUB, _NCH, _CH)
    dst3 = edge_index[1].astype(jnp.int32).reshape(_NSUB, _NCH, _CH)
    nrm2 = norm[:, 0].reshape(_NSUB, _EPT)
    h2 = _get_sc()(t2f, gidxb, dst3, nrm2)

    h4 = h2.reshape(2, _B, _L, _HH)
    tokf = token_mask.astype(jnp.float32).reshape(_B, _L, 1)
    e1f = event1_mask.astype(jnp.float32).reshape(_B, _L, 1)
    e2f = event2_mask.astype(jnp.float32).reshape(_B, _L, 1)
    gp = _pool_call(h4, tokf, e1f, e2f).reshape(_B, 3 * _H)

    f3w = jnp.zeros((_H, _HH), jnp.float32).at[:, :6].set(fc3_W)
    f3b = jnp.zeros((1, _HH), jnp.float32).at[0, :6].set(fc3_b)
    out128 = _head_call(
        gp, bert_embeddings, bnh_g.reshape(1, -1), bnh_b.reshape(1, -1),
        fc1_W, fc1_b.reshape(1, -1), bn2_g.reshape(1, -1),
        bn2_b.reshape(1, -1), fc2_W, fc2_b.reshape(1, -1),
        bn3_g.reshape(1, -1), bn3_b.reshape(1, -1), f3w, f3b)
    return out128[:, :6]

# --- scband reference (transcript-rebuilt; emitter-appended) ---
"""Pipeline reference for scband-gprmodel-19387482374798 (READ-ONLY COPY).

The authoritative reference and input builder live on the scoring server;
editing this copy changes nothing except your own understanding.
"""

import jax, jax.numpy as jnp
import numpy as np

N = 10240
E = 76800
B = 16
L = 640
D = 1024
H = 256
R = 3


def setup_inputs(seed: int = 0):
    key = jax.random.key(seed)
    ks = jax.random.split(key, 16)
    inp = {}
    inp["x"] = jax.random.normal(ks[0], (N, D), dtype=jnp.float32)
    inp["edge_index"] = jax.random.randint(ks[1], (2, E), 0, N, dtype=jnp.int32)
    inp["rel_type"] = jax.random.randint(ks[2], (E,), 0, R, dtype=jnp.int32)
    inp["norm"] = jax.random.uniform(ks[3], (E, 1), dtype=jnp.float32)
    inp["bert_embeddings"] = jax.random.normal(ks[4], (B, 3 * D), dtype=jnp.float32)
    inp["token_mask"] = jax.random.randint(ks[5], (B, L, 1), 0, 2) == 1
    inp["event1_mask"] = jax.random.randint(ks[6], (B, L, 1), 0, 2) == 1
    inp["event2_mask"] = jax.random.randint(ks[7], (B, L, 1), 0, 2) == 1
    inp["W"] = jax.random.normal(ks[8], (R, D, H), dtype=jnp.float32) * np.sqrt(2.0 / (D + H)).astype(np.float32)
    inp["gate_W"] = jax.random.normal(ks[9], (R, D, 1), dtype=jnp.float32) * np.sqrt(2.0 / (D + 1)).astype(np.float32)
    inp["bnh_g"] = jnp.ones((3 * D,), jnp.float32)
    inp["bnh_b"] = jnp.zeros((3 * D,), jnp.float32)
    inp["fc1_W"] = jax.random.normal(ks[10], (3 * D, 3 * 512), dtype=jnp.float32) * np.sqrt(2.0 / (3 * D)).astype(np.float32)
    inp["fc1_b"] = jnp.zeros((3 * 512,), jnp.float32)
    inp["bn2_g"] = jnp.ones((3 * 512 + 3 * H,), jnp.float32)
    inp["bn2_b"] = jnp.zeros((3 * 512 + 3 * H,), jnp.float32)
    inp["fc2_W"] = jax.random.normal(ks[11], (3 * 512 + 3 * H, 256), dtype=jnp.float32) * np.sqrt(2.0 / (3 * 512 + 3 * H)).astype(np.float32)
    inp["fc2_b"] = jnp.zeros((256,), jnp.float32)
    inp["bn3_g"] = jnp.ones((256,), jnp.float32)
    inp["bn3_b"] = jnp.zeros((256,), jnp.float32)
    inp["fc3_W"] = jax.random.normal(ks[12], (256, 6), dtype=jnp.float32) * np.sqrt(2.0 / 256.0).astype(np.float32)
    inp["fc3_b"] = jnp.zeros((6,), jnp.float32)
    return inp


def _bn(x, g, b):
    # BatchNorm1d in training mode (batch statistics), weight=g, bias=b
    m = x.mean(axis=0, keepdims=True)
    v = x.var(axis=0, keepdims=True)
    return (x - m) / jnp.sqrt(v + 1e-5) * g + b


def _forward(x, norm, bert_embeddings, W, gate_W, bnh_g, bnh_b, fc1_W, fc1_b,
             bn2_g, bn2_b, fc2_W, fc2_b, bn3_g, bn3_b, fc3_W, fc3_b,
             edge_index, rel_type, token_mask, event1_mask, event2_mask):
    src = edge_index[0]
    dst = edge_index[1]
    # RGCNLayer (gated): per-edge msg = sigmoid(h_src @ gate_W[rel]) * norm * (h_src @ W[rel])
    # computed as per-relation matmul followed by (rel_type, src) gather (same math as per-edge bmm)
    transformed = jnp.einsum('nd,rdo->rno', x, W)            # [R, N, H]
    msg = transformed[rel_type, src]                          # [E, H] gather
    msg = msg * norm
    gate_t = jnp.einsum('nd,rd->rn', x, gate_W[:, :, 0])     # [R, N]
    gate = jax.nn.sigmoid(gate_t[rel_type, src])[:, None]     # [E, 1]
    msg = msg * gate
    h = jax.ops.segment_sum(msg, dst, num_segments=N)         # scatter-add over dst nodes
    h = jax.nn.relu(h)                                        # apply_func
    # Head.tensor_pool over each graph (B graphs of L nodes)
    gcn = h.reshape(B, L, H)
    token_out = jnp.max(jnp.where(token_mask, -1e12, gcn), axis=1)                     # max pool
    ev1 = jnp.where(event1_mask, 0.0, gcn).sum(axis=1) / (L - event1_mask.astype(jnp.float32).sum(axis=1))
    ev2 = jnp.where(event2_mask, 0.0, gcn).sum(axis=1) / (L - event2_mask.astype(jnp.float32).sum(axis=1))
    gcn_pool = jnp.concatenate([token_out, ev1, ev2], axis=1)  # [B, 3*H]
    # BERT_Head: BN -> (dropout, eval: identity) -> Linear -> ReLU
    be = _bn(bert_embeddings, bnh_g, bnh_b)
    be = jax.nn.relu(be @ fc1_W + fc1_b)                       # [B, 1536]
    # Head.fc: BN -> Linear(2304,256) -> ReLU -> BN -> Linear(256,6)
    emb = jnp.concatenate([gcn_pool, be], axis=1)              # [B, 2304]
    z = _bn(emb, bn2_g, bn2_b)
    z = jax.nn.relu(z @ fc2_W + fc2_b)
    z = _bn(z, bn3_g, bn3_b)
    out = z @ fc3_W + fc3_b
    return out


def reference(x, edge_index, rel_type, norm, bert_embeddings, token_mask, event1_mask, event2_mask,
              W, gate_W, bnh_g, bnh_b, fc1_W, fc1_b, bn2_g, bn2_b, fc2_W, fc2_b, bn3_g, bn3_b, fc3_W, fc3_b):
    return _forward(x, norm, bert_embeddings, W, gate_W, bnh_g, bnh_b, fc1_W, fc1_b,
                    bn2_g, bn2_b, fc2_W, fc2_b, bn3_g, bn3_b, fc3_W, fc3_b,
                    edge_index, rel_type, token_mask, event1_mask, event2_mask)

if __name__ == "__main__":
    import jax
    _d = setup_inputs()
    print(jax.jit(kernel)(*tuple(_d.values())))

</pallas_src>

<mosaic_0001>
#map = affine_map<(d0, d1) -> (0, 0)>
#map1 = affine_map<(d0, d1) -> (0, 0, 0)>
module attributes {stable_mosaic.version = 14 : i64} {
  func.func @sc(%arg0: i32, %arg1: i32, %arg2: memref<61440x128xf32, #tpu.memory_space<hbm>>, %arg3: memref<16x50x96xi32, #tpu.memory_space<hbm>>, %arg4: memref<16x50x96xi32, #tpu.memory_space<hbm>>, %arg5: memref<16x4800xf32, #tpu.memory_space<hbm>>, %arg6: memref<2x10240x128xf32, #tpu.memory_space<hbm>>, %arg7: memref<50x96xi32, #tpu.memory_space<vmem>>, %arg8: memref<50x96xi32, #tpu.memory_space<vmem>>, %arg9: memref<4800xf32, #tpu.memory_space<vmem>>, %arg10: memref<192x128xf32, #tpu.memory_space<vmem>>, %arg11: memref<10240x128xf32, #tpu.memory_space<vmem_shared>>, %arg12: memref<!tpu.dma_semaphore, #tpu.memory_space<semaphore_mem>>, %arg13: memref<!tpu.dma_semaphore, #tpu.memory_space<semaphore_mem>>, %arg14: memref<!tpu.dma_semaphore, #tpu.memory_space<semaphore_mem>>, %arg15: memref<!tpu.dma_semaphore, #tpu.memory_space<semaphore_mem>>) attributes {dimension_semantics = [#tpu.dimension_semantics<core_parallel>, #tpu.dimension_semantics<subcore_parallel>], iteration_bounds = array<i64: 2, 16>, scalar_prefetch = 0 : i64, scratch_operands = 9 : i64, tpu.core_type = #tpu.core_type<sc_vector_subcore>, window_params = [{transform_indices = #map}, {transform_indices = #map1}, {transform_indices = #map1}, {transform_indices = #map}, {transform_indices = #map1}]} {
    %mul3A = arith.constant 640 : i32
    %mul3A_0 = arith.muli %arg1, %mul3A : i32
    "tpu.region"() ({
      %run_scoped3A = tpu.sem_alloc : memref<!tpu.dma_semaphore, #tpu.memory_space<semaphore_mem>>
      %dma_start3A_70 = arith.constant 0 : i32
      %dma_start3A_71 = arith.constant 0 : i32
      %dma_start3A_72 = tpu.memref_slice %arg3[%arg1, %dma_start3A_70, %dma_start3A_71] : memref<16x50x96xi32, #tpu.memory_space<hbm>> -> memref<1x50x96xi32, #tpu.memory_space<hbm>>
      %dma_start3A_73 = tpu.memref_squeeze %dma_start3A_72 : memref<1x50x96xi32, #tpu.memory_space<hbm>> -> memref<50x96xi32, #tpu.memory_space<hbm>>
      %dma_start3A_74 = arith.constant 0 : i32
      %dma_start3A_75 = arith.constant 0 : i32
      %dma_start3A_76 = tpu.memref_slice %arg3[%arg1, %dma_start3A_74, %dma_start3A_75] : memref<16x50x96xi32, #tpu.memory_space<hbm>> -> memref<1x50x96xi32, #tpu.memory_space<hbm>>
      %dma_start3A_77 = tpu.memref_squeeze %dma_start3A_76 : memref<1x50x96xi32, #tpu.memory_space<hbm>> -> memref<50x96xi32, #tpu.memory_space<hbm>>
      tpu.enqueue_dma source(%dma_start3A_77 : memref<50x96xi32, #tpu.memory_space<hbm>>) target(%arg7 : memref<50x96xi32, #tpu.memory_space<vmem>>) target_semaphore(%run_scoped3A : memref<!tpu.dma_semaphore, #tpu.memory_space<semaphore_mem>>)
      %dma_wait3A_78 = arith.constant 0 : i32
      %dma_wait3A_79 = arith.constant 0 : i32
      %dma_wait3A_80 = tpu.memref_slice %arg3[%arg1, %dma_wait3A_78, %dma_wait3A_79] : memref<16x50x96xi32, #tpu.memory_space<hbm>> -> memref<1x50x96xi32, #tpu.memory_space<hbm>>
      %dma_wait3A_81 = tpu.memref_squeeze %dma_wait3A_80 : memref<1x50x96xi32, #tpu.memory_space<hbm>> -> memref<50x96xi32, #tpu.memory_space<hbm>>
      %dma_wait3A_82 = arith.constant 0 : i32
      %dma_wait3A_83 = arith.constant 0 : i32
      %dma_wait3A_84 = tpu.memref_slice %arg3[%arg1, %dma_wait3A_82, %dma_wait3A_83] : memref<16x50x96xi32, #tpu.memory_space<hbm>> -> memref<1x50x96xi32, #tpu.memory_space<hbm>>
      %dma_wait3A_85 = tpu.memref_squeeze %dma_wait3A_84 : memref<1x50x96xi32, #tpu.memory_space<hbm>> -> memref<50x96xi32, #tpu.memory_space<hbm>>
      tpu.wait_dma2 semaphore(%run_scoped3A : memref<!tpu.dma_semaphore, #tpu.memory_space<semaphore_mem>>) src(%dma_wait3A_85 : memref<50x96xi32, #tpu.memory_space<hbm>>) dst(%arg7 : memref<50x96xi32, #tpu.memory_space<vmem>>)
      tpu.yield
    }) : () -> ()
    "tpu.region"() ({
      %run_scoped3A = tpu.sem_alloc : memref<!tpu.dma_semaphore, #tpu.memory_space<semaphore_mem>>
      %dma_start3A_70 = arith.constant 0 : i32
      %dma_start3A_71 = arith.constant 0 : i32
      %dma_start3A_72 = tpu.memref_slice %arg4[%arg1, %dma_start3A_70, %dma_start3A_71] : memref<16x50x96xi32, #tpu.memory_space<hbm>> -> memref<1x50x96xi32, #tpu.memory_space<hbm>>
      %dma_start3A_73 = tpu.memref_squeeze %dma_start3A_72 : memref<1x50x96xi32, #tpu.memory_space<hbm>> -> memref<50x96xi32, #tpu.memory_space<hbm>>
      %dma_start3A_74 = arith.constant 0 : i32
      %dma_start3A_75 = arith.constant 0 : i32
      %dma_start3A_76 = tpu.memref_slice %arg4[%arg1, %dma_start3A_74, %dma_start3A_75] : memref<16x50x96xi32, #tpu.memory_space<hbm>> -> memref<1x50x96xi32, #tpu.memory_space<hbm>>
      %dma_start3A_77 = tpu.memref_squeeze %dma_start3A_76 : memref<1x50x96xi32, #tpu.memory_space<hbm>> -> memref<50x96xi32, #tpu.memory_space<hbm>>
      tpu.enqueue_dma source(%dma_start3A_77 : memref<50x96xi32, #tpu.memory_space<hbm>>) target(%arg8 : memref<50x96xi32, #tpu.memory_space<vmem>>) target_semaphore(%run_scoped3A : memref<!tpu.dma_semaphore, #tpu.memory_space<semaphore_mem>>)
      %dma_wait3A_78 = arith.constant 0 : i32
      %dma_wait3A_79 = arith.constant 0 : i32
      %dma_wait3A_80 = tpu.memref_slice %arg4[%arg1, %dma_wait3A_78, %dma_wait3A_79] : memref<16x50x96xi32, #tpu.memory_space<hbm>> -> memref<1x50x96xi32, #tpu.memory_space<hbm>>
      %dma_wait3A_81 = tpu.memref_squeeze %dma_wait3A_80 : memref<1x50x96xi32, #tpu.memory_space<hbm>> -> memref<50x96xi32, #tpu.memory_space<hbm>>
      %dma_wait3A_82 = arith.constant 0 : i32
      %dma_wait3A_83 = arith.constant 0 : i32
      %dma_wait3A_84 = tpu.memref_slice %arg4[%arg1, %dma_wait3A_82, %dma_wait3A_83] : memref<16x50x96xi32, #tpu.memory_space<hbm>> -> memref<1x50x96xi32, #tpu.memory_space<hbm>>
      %dma_wait3A_85 = tpu.memref_squeeze %dma_wait3A_84 : memref<1x50x96xi32, #tpu.memory_space<hbm>> -> memref<50x96xi32, #tpu.memory_space<hbm>>
      tpu.wait_dma2 semaphore(%run_scoped3A : memref<!tpu.dma_semaphore, #tpu.memory_space<semaphore_mem>>) src(%dma_wait3A_85 : memref<50x96xi32, #tpu.memory_space<hbm>>) dst(%arg8 : memref<50x96xi32, #tpu.memory_space<vmem>>)
      tpu.yield
    }) : () -> ()
    "tpu.region"() ({
      %run_scoped3A = tpu.sem_alloc : memref<!tpu.dma_semaphore, #tpu.memory_space<semaphore_mem>>
      %dma_start3A_70 = arith.constant 0 : i32
      %dma_start3A_71 = tpu.memref_slice %arg5[%arg1, %dma_start3A_70] : memref<16x4800xf32, #tpu.memory_space<hbm>> -> memref<1x4800xf32, #tpu.memory_space<hbm>>
      %dma_start3A_72 = tpu.memref_squeeze %dma_start3A_71 : memref<1x4800xf32, #tpu.memory_space<hbm>> -> memref<4800xf32, #tpu.memory_space<hbm>>
      %dma_start3A_73 = arith.constant 0 : i32
      %dma_start3A_74 = tpu.memref_slice %arg5[%arg1, %dma_start3A_73] : memref<16x4800xf32, #tpu.memory_space<hbm>> -> memref<1x4800xf32, #tpu.memory_space<hbm>>
      %dma_start3A_75 = tpu.memref_squeeze %dma_start3A_74 : memref<1x4800xf32, #tpu.memory_space<hbm>> -> memref<4800xf32, #tpu.memory_space<hbm>>
      tpu.enqueue_dma source(%dma_start3A_75 : memref<4800xf32, #tpu.memory_space<hbm>>) target(%arg9 : memref<4800xf32, #tpu.memory_space<vmem>>) target_semaphore(%run_scoped3A : memref<!tpu.dma_semaphore, #tpu.memory_space<semaphore_mem>>)
      %dma_wait3A_76 = arith.constant 0 : i32
      %dma_wait3A_77 = tpu.memref_slice %arg5[%arg1, %dma_wait3A_76] : memref<16x4800xf32, #tpu.memory_space<hbm>> -> memref<1x4800xf32, #tpu.memory_space<hbm>>
      %dma_wait3A_78 = tpu.memref_squeeze %dma_wait3A_77 : memref<1x4800xf32, #tpu.memory_space<hbm>> -> memref<4800xf32, #tpu.memory_space<hbm>>
      %dma_wait3A_79 = arith.constant 0 : i32
      %dma_wait3A_80 = tpu.memref_slice %arg5[%arg1, %dma_wait3A_79] : memref<16x4800xf32, #tpu.memory_space<hbm>> -> memref<1x4800xf32, #tpu.memory_space<hbm>>
      %dma_wait3A_81 = tpu.memref_squeeze %dma_wait3A_80 : memref<1x4800xf32, #tpu.memory_space<hbm>> -> memref<4800xf32, #tpu.memory_space<hbm>>
      tpu.wait_dma2 semaphore(%run_scoped3A : memref<!tpu.dma_semaphore, #tpu.memory_space<semaphore_mem>>) src(%dma_wait3A_81 : memref<4800xf32, #tpu.memory_space<hbm>>) dst(%arg9 : memref<4800xf32, #tpu.memory_space<vmem>>)
      tpu.yield
    }) : () -> ()
    %mul3A_1 = arith.constant 30720 : i32
    %mul3A_2 = arith.muli %arg0, %mul3A_1 : i32
    %broadcast_in_dim3A = vector.broadcast %mul3A_2 : i32 to vector<16xi32>
    %scan3A = arith.constant 0 : i32
    %scan3A_3 = arith.constant 0 : i32
    %scan3A_4 = arith.constant 50 : i32
    %scan3A_5 = arith.addi %scan3A_3, %scan3A_4 : i32
    %scan3A_6 = arith.constant 1 : i32
    scf.for %scan3A_70 = %scan3A_3 to %scan3A_5 step %scan3A_6  : i32 {
      %get3A = arith.index_cast %scan3A_70 : i32 to index
      %get3A_71 = arith.constant 0 : index
      %get3A_72 = tpu.vector_load %arg7[%get3A, %get3A_71] {strides = array<i32>} : memref<50x96xi32, #tpu.memory_space<vmem>>, vector<16xi32>,
      %add3A_73 = arith.addi %get3A_72, %broadcast_in_dim3A : vector<16xi32>
      %swap3A = arith.index_cast %scan3A_70 : i32 to index
      %swap3A_74 = arith.constant 0 : index
      %swap3A_75 = tpu.vector_load %arg7[%swap3A, %swap3A_74] {strides = array<i32>} : memref<50x96xi32, #tpu.memory_space<vmem>>, vector<16xi32>,
      tpu.vector_store %arg7[%swap3A, %swap3A_74], %add3A_73 {strides = array<i32>} : memref<50x96xi32, #tpu.memory_space<vmem>>, vector<16xi32>,
      %get3A_76 = arith.index_cast %scan3A_70 : i32 to index
      %get3A_77 = arith.constant 16 : index
      %get3A_78 = tpu.vector_load %arg7[%get3A_76, %get3A_77] {strides = array<i32>} : memref<50x96xi32, #tpu.memory_space<vmem>>, vector<16xi32>,
      %add3A_79 = arith.addi %get3A_78, %broadcast_in_dim3A : vector<16xi32>
      %swap3A_80 = arith.index_cast %scan3A_70 : i32 to index
      %swap3A_81 = arith.constant 16 : index
      %swap3A_82 = tpu.vector_load %arg7[%swap3A_80, %swap3A_81] {strides = array<i32>} : memref<50x96xi32, #tpu.memory_space<vmem>>, vector<16xi32>,
      tpu.vector_store %arg7[%swap3A_80, %swap3A_81], %add3A_79 {strides = array<i32>} : memref<50x96xi32, #tpu.memory_space<vmem>>, vector<16xi32>,
      %get3A_83 = arith.index_cast %scan3A_70 : i32 to index
      %get3A_84 = arith.constant 32 : index
      %get3A_85 = tpu.vector_load %arg7[%get3A_83, %get3A_84] {strides = array<i32>} : memref<50x96xi32, #tpu.memory_space<vmem>>, vector<16xi32>,
      %add3A_86 = arith.addi %get3A_85, %broadcast_in_dim3A : vector<16xi32>
      %swap3A_87 = arith.index_cast %scan3A_70 : i32 to index
      %swap3A_88 = arith.constant 32 : index
      %swap3A_89 = tpu.vector_load %arg7[%swap3A_87, %swap3A_88] {strides = array<i32>} : memref<50x96xi32, #tpu.memory_space<vmem>>, vector<16xi32>,
      tpu.vector_store %arg7[%swap3A_87, %swap3A_88], %add3A_86 {strides = array<i32>} : memref<50x96xi32, #tpu.memory_space<vmem>>, vector<16xi32>,
      %get3A_90 = arith.index_cast %scan3A_70 : i32 to index
      %get3A_91 = arith.constant 48 : index
      %get3A_92 = tpu.vector_load %arg7[%get3A_90, %get3A_91] {strides = array<i32>} : memref<50x96xi32, #tpu.memory_space<vmem>>, vector<16xi32>,
      %add3A_93 = arith.addi %get3A_92, %broadcast_in_dim3A : vector<16xi32>
      %swap3A_94 = arith.index_cast %scan3A_70 : i32 to index
      %swap3A_95 = arith.constant 48 : index
      %swap3A_96 = tpu.vector_load %arg7[%swap3A_94, %swap3A_95] {strides = array<i32>} : memref<50x96xi32, #tpu.memory_space<vmem>>, vector<16xi32>,
      tpu.vector_store %arg7[%swap3A_94, %swap3A_95], %add3A_93 {strides = array<i32>} : memref<50x96xi32, #tpu.memory_space<vmem>>, vector<16xi32>,
      %get3A_97 = arith.index_cast %scan3A_70 : i32 to index
      %get3A_98 = arith.constant 64 : index
      %get3A_99 = tpu.vector_load %arg7[%get3A_97, %get3A_98] {strides = array<i32>} : memref<50x96xi32, #tpu.memory_space<vmem>>, vector<16xi32>,
      %add3A_100 = arith.addi %get3A_99, %broadcast_in_dim3A : vector<16xi32>
      %swap3A_101 = arith.index_cast %scan3A_70 : i32 to index
      %swap3A_102 = arith.constant 64 : index
      %swap3A_103 = tpu.vector_load %arg7[%swap3A_101, %swap3A_102] {strides = array<i32>} : memref<50x96xi32, #tpu.memory_space<vmem>>, vector<16xi32>,
      tpu.vector_store %arg7[%swap3A_101, %swap3A_102], %add3A_100 {strides = array<i32>} : memref<50x96xi32, #tpu.memory_space<vmem>>, vector<16xi32>,
      %get3A_104 = arith.index_cast %scan3A_70 : i32 to index
      %get3A_105 = arith.constant 80 : index
      %get3A_106 = tpu.vector_load %arg7[%get3A_104, %get3A_105] {strides = array<i32>} : memref<50x96xi32, #tpu.memory_space<vmem>>, vector<16xi32>,
      %add3A_107 = arith.addi %get3A_106, %broadcast_in_dim3A : vector<16xi32>
      %swap3A_108 = arith.index_cast %scan3A_70 : i32 to index
      %swap3A_109 = arith.constant 80 : index
      %swap3A_110 = tpu.vector_load %arg7[%swap3A_108, %swap3A_109] {strides = array<i32>} : memref<50x96xi32, #tpu.memory_space<vmem>>, vector<16xi32>,
      tpu.vector_store %arg7[%swap3A_108, %swap3A_109], %add3A_107 {strides = array<i32>} : memref<50x96xi32, #tpu.memory_space<vmem>>, vector<16xi32>,
    }
    %scan3A_7 = arith.constant 50 : i32
    %broadcast_in_dim3A_8 = arith.constant 0.000000e+00 : f32
    %broadcast_in_dim3A_9 = vector.broadcast %broadcast_in_dim3A_8 : f32 to vector<16xf32>
    %scan3A_10 = arith.constant 0 : i32
    %scan3A_11 = arith.constant 0 : i32
    %scan3A_12 = arith.constant 64 : i32
    %scan3A_13 = arith.addi %scan3A_11, %scan3A_12 : i32
    %scan3A_14 = arith.constant 1 : i32
    scf.for %scan3A_70 = %scan3A_11 to %scan3A_13 step %scan3A_14  : i32 {
      %swap3A = arith.index_cast %scan3A_70 : i32 to index
      %swap3A_71 = arith.constant 0 : index
      %swap3A_72 = tpu.vector_load %arg10[%swap3A, %swap3A_71] {strides = array<i32>} : memref<192x128xf32, #tpu.memory_space<vmem>>, vector<16xf32>,
      tpu.vector_store %arg10[%swap3A, %swap3A_71], %broadcast_in_dim3A_9 {strides = array<i32>} : memref<192x128xf32, #tpu.memory_space<vmem>>, vector<16xf32>,
      %swap3A_73 = arith.index_cast %scan3A_70 : i32 to index
      %swap3A_74 = arith.constant 16 : index
      %swap3A_75 = tpu.vector_load %arg10[%swap3A_73, %swap3A_74] {strides = array<i32>} : memref<192x128xf32, #tpu.memory_space<vmem>>, vector<16xf32>,
      tpu.vector_store %arg10[%swap3A_73, %swap3A_74], %broadcast_in_dim3A_9 {strides = array<i32>} : memref<192x128xf32, #tpu.memory_space<vmem>>, vector<16xf32>,
      %swap3A_76 = arith.index_cast %scan3A_70 : i32 to index
      %swap3A_77 = arith.constant 32 : index
      %swap3A_78 = tpu.vector_load %arg10[%swap3A_76, %swap3A_77] {strides = array<i32>} : memref<192x128xf32, #tpu.memory_space<vmem>>, vector<16xf32>,
      tpu.vector_store %arg10[%swap3A_76, %swap3A_77], %broadcast_in_dim3A_9 {strides = array<i32>} : memref<192x128xf32, #tpu.memory_space<vmem>>, vector<16xf32>,
      %swap3A_79 = arith.index_cast %scan3A_70 : i32 to index
      %swap3A_80 = arith.constant 48 : index
      %swap3A_81 = tpu.vector_load %arg10[%swap3A_79, %swap3A_80] {strides = array<i32>} : memref<192x128xf32, #tpu.memory_space<vmem>>, vector<16xf32>,
      tpu.vector_store %arg10[%swap3A_79, %swap3A_80], %broadcast_in_dim3A_9 {strides = array<i32>} : memref<192x128xf32, #tpu.memory_space<vmem>>, vector<16xf32>,
      %swap3A_82 = arith.index_cast %scan3A_70 : i32 to index
      %swap3A_83 = arith.constant 64 : index
      %swap3A_84 = tpu.vector_load %arg10[%swap3A_82, %swap3A_83] {strides = array<i32>} : memref<192x128xf32, #tpu.memory_space<vmem>>, vector<16xf32>,
      tpu.vector_store %arg10[%swap3A_82, %swap3A_83], %broadcast_in_dim3A_9 {strides = array<i32>} : memref<192x128xf32, #tpu.memory_space<vmem>>, vector<16xf32>,
      %swap3A_85 = arith.index_cast %scan3A_70 : i32 to index
      %swap3A_86 = arith.constant 80 : index
      %swap3A_87 = tpu.vector_load %arg10[%swap3A_85, %swap3A_86] {strides = array<i32>} : memref<192x128xf32, #tpu.memory_space<vmem>>, vector<16xf32>,
      tpu.vector_store %arg10[%swap3A_85, %swap3A_86], %broadcast_in_dim3A_9 {strides = array<i32>} : memref<192x128xf32, #tpu.memory_space<vmem>>, vector<16xf32>,
      %swap3A_88 = arith.index_cast %scan3A_70 : i32 to index
      %swap3A_89 = arith.constant 96 : index
      %swap3A_90 = tpu.vector_load %arg10[%swap3A_88, %swap3A_89] {strides = array<i32>} : memref<192x128xf32, #tpu.memory_space<vmem>>, vector<16xf32>,
      tpu.vector_store %arg10[%swap3A_88, %swap3A_89], %broadcast_in_dim3A_9 {strides = array<i32>} : memref<192x128xf32, #tpu.memory_space<vmem>>, vector<16xf32>,
      %swap3A_91 = arith.index_cast %scan3A_70 : i32 to index
      %swap3A_92 = arith.constant 112 : index
      %swap3A_93 = tpu.vector_load %arg10[%swap3A_91, %swap3A_92] {strides = array<i32>} : memref<192x128xf32, #tpu.memory_space<vmem>>, vector<16xf32>,
      tpu.vector_store %arg10[%swap3A_91, %swap3A_92], %broadcast_in_dim3A_9 {strides = array<i32>} : memref<192x128xf32, #tpu.memory_space<vmem>>, vector<16xf32>,
    }
    %scan3A_15 = arith.constant 64 : i32
    %add3A = arith.constant 0 : i32
    %add3A_16 = arith.addi %mul3A_0, %add3A : i32
    "tpu.region"() ({
      %run_scoped3A = tpu.sem_alloc : memref<!tpu.dma_semaphore, #tpu.memory_space<semaphore_mem>>
      %dma_start3A_70 = arith.constant 0 : i32
      %dma_start3A_71 = arith.constant 0 : i32
      %dma_start3A_72 = tpu.memref_slice %arg10[%dma_start3A_70, %dma_start3A_71] : memref<192x128xf32, #tpu.memory_space<vmem>> -> memref<64x128xf32, #tpu.memory_space<vmem>>
      %dma_start3A_73 = arith.constant 0 : i32
      %dma_start3A_74 = tpu.memref_slice %arg11[%add3A_16, %dma_start3A_73] : memref<10240x128xf32, #tpu.memory_space<vmem_shared>> -> memref<64x128xf32, #tpu.memory_space<vmem_shared>>
      %dma_start3A_75 = arith.constant 0 : i32
      %dma_start3A_76 = tpu.memref_slice %arg11[%add3A_16, %dma_start3A_75] : memref<10240x128xf32, #tpu.memory_space<vmem_shared>> -> memref<64x128xf32, #tpu.memory_space<vmem_shared>>
      %dma_start3A_77 = arith.constant 0 : i32
      %dma_start3A_78 = arith.constant 0 : i32
      %dma_start3A_79 = tpu.memref_slice %arg10[%dma_start3A_77, %dma_start3A_78] : memref<192x128xf32, #tpu.memory_space<vmem>> -> memref<64x128xf32, #tpu.memory_space<vmem>>
      tpu.enqueue_dma source(%dma_start3A_79 : memref<64x128xf32, #tpu.memory_space<vmem>>) target(%dma_start3A_76 : memref<64x128xf32, #tpu.memory_space<vmem_shared>>) target_semaphore(%run_scoped3A : memref<!tpu.dma_semaphore, #tpu.memory_space<semaphore_mem>>)
      %dma_wait3A_80 = arith.constant 0 : i32
      %dma_wait3A_81 = arith.constant 0 : i32
      %dma_wait3A_82 = tpu.memref_slice %arg10[%dma_wait3A_80, %dma_wait3A_81] : memref<192x128xf32, #tpu.memory_space<vmem>> -> memref<64x128xf32, #tpu.memory_space<vmem>>
      %dma_wait3A_83 = arith.constant 0 : i32
      %dma_wait3A_84 = tpu.memref_slice %arg11[%add3A_16, %dma_wait3A_83] : memref<10240x128xf32, #tpu.memory_space<vmem_shared>> -> memref<64x128xf32, #tpu.memory_space<vmem_shared>>
      %dma_wait3A_85 = arith.constant 0 : i32
      %dma_wait3A_86 = tpu.memref_slice %arg11[%add3A_16, %dma_wait3A_85] : memref<10240x128xf32, #tpu.memory_space<vmem_shared>> -> memref<64x128xf32, #tpu.memory_space<vmem_shared>>
      %dma_wait3A_87 = arith.constant 0 : i32
      %dma_wait3A_88 = arith.constant 0 : i32
      %dma_wait3A_89 = tpu.memref_slice %arg10[%dma_wait3A_87, %dma_wait3A_88] : memref<192x128xf32, #tpu.memory_space<vmem>> -> memref<64x128xf32, #tpu.memory_space<vmem>>
      tpu.wait_dma2 semaphore(%run_scoped3A : memref<!tpu.dma_semaphore, #tpu.memory_space<semaphore_mem>>) src(%dma_wait3A_89 : memref<64x128xf32, #tpu.memory_space<vmem>>) dst(%dma_wait3A_86 : memref<64x128xf32, #tpu.memory_space<vmem_shared>>)
      tpu.yield
    }) : () -> ()
    %add3A_17 = arith.constant 64 : i32
    %add3A_18 = arith.addi %mul3A_0, %add3A_17 : i32
    "tpu.region"() ({
      %run_scoped3A = tpu.sem_alloc : memref<!tpu.dma_semaphore, #tpu.memory_space<semaphore_mem>>
      %dma_start3A_70 = arith.constant 0 : i32
      %dma_start3A_71 = arith.constant 0 : i32
      %dma_start3A_72 = tpu.memref_slice %arg10[%dma_start3A_70, %dma_start3A_71] : memref<192x128xf32, #tpu.memory_space<vmem>> -> memref<64x128xf32, #tpu.memory_space<vmem>>
      %dma_start3A_73 = arith.constant 0 : i32
      %dma_start3A_74 = tpu.memref_slice %arg11[%add3A_18, %dma_start3A_73] : memref<10240x128xf32, #tpu.memory_space<vmem_shared>> -> memref<64x128xf32, #tpu.memory_space<vmem_shared>>
      %dma_start3A_75 = arith.constant 0 : i32
      %dma_start3A_76 = tpu.memref_slice %arg11[%add3A_18, %dma_start3A_75] : memref<10240x128xf32, #tpu.memory_space<vmem_shared>> -> memref<64x128xf32, #tpu.memory_space<vmem_shared>>
      %dma_start3A_77 = arith.constant 0 : i32
      %dma_start3A_78 = arith.constant 0 : i32
      %dma_start3A_79 = tpu.memref_slice %arg10[%dma_start3A_77, %dma_start3A_78] : memref<192x128xf32, #tpu.memory_space<vmem>> -> memref<64x128xf32, #tpu.memory_space<vmem>>
      tpu.enqueue_dma source(%dma_start3A_79 : memref<64x128xf32, #tpu.memory_space<vmem>>) target(%dma_start3A_76 : memref<64x128xf32, #tpu.memory_space<vmem_shared>>) target_semaphore(%run_scoped3A : memref<!tpu.dma_semaphore, #tpu.memory_space<semaphore_mem>>)
      %dma_wait3A_80 = arith.constant 0 : i32
      %dma_wait3A_81 = arith.constant 0 : i32
      %dma_wait3A_82 = tpu.memref_slice %arg10[%dma_wait3A_80, %dma_wait3A_81] : memref<192x128xf32, #tpu.memory_space<vmem>> -> memref<64x128xf32, #tpu.memory_space<vmem>>
      %dma_wait3A_83 = arith.constant 0 : i32
      %dma_wait3A_84 = tpu.memref_slice %arg11[%add3A_18, %dma_wait3A_83] : memref<10240x128xf32, #tpu.memory_space<vmem_shared>> -> memref<64x128xf32, #tpu.memory_space<vmem_shared>>
      %dma_wait3A_85 = arith.constant 0 : i32
      %dma_wait3A_86 = tpu.memref_slice %arg11[%add3A_18, %dma_wait3A_85] : memref<10240x128xf32, #tpu.memory_space<vmem_shared>> -> memref<64x128xf32, #tpu.memory_space<vmem_shared>>
      %dma_wait3A_87 = arith.constant 0 : i32
      %dma_wait3A_88 = arith.constant 0 : i32
      %dma_wait3A_89 = tpu.memref_slice %arg10[%dma_wait3A_87, %dma_wait3A_88] : memref<192x128xf32, #tpu.memory_space<vmem>> -> memref<64x128xf32, #tpu.memory_space<vmem>>
      tpu.wait_dma2 semaphore(%run_scoped3A : memref<!tpu.dma_semaphore, #tpu.memory_space<semaphore_mem>>) src(%dma_wait3A_89 : memref<64x128xf32, #tpu.memory_space<vmem>>) dst(%dma_wait3A_86 : memref<64x128xf32, #tpu.memory_space<vmem_shared>>)
      tpu.yield
    }) : () -> ()
    %add3A_19 = arith.constant 128 : i32
    %add3A_20 = arith.addi %mul3A_0, %add3A_19 : i32
    "tpu.region"() ({
      %run_scoped3A = tpu.sem_alloc : memref<!tpu.dma_semaphore, #tpu.memory_space<semaphore_mem>>
      %dma_start3A_70 = arith.constant 0 : i32
      %dma_start3A_71 = arith.constant 0 : i32
      %dma_start3A_72 = tpu.memref_slice %arg10[%dma_start3A_70, %dma_start3A_71] : memref<192x128xf32, #tpu.memory_space<vmem>> -> memref<64x128xf32, #tpu.memory_space<vmem>>
      %dma_start3A_73 = arith.constant 0 : i32
      %dma_start3A_74 = tpu.memref_slice %arg11[%add3A_20, %dma_start3A_73] : memref<10240x128xf32, #tpu.memory_space<vmem_shared>> -> memref<64x128xf32, #tpu.memory_space<vmem_shared>>
      %dma_start3A_75 = arith.constant 0 : i32
      %dma_start3A_76 = tpu.memref_slice %arg11[%add3A_20, %dma_start3A_75] : memref<10240x128xf32, #tpu.memory_space<vmem_shared>> -> memref<64x128xf32, #tpu.memory_space<vmem_shared>>
      %dma_start3A_77 = arith.constant 0 : i32
      %dma_start3A_78 = arith.constant 0 : i32
      %dma_start3A_79 = tpu.memref_slice %arg10[%dma_start3A_77, %dma_start3A_78] : memref<192x128xf32, #tpu.memory_space<vmem>> -> memref<64x128xf32, #tpu.memory_space<vmem>>
      tpu.enqueue_dma source(%dma_start3A_79 : memref<64x128xf32, #tpu.memory_space<vmem>>) target(%dma_start3A_76 : memref<64x128xf32, #tpu.memory_space<vmem_shared>>) target_semaphore(%run_scoped3A : memref<!tpu.dma_semaphore, #tpu.memory_space<semaphore_mem>>)
      %dma_wait3A_80 = arith.constant 0 : i32
      %dma_wait3A_81 = arith.constant 0 : i32
      %dma_wait3A_82 = tpu.memref_slice %arg10[%dma_wait3A_80, %dma_wait3A_81] : memref<192x128xf32, #tpu.memory_space<vmem>> -> memref<64x128xf32, #tpu.memory_space<vmem>>
      %dma_wait3A_83 = arith.constant 0 : i32
      %dma_wait3A_84 = tpu.memref_slice %arg11[%add3A_20, %dma_wait3A_83] : memref<10240x128xf32, #tpu.memory_space<vmem_shared>> -> memref<64x128xf32, #tpu.memory_space<vmem_shared>>
      %dma_wait3A_85 = arith.constant 0 : i32
      %dma_wait3A_86 = tpu.memref_slice %arg11[%add3A_20, %dma_wait3A_85] : memref<10240x128xf32, #tpu.memory_space<vmem_shared>> -> memref<64x128xf32, #tpu.memory_space<vmem_shared>>
      %dma_wait3A_87 = arith.constant 0 : i32
      %dma_wait3A_88 = arith.constant 0 : i32
      %dma_wait3A_89 = tpu.memref_slice %arg10[%dma_wait3A_87, %dma_wait3A_88] : memref<192x128xf32, #tpu.memory_space<vmem>> -> memref<64x128xf32, #tpu.memory_space<vmem>>
      tpu.wait_dma2 semaphore(%run_scoped3A : memref<!tpu.dma_semaphore, #tpu.memory_space<semaphore_mem>>) src(%dma_wait3A_89 : memref<64x128xf32, #tpu.memory_space<vmem>>) dst(%dma_wait3A_86 : memref<64x128xf32, #tpu.memory_space<vmem_shared>>)
      tpu.yield
    }) : () -> ()
    %add3A_21 = arith.constant 192 : i32
    %add3A_22 = arith.addi %mul3A_0, %add3A_21 : i32
    "tpu.region"() ({
      %run_scoped3A = tpu.sem_alloc : memref<!tpu.dma_semaphore, #tpu.memory_space<semaphore_mem>>
      %dma_start3A_70 = arith.constant 0 : i32
      %dma_start3A_71 = arith.constant 0 : i32
      %dma_start3A_72 = tpu.memref_slice %arg10[%dma_start3A_70, %dma_start3A_71] : memref<192x128xf32, #tpu.memory_space<vmem>> -> memref<64x128xf32, #tpu.memory_space<vmem>>
      %dma_start3A_73 = arith.constant 0 : i32
      %dma_start3A_74 = tpu.memref_slice %arg11[%add3A_22, %dma_start3A_73] : memref<10240x128xf32, #tpu.memory_space<vmem_shared>> -> memref<64x128xf32, #tpu.memory_space<vmem_shared>>
      %dma_start3A_75 = arith.constant 0 : i32
      %dma_start3A_76 = tpu.memref_slice %arg11[%add3A_22, %dma_start3A_75] : memref<10240x128xf32, #tpu.memory_space<vmem_shared>> -> memref<64x128xf32, #tpu.memory_space<vmem_shared>>
      %dma_start3A_77 = arith.constant 0 : i32
      %dma_start3A_78 = arith.constant 0 : i32
      %dma_start3A_79 = tpu.memref_slice %arg10[%dma_start3A_77, %dma_start3A_78] : memref<192x128xf32, #tpu.memory_space<vmem>> -> memref<64x128xf32, #tpu.memory_space<vmem>>
      tpu.enqueue_dma source(%dma_start3A_79 : memref<64x128xf32, #tpu.memory_space<vmem>>) target(%dma_start3A_76 : memref<64x128xf32, #tpu.memory_space<vmem_shared>>) target_semaphore(%run_scoped3A : memref<!tpu.dma_semaphore, #tpu.memory_space<semaphore_mem>>)
      %dma_wait3A_80 = arith.constant 0 : i32
      %dma_wait3A_81 = arith.constant 0 : i32
      %dma_wait3A_82 = tpu.memref_slice %arg10[%dma_wait3A_80, %dma_wait3A_81] : memref<192x128xf32, #tpu.memory_space<vmem>> -> memref<64x128xf32, #tpu.memory_space<vmem>>
      %dma_wait3A_83 = arith.constant 0 : i32
      %dma_wait3A_84 = tpu.memref_slice %arg11[%add3A_22, %dma_wait3A_83] : memref<10240x128xf32, #tpu.memory_space<vmem_shared>> -> memref<64x128xf32, #tpu.memory_space<vmem_shared>>
      %dma_wait3A_85 = arith.constant 0 : i32
      %dma_wait3A_86 = tpu.memref_slice %arg11[%add3A_22, %dma_wait3A_85] : memref<10240x128xf32, #tpu.memory_space<vmem_shared>> -> memref<64x128xf32, #tpu.memory_space<vmem_shared>>
      %dma_wait3A_87 = arith.constant 0 : i32
      %dma_wait3A_88 = arith.constant 0 : i32
      %dma_wait3A_89 = tpu.memref_slice %arg10[%dma_wait3A_87, %dma_wait3A_88] : memref<192x128xf32, #tpu.memory_space<vmem>> -> memref<64x128xf32, #tpu.memory_space<vmem>>
      tpu.wait_dma2 semaphore(%run_scoped3A : memref<!tpu.dma_semaphore, #tpu.memory_space<semaphore_mem>>) src(%dma_wait3A_89 : memref<64x128xf32, #tpu.memory_space<vmem>>) dst(%dma_wait3A_86 : memref<64x128xf32, #tpu.memory_space<vmem_shared>>)
      tpu.yield
    }) : () -> ()
    %add3A_23 = arith.constant 256 : i32
    %add3A_24 = arith.addi %mul3A_0, %add3A_23 : i32
    "tpu.region"() ({
      %run_scoped3A = tpu.sem_alloc : memref<!tpu.dma_semaphore, #tpu.memory_space<semaphore_mem>>
      %dma_start3A_70 = arith.constant 0 : i32
      %dma_start3A_71 = arith.constant 0 : i32
      %dma_start3A_72 = tpu.memref_slice %arg10[%dma_start3A_70, %dma_start3A_71] : memref<192x128xf32, #tpu.memory_space<vmem>> -> memref<64x128xf32, #tpu.memory_space<vmem>>
      %dma_start3A_73 = arith.constant 0 : i32
      %dma_start3A_74 = tpu.memref_slice %arg11[%add3A_24, %dma_start3A_73] : memref<10240x128xf32, #tpu.memory_space<vmem_shared>> -> memref<64x128xf32, #tpu.memory_space<vmem_shared>>
      %dma_start3A_75 = arith.constant 0 : i32
      %dma_start3A_76 = tpu.memref_slice %arg11[%add3A_24, %dma_start3A_75] : memref<10240x128xf32, #tpu.memory_space<vmem_shared>> -> memref<64x128xf32, #tpu.memory_space<vmem_shared>>
      %dma_start3A_77 = arith.constant 0 : i32
      %dma_start3A_78 = arith.constant 0 : i32
      %dma_start3A_79 = tpu.memref_slice %arg10[%dma_start3A_77, %dma_start3A_78] : memref<192x128xf32, #tpu.memory_space<vmem>> -> memref<64x128xf32, #tpu.memory_space<vmem>>
      tpu.enqueue_dma source(%dma_start3A_79 : memref<64x128xf32, #tpu.memory_space<vmem>>) target(%dma_start3A_76 : memref<64x128xf32, #tpu.memory_space<vmem_shared>>) target_semaphore(%run_scoped3A : memref<!tpu.dma_semaphore, #tpu.memory_space<semaphore_mem>>)
      %dma_wait3A_80 = arith.constant 0 : i32
      %dma_wait3A_81 = arith.constant 0 : i32
      %dma_wait3A_82 = tpu.memref_slice %arg10[%dma_wait3A_80, %dma_wait3A_81] : memref<192x128xf32, #tpu.memory_space<vmem>> -> memref<64x128xf32, #tpu.memory_space<vmem>>
      %dma_wait3A_83 = arith.constant 0 : i32
      %dma_wait3A_84 = tpu.memref_slice %arg11[%add3A_24, %dma_wait3A_83] : memref<10240x128xf32, #tpu.memory_space<vmem_shared>> -> memref<64x128xf32, #tpu.memory_space<vmem_shared>>
      %dma_wait3A_85 = arith.constant 0 : i32
      %dma_wait3A_86 = tpu.memref_slice %arg11[%add3A_24, %dma_wait3A_85] : memref<10240x128xf32, #tpu.memory_space<vmem_shared>> -> memref<64x128xf32, #tpu.memory_space<vmem_shared>>
      %dma_wait3A_87 = arith.constant 0 : i32
      %dma_wait3A_88 = arith.constant 0 : i32
      %dma_wait3A_89 = tpu.memref_slice %arg10[%dma_wait3A_87, %dma_wait3A_88] : memref<192x128xf32, #tpu.memory_space<vmem>> -> memref<64x128xf32, #tpu.memory_space<vmem>>
      tpu.wait_dma2 semaphore(%run_scoped3A : memref<!tpu.dma_semaphore, #tpu.memory_space<semaphore_mem>>) src(%dma_wait3A_89 : memref<64x128xf32, #tpu.memory_space<vmem>>) dst(%dma_wait3A_86 : memref<64x128xf32, #tpu.memory_space<vmem_shared>>)
      tpu.yield
    }) : () -> ()
    %add3A_25 = arith.constant 320 : i32
    %add3A_26 = arith.addi %mul3A_0, %add3A_25 : i32
    "tpu.region"() ({
      %run_scoped3A = tpu.sem_alloc : memref<!tpu.dma_semaphore, #tpu.memory_space<semaphore_mem>>
      %dma_start3A_70 = arith.constant 0 : i32
      %dma_start3A_71 = arith.constant 0 : i32
      %dma_start3A_72 = tpu.memref_slice %arg10[%dma_start3A_70, %dma_start3A_71] : memref<192x128xf32, #tpu.memory_space<vmem>> -> memref<64x128xf32, #tpu.memory_space<vmem>>
      %dma_start3A_73 = arith.constant 0 : i32
      %dma_start3A_74 = tpu.memref_slice %arg11[%add3A_26, %dma_start3A_73] : memref<10240x128xf32, #tpu.memory_space<vmem_shared>> -> memref<64x128xf32, #tpu.memory_space<vmem_shared>>
      %dma_start3A_75 = arith.constant 0 : i32
      %dma_start3A_76 = tpu.memref_slice %arg11[%add3A_26, %dma_start3A_75] : memref<10240x128xf32, #tpu.memory_space<vmem_shared>> -> memref<64x128xf32, #tpu.memory_space<vmem_shared>>
      %dma_start3A_77 = arith.constant 0 : i32
      %dma_start3A_78 = arith.constant 0 : i32
      %dma_start3A_79 = tpu.memref_slice %arg10[%dma_start3A_77, %dma_start3A_78] : memref<192x128xf32, #tpu.memory_space<vmem>> -> memref<64x128xf32, #tpu.memory_space<vmem>>
      tpu.enqueue_dma source(%dma_start3A_79 : memref<64x128xf32, #tpu.memory_space<vmem>>) target(%dma_start3A_76 : memref<64x128xf32, #tpu.memory_space<vmem_shared>>) target_semaphore(%run_scoped3A : memref<!tpu.dma_semaphore, #tpu.memory_space<semaphore_mem>>)
      %dma_wait3A_80 = arith.constant 0 : i32
      %dma_wait3A_81 = arith.constant 0 : i32
      %dma_wait3A_82 = tpu.memref_slice %arg10[%dma_wait3A_80, %dma_wait3A_81] : memref<192x128xf32, #tpu.memory_space<vmem>> -> memref<64x128xf32, #tpu.memory_space<vmem>>
      %dma_wait3A_83 = arith.constant 0 : i32
      %dma_wait3A_84 = tpu.memref_slice %arg11[%add3A_26, %dma_wait3A_83] : memref<10240x128xf32, #tpu.memory_space<vmem_shared>> -> memref<64x128xf32, #tpu.memory_space<vmem_shared>>
      %dma_wait3A_85 = arith.constant 0 : i32
      %dma_wait3A_86 = tpu.memref_slice %arg11[%add3A_26, %dma_wait3A_85] : memref<10240x128xf32, #tpu.memory_space<vmem_shared>> -> memref<64x128xf32, #tpu.memory_space<vmem_shared>>
      %dma_wait3A_87 = arith.constant 0 : i32
      %dma_wait3A_88 = arith.constant 0 : i32
      %dma_wait3A_89 = tpu.memref_slice %arg10[%dma_wait3A_87, %dma_wait3A_88] : memref<192x128xf32, #tpu.memory_space<vmem>> -> memref<64x128xf32, #tpu.memory_space<vmem>>
      tpu.wait_dma2 semaphore(%run_scoped3A : memref<!tpu.dma_semaphore, #tpu.memory_space<semaphore_mem>>) src(%dma_wait3A_89 : memref<64x128xf32, #tpu.memory_space<vmem>>) dst(%dma_wait3A_86 : memref<64x128xf32, #tpu.memory_space<vmem_shared>>)
      tpu.yield
    }) : () -> ()
    %add3A_27 = arith.constant 384 : i32
    %add3A_28 = arith.addi %mul3A_0, %add3A_27 : i32
    "tpu.region"() ({
      %run_scoped3A = tpu.sem_alloc : memref<!tpu.dma_semaphore, #tpu.memory_space<semaphore_mem>>
      %dma_start3A_70 = arith.constant 0 : i32
      %dma_start3A_71 = arith.constant 0 : i32
      %dma_start3A_72 = tpu.memref_slice %arg10[%dma_start3A_70, %dma_start3A_71] : memref<192x128xf32, #tpu.memory_space<vmem>> -> memref<64x128xf32, #tpu.memory_space<vmem>>
      %dma_start3A_73 = arith.constant 0 : i32
      %dma_start3A_74 = tpu.memref_slice %arg11[%add3A_28, %dma_start3A_73] : memref<10240x128xf32, #tpu.memory_space<vmem_shared>> -> memref<64x128xf32, #tpu.memory_space<vmem_shared>>
      %dma_start3A_75 = arith.constant 0 : i32
      %dma_start3A_76 = tpu.memref_slice %arg11[%add3A_28, %dma_start3A_75] : memref<10240x128xf32, #tpu.memory_space<vmem_shared>> -> memref<64x128xf32, #tpu.memory_space<vmem_shared>>
      %dma_start3A_77 = arith.constant 0 : i32
      %dma_start3A_78 = arith.constant 0 : i32
      %dma_start3A_79 = tpu.memref_slice %arg10[%dma_start3A_77, %dma_start3A_78] : memref<192x128xf32, #tpu.memory_space<vmem>> -> memref<64x128xf32, #tpu.memory_space<vmem>>
      tpu.enqueue_dma source(%dma_start3A_79 : memref<64x128xf32, #tpu.memory_space<vmem>>) target(%dma_start3A_76 : memref<64x128xf32, #tpu.memory_space<vmem_shared>>) target_semaphore(%run_scoped3A : memref<!tpu.dma_semaphore, #tpu.memory_space<semaphore_mem>>)
      %dma_wait3A_80 = arith.constant 0 : i32
      %dma_wait3A_81 = arith.constant 0 : i32
      %dma_wait3A_82 = tpu.memref_slice %arg10[%dma_wait3A_80, %dma_wait3A_81] : memref<192x128xf32, #tpu.memory_space<vmem>> -> memref<64x128xf32, #tpu.memory_space<vmem>>
      %dma_wait3A_83 = arith.constant 0 : i32
      %dma_wait3A_84 = tpu.memref_slice %arg11[%add3A_28, %dma_wait3A_83] : memref<10240x128xf32, #tpu.memory_space<vmem_shared>> -> memref<64x128xf32, #tpu.memory_space<vmem_shared>>
      %dma_wait3A_85 = arith.constant 0 : i32
      %dma_wait3A_86 = tpu.memref_slice %arg11[%add3A_28, %dma_wait3A_85] : memref<10240x128xf32, #tpu.memory_space<vmem_shared>> -> memref<64x128xf32, #tpu.memory_space<vmem_shared>>
      %dma_wait3A_87 = arith.constant 0 : i32
      %dma_wait3A_88 = arith.constant 0 : i32
      %dma_wait3A_89 = tpu.memref_slice %arg10[%dma_wait3A_87, %dma_wait3A_88] : memref<192x128xf32, #tpu.memory_space<vmem>> -> memref<64x128xf32, #tpu.memory_space<vmem>>
      tpu.wait_dma2 semaphore(%run_scoped3A : memref<!tpu.dma_semaphore, #tpu.memory_space<semaphore_mem>>) src(%dma_wait3A_89 : memref<64x128xf32, #tpu.memory_space<vmem>>) dst(%dma_wait3A_86 : memref<64x128xf32, #tpu.memory_space<vmem_shared>>)
      tpu.yield
    }) : () -> ()
    %add3A_29 = arith.constant 448 : i32
    %add3A_30 = arith.addi %mul3A_0, %add3A_29 : i32
    "tpu.region"() ({
      %run_scoped3A = tpu.sem_alloc : memref<!tpu.dma_semaphore, #tpu.memory_space<semaphore_mem>>
      %dma_start3A_70 = arith.constant 0 : i32
      %dma_start3A_71 = arith.constant 0 : i32
      %dma_start3A_72 = tpu.memref_slice %arg10[%dma_start3A_70, %dma_start3A_71] : memref<192x128xf32, #tpu.memory_space<vmem>> -> memref<64x128xf32, #tpu.memory_space<vmem>>
      %dma_start3A_73 = arith.constant 0 : i32
      %dma_start3A_74 = tpu.memref_slice %arg11[%add3A_30, %dma_start3A_73] : memref<10240x128xf32, #tpu.memory_space<vmem_shared>> -> memref<64x128xf32, #tpu.memory_space<vmem_shared>>
      %dma_start3A_75 = arith.constant 0 : i32
      %dma_start3A_76 = tpu.memref_slice %arg11[%add3A_30, %dma_start3A_75] : memref<10240x128xf32, #tpu.memory_space<vmem_shared>> -> memref<64x128xf32, #tpu.memory_space<vmem_shared>>
      %dma_start3A_77 = arith.constant 0 : i32
      %dma_start3A_78 = arith.constant 0 : i32
      %dma_start3A_79 = tpu.memref_slice %arg10[%dma_start3A_77, %dma_start3A_78] : memref<192x128xf32, #tpu.memory_space<vmem>> -> memref<64x128xf32, #tpu.memory_space<vmem>>
      tpu.enqueue_dma source(%dma_start3A_79 : memref<64x128xf32, #tpu.memory_space<vmem>>) target(%dma_start3A_76 : memref<64x128xf32, #tpu.memory_space<vmem_shared>>) target_semaphore(%run_scoped3A : memref<!tpu.dma_semaphore, #tpu.memory_space<semaphore_mem>>)
      %dma_wait3A_80 = arith.constant 0 : i32
      %dma_wait3A_81 = arith.constant 0 : i32
      %dma_wait3A_82 = tpu.memref_slice %arg10[%dma_wait3A_80, %dma_wait3A_81] : memref<192x128xf32, #tpu.memory_space<vmem>> -> memref<64x128xf32, #tpu.memory_space<vmem>>
      %dma_wait3A_83 = arith.constant 0 : i32
      %dma_wait3A_84 = tpu.memref_slice %arg11[%add3A_30, %dma_wait3A_83] : memref<10240x128xf32, #tpu.memory_space<vmem_shared>> -> memref<64x128xf32, #tpu.memory_space<vmem_shared>>
      %dma_wait3A_85 = arith.constant 0 : i32
      %dma_wait3A_86 = tpu.memref_slice %arg11[%add3A_30, %dma_wait3A_85] : memref<10240x128xf32, #tpu.memory_space<vmem_shared>> -> memref<64x128xf32, #tpu.memory_space<vmem_shared>>
      %dma_wait3A_87 = arith.constant 0 : i32
      %dma_wait3A_88 = arith.constant 0 : i32
      %dma_wait3A_89 = tpu.memref_slice %arg10[%dma_wait3A_87, %dma_wait3A_88] : memref<192x128xf32, #tpu.memory_space<vmem>> -> memref<64x128xf32, #tpu.memory_space<vmem>>
      tpu.wait_dma2 semaphore(%run_scoped3A : memref<!tpu.dma_semaphore, #tpu.memory_space<semaphore_mem>>) src(%dma_wait3A_89 : memref<64x128xf32, #tpu.memory_space<vmem>>) dst(%dma_wait3A_86 : memref<64x128xf32, #tpu.memory_space<vmem_shared>>)
      tpu.yield
    }) : () -> ()
    %add3A_31 = arith.constant 512 : i32
    %add3A_32 = arith.addi %mul3A_0, %add3A_31 : i32
    "tpu.region"() ({
      %run_scoped3A = tpu.sem_alloc : memref<!tpu.dma_semaphore, #tpu.memory_space<semaphore_mem>>
      %dma_start3A_70 = arith.constant 0 : i32
      %dma_start3A_71 = arith.constant 0 : i32
      %dma_start3A_72 = tpu.memref_slice %arg10[%dma_start3A_70, %dma_start3A_71] : memref<192x128xf32, #tpu.memory_space<vmem>> -> memref<64x128xf32, #tpu.memory_space<vmem>>
      %dma_start3A_73 = arith.constant 0 : i32
      %dma_start3A_74 = tpu.memref_slice %arg11[%add3A_32, %dma_start3A_73] : memref<10240x128xf32, #tpu.memory_space<vmem_shared>> -> memref<64x128xf32, #tpu.memory_space<vmem_shared>>
      %dma_start3A_75 = arith.constant 0 : i32
      %dma_start3A_76 = tpu.memref_slice %arg11[%add3A_32, %dma_start3A_75] : memref<10240x128xf32, #tpu.memory_space<vmem_shared>> -> memref<64x128xf32, #tpu.memory_space<vmem_shared>>
      %dma_start3A_77 = arith.constant 0 : i32
      %dma_start3A_78 = arith.constant 0 : i32
      %dma_start3A_79 = tpu.memref_slice %arg10[%dma_start3A_77, %dma_start3A_78] : memref<192x128xf32, #tpu.memory_space<vmem>> -> memref<64x128xf32, #tpu.memory_space<vmem>>
      tpu.enqueue_dma source(%dma_start3A_79 : memref<64x128xf32, #tpu.memory_space<vmem>>) target(%dma_start3A_76 : memref<64x128xf32, #tpu.memory_space<vmem_shared>>) target_semaphore(%run_scoped3A : memref<!tpu.dma_semaphore, #tpu.memory_space<semaphore_mem>>)
      %dma_wait3A_80 = arith.constant 0 : i32
      %dma_wait3A_81 = arith.constant 0 : i32
      %dma_wait3A_82 = tpu.memref_slice %arg10[%dma_wait3A_80, %dma_wait3A_81] : memref<192x128xf32, #tpu.memory_space<vmem>> -> memref<64x128xf32, #tpu.memory_space<vmem>>
      %dma_wait3A_83 = arith.constant 0 : i32
      %dma_wait3A_84 = tpu.memref_slice %arg11[%add3A_32, %dma_wait3A_83] : memref<10240x128xf32, #tpu.memory_space<vmem_shared>> -> memref<64x128xf32, #tpu.memory_space<vmem_shared>>
      %dma_wait3A_85 = arith.constant 0 : i32
      %dma_wait3A_86 = tpu.memref_slice %arg11[%add3A_32, %dma_wait3A_85] : memref<10240x128xf32, #tpu.memory_space<vmem_shared>> -> memref<64x128xf32, #tpu.memory_space<vmem_shared>>
      %dma_wait3A_87 = arith.constant 0 : i32
      %dma_wait3A_88 = arith.constant 0 : i32
      %dma_wait3A_89 = tpu.memref_slice %arg10[%dma_wait3A_87, %dma_wait3A_88] : memref<192x128xf32, #tpu.memory_space<vmem>> -> memref<64x128xf32, #tpu.memory_space<vmem>>
      tpu.wait_dma2 semaphore(%run_scoped3A : memref<!tpu.dma_semaphore, #tpu.memory_space<semaphore_mem>>) src(%dma_wait3A_89 : memref<64x128xf32, #tpu.memory_space<vmem>>) dst(%dma_wait3A_86 : memref<64x128xf32, #tpu.memory_space<vmem_shared>>)
      tpu.yield
    }) : () -> ()
    %add3A_33 = arith.constant 576 : i32
    %add3A_34 = arith.addi %mul3A_0, %add3A_33 : i32
    "tpu.region"() ({
      %run_scoped3A = tpu.sem_alloc : memref<!tpu.dma_semaphore, #tpu.memory_space<semaphore_mem>>
      %dma_start3A_70 = arith.constant 0 : i32
      %dma_start3A_71 = arith.constant 0 : i32
      %dma_start3A_72 = tpu.memref_slice %arg10[%dma_start3A_70, %dma_start3A_71] : memref<192x128xf32, #tpu.memory_space<vmem>> -> memref<64x128xf32, #tpu.memory_space<vmem>>
      %dma_start3A_73 = arith.constant 0 : i32
      %dma_start3A_74 = tpu.memref_slice %arg11[%add3A_34, %dma_start3A_73] : memref<10240x128xf32, #tpu.memory_space<vmem_shared>> -> memref<64x128xf32, #tpu.memory_space<vmem_shared>>
      %dma_start3A_75 = arith.constant 0 : i32
      %dma_start3A_76 = tpu.memref_slice %arg11[%add3A_34, %dma_start3A_75] : memref<10240x128xf32, #tpu.memory_space<vmem_shared>> -> memref<64x128xf32, #tpu.memory_space<vmem_shared>>
      %dma_start3A_77 = arith.constant 0 : i32
      %dma_start3A_78 = arith.constant 0 : i32
      %dma_start3A_79 = tpu.memref_slice %arg10[%dma_start3A_77, %dma_start3A_78] : memref<192x128xf32, #tpu.memory_space<vmem>> -> memref<64x128xf32, #tpu.memory_space<vmem>>
      tpu.enqueue_dma source(%dma_start3A_79 : memref<64x128xf32, #tpu.memory_space<vmem>>) target(%dma_start3A_76 : memref<64x128xf32, #tpu.memory_space<vmem_shared>>) target_semaphore(%run_scoped3A : memref<!tpu.dma_semaphore, #tpu.memory_space<semaphore_mem>>)
      %dma_wait3A_80 = arith.constant 0 : i32
      %dma_wait3A_81 = arith.constant 0 : i32
      %dma_wait3A_82 = tpu.memref_slice %arg10[%dma_wait3A_80, %dma_wait3A_81] : memref<192x128xf32, #tpu.memory_space<vmem>> -> memref<64x128xf32, #tpu.memory_space<vmem>>
      %dma_wait3A_83 = arith.constant 0 : i32
      %dma_wait3A_84 = tpu.memref_slice %arg11[%add3A_34, %dma_wait3A_83] : memref<10240x128xf32, #tpu.memory_space<vmem_shared>> -> memref<64x128xf32, #tpu.memory_space<vmem_shared>>
      %dma_wait3A_85 = arith.constant 0 : i32
      %dma_wait3A_86 = tpu.memref_slice %arg11[%add3A_34, %dma_wait3A_85] : memref<10240x128xf32, #tpu.memory_space<vmem_shared>> -> memref<64x128xf32, #tpu.memory_space<vmem_shared>>
      %dma_wait3A_87 = arith.constant 0 : i32
      %dma_wait3A_88 = arith.constant 0 : i32
      %dma_wait3A_89 = tpu.memref_slice %arg10[%dma_wait3A_87, %dma_wait3A_88] : memref<192x128xf32, #tpu.memory_space<vmem>> -> memref<64x128xf32, #tpu.memory_space<vmem>>
      tpu.wait_dma2 semaphore(%run_scoped3A : memref<!tpu.dma_semaphore, #tpu.memory_space<semaphore_mem>>) src(%dma_wait3A_89 : memref<64x128xf32, #tpu.memory_space<vmem>>) dst(%dma_wait3A_86 : memref<64x128xf32, #tpu.memory_space<vmem_shared>>)
      tpu.yield
    }) : () -> ()
    %barrier3A = arith.constant 0 : index
    tpu.barrier barrier_id(%barrier3A)
    %dma_start3A = arith.constant 0 : i32
    %dma_start3A_35 = arith.constant 0 : i32
    %dma_start3A_36 = arith.constant 0 : i32
    %dma_start3A_37 = tpu.memref_slice %arg10[%dma_start3A_35, %dma_start3A_36] : memref<192x128xf32, #tpu.memory_space<vmem>> -> memref<96x128xf32, #tpu.memory_space<vmem>>
    %dma_start3A_38 = arith.constant 0 : i32
    %dma_start3A_39 = tpu.memref_slice %arg7[%dma_start3A, %dma_start3A_38] : memref<50x96xi32, #tpu.memory_space<vmem>> -> memref<1x96xi32, #tpu.memory_space<vmem>>
    %dma_start3A_40 = tpu.memref_squeeze %dma_start3A_39 : memref<1x96xi32, #tpu.memory_space<vmem>> -> memref<96xi32, #tpu.memory_space<vmem>>
    %dma_start3A_41 = arith.constant 0 : i32
    %dma_start3A_42 = arith.constant 0 : i32
    %dma_start3A_43 = tpu.memref_slice %arg2[%dma_start3A_41, %dma_start3A_42] : memref<61440x128xf32, #tpu.memory_space<hbm>> -> memref<61440x128xf32, #tpu.memory_space<hbm>>
    tpu.enqueue_indirect_dma source(%dma_start3A_43 : memref<61440x128xf32, #tpu.memory_space<hbm>>) target(%dma_start3A_37 : memref<96x128xf32, #tpu.memory_space<vmem>>) offsets(%dma_start3A_40 : memref<96xi32, #tpu.memory_space<vmem>>) semaphore(%arg12 : memref<!tpu.dma_semaphore, #tpu.memory_space<semaphore_mem>>)
    %scan3A_44 = arith.constant 0 : i32
    %scan3A_45 = arith.constant 0 : i32
    %scan3A_46 = arith.constant 25 : i32
    %scan3A_47 = arith.addi %scan3A_45, %scan3A_46 : i32
    %scan3A_48 = arith.constant 1 : i32
    scf.for %scan3A_70 = %scan3A_45 to %scan3A_47 step %scan3A_48  : i32 {
      %mul3A_71 = arith.constant 2 : i32
      %mul3A_72 = arith.muli %scan3A_70, %mul3A_71 : i32
      %add3A_73 = arith.constant 0 : i32
      %add3A_74 = arith.addi %mul3A_72, %add3A_73 : i32
      %dma_wait3A_75 = arith.constant 0 : i32
      %dma_wait3A_76 = arith.constant 0 : i32
      %dma_wait3A_77 = tpu.memref_slice %arg10[%dma_wait3A_75, %dma_wait3A_76] : memref<192x128xf32, #tpu.memory_space<vmem>> -> memref<96x128xf32, #tpu.memory_space<vmem>>
      %dma_wait3A_78 = arith.constant 0 : i32
      %dma_wait3A_79 = tpu.memref_slice %arg7[%add3A_74, %dma_wait3A_78] : memref<50x96xi32, #tpu.memory_space<vmem>> -> memref<1x96xi32, #tpu.memory_space<vmem>>
      %dma_wait3A_80 = tpu.memref_squeeze %dma_wait3A_79 : memref<1x96xi32, #tpu.memory_space<vmem>> -> memref<96xi32, #tpu.memory_space<vmem>>
      %dma_wait3A_81 = arith.constant 0 : i32
      %dma_wait3A_82 = arith.constant 0 : i32
      %dma_wait3A_83 = tpu.memref_slice %arg2[%dma_wait3A_81, %dma_wait3A_82] : memref<61440x128xf32, #tpu.memory_space<hbm>> -> memref<61440x128xf32, #tpu.memory_space<hbm>>
      tpu.wait_indirect_dma semaphore(%arg12 : memref<!tpu.dma_semaphore, #tpu.memory_space<semaphore_mem>>) src(%dma_wait3A_83 : memref<61440x128xf32, #tpu.memory_space<hbm>>) dst(%dma_wait3A_77 : memref<96x128xf32, #tpu.memory_space<vmem>>)
      %add3A_84 = arith.constant 1 : i32
      %add3A_85 = arith.addi %add3A_74, %add3A_84 : i32
      %lt3A = arith.constant 50 : i32
      %lt3A_86 = arith.cmpi slt, %add3A_85, %lt3A : i32
      %convert_element_type3A = arith.extui %lt3A_86 : i1 to i32
      %cond3A = arith.constant 0 : i32
      %cond3A_87 = arith.cmpi ne, %convert_element_type3A, %cond3A : i32
      scf.if %cond3A_87 {
        %ge3A = arith.constant 1 : i32
        %ge3A_142 = arith.cmpi sge, %add3A_74, %ge3A : i32
        %convert_element_type3A_143 = arith.extui %ge3A_142 : i1 to i32
        %cond3A_144 = arith.constant 0 : i32
        %cond3A_145 = arith.cmpi ne, %convert_element_type3A_143, %cond3A_144 : i32
        scf.if %cond3A_145 {
          %dma_wait3A_157 = arith.constant 96 : i32
          %dma_wait3A_158 = arith.constant 0 : i32
          %dma_wait3A_159 = tpu.memref_slice %arg10[%dma_wait3A_157, %dma_wait3A_158] : memref<192x128xf32, #tpu.memory_space<vmem>> -> memref<96x128xf32, #tpu.memory_space<vmem>>
          %dma_wait3A_160 = arith.constant 0 : i32
          %dma_wait3A_161 = tpu.memref_slice %arg8[%add3A_74, %dma_wait3A_160] : memref<50x96xi32, #tpu.memory_space<vmem>> -> memref<1x96xi32, #tpu.memory_space<vmem>>
          %dma_wait3A_162 = tpu.memref_squeeze %dma_wait3A_161 : memref<1x96xi32, #tpu.memory_space<vmem>> -> memref<96xi32, #tpu.memory_space<vmem>>
          %dma_wait3A_163 = arith.constant 0 : i32
          %dma_wait3A_164 = arith.constant 0 : i32
          %dma_wait3A_165 = tpu.memref_slice %arg11[%dma_wait3A_163, %dma_wait3A_164] : memref<10240x128xf32, #tpu.memory_space<vmem_shared>> -> memref<10240x128xf32, #tpu.memory_space<vmem_shared>>
          tpu.wait_indirect_dma semaphore(%arg15 : memref<!tpu.dma_semaphore, #tpu.memory_space<semaphore_mem>>) src(%dma_wait3A_159 : memref<96x128xf32, #tpu.memory_space<vmem>>) dst(%dma_wait3A_165 : memref<10240x128xf32, #tpu.memory_space<vmem_shared>>)
        } else {
        }
        %add3A_146 = arith.constant 1 : i32
        %add3A_147 = arith.addi %add3A_74, %add3A_146 : i32
        %dma_start3A_148 = arith.constant 96 : i32
        %dma_start3A_149 = arith.constant 0 : i32
        %dma_start3A_150 = tpu.memref_slice %arg10[%dma_start3A_148, %dma_start3A_149] : memref<192x128xf32, #tpu.memory_space<vmem>> -> memref<96x128xf32, #tpu.memory_space<vmem>>
        %dma_start3A_151 = arith.constant 0 : i32
        %dma_start3A_152 = tpu.memref_slice %arg7[%add3A_147, %dma_start3A_151] : memref<50x96xi32, #tpu.memory_space<vmem>> -> memref<1x96xi32, #tpu.memory_space<vmem>>
        %dma_start3A_153 = tpu.memref_squeeze %dma_start3A_152 : memref<1x96xi32, #tpu.memory_space<vmem>> -> memref<96xi32, #tpu.memory_space<vmem>>
        %dma_start3A_154 = arith.constant 0 : i32
        %dma_start3A_155 = arith.constant 0 : i32
        %dma_start3A_156 = tpu.memref_slice %arg2[%dma_start3A_154, %dma_start3A_155] : memref<61440x128xf32, #tpu.memory_space<hbm>> -> memref<61440x128xf32, #tpu.memory_space<hbm>>
        tpu.enqueue_indirect_dma source(%dma_start3A_156 : memref<61440x128xf32, #tpu.memory_space<hbm>>) target(%dma_start3A_150 : memref<96x128xf32, #tpu.memory_space<vmem>>) offsets(%dma_start3A_153 : memref<96xi32, #tpu.memory_space<vmem>>) semaphore(%arg13 : memref<!tpu.dma_semaphore, #tpu.memory_space<semaphore_mem>>)
      } else {
      }
      %mul3A_88 = arith.constant 96 : i32
      %mul3A_89 = arith.muli %add3A_74, %mul3A_88 : i32
      %scan3A_90 = arith.constant 0 : i32
      %scan3A_91 = arith.constant 0 : i32
      %scan3A_92 = arith.constant 24 : i32
      %scan3A_93 = arith.addi %scan3A_91, %scan3A_92 : i32
      %scan3A_94 = arith.constant 1 : i32
      scf.for %scan3A_142 = %scan3A_91 to %scan3A_93 step %scan3A_94  : i32 {
        %mul3A_143 = arith.constant 4 : i32
        %mul3A_144 = arith.muli %scan3A_142, %mul3A_143 : i32
        %add3A_145 = arith.addi %mul3A_89, %mul3A_144 : i32
        %broadcast_in_dim3A_146 = vector.broadcast %add3A_145 : i32 to vector<16xi32>
        %gather3A = tpu.vector_load_idx %arg9[%broadcast_in_dim3A_146] : memref<4800xf32, #tpu.memory_space<vmem>>[vector<16xi32>], vector<16xf32>,
        %add3A_147 = arith.addi %mul3A_89, %mul3A_144 : i32
        %add3A_148 = arith.constant 1 : i32
        %add3A_149 = arith.addi %add3A_147, %add3A_148 : i32
        %broadcast_in_dim3A_150 = vector.broadcast %add3A_149 : i32 to vector<16xi32>
        %gather3A_151 = tpu.vector_load_idx %arg9[%broadcast_in_dim3A_150] : memref<4800xf32, #tpu.memory_space<vmem>>[vector<16xi32>], vector<16xf32>,
        %add3A_152 = arith.addi %mul3A_89, %mul3A_144 : i32
        %add3A_153 = arith.constant 2 : i32
        %add3A_154 = arith.addi %add3A_152, %add3A_153 : i32
        %broadcast_in_dim3A_155 = vector.broadcast %add3A_154 : i32 to vector<16xi32>
        %gather3A_156 = tpu.vector_load_idx %arg9[%broadcast_in_dim3A_155] : memref<4800xf32, #tpu.memory_space<vmem>>[vector<16xi32>], vector<16xf32>,
        %add3A_157 = arith.addi %mul3A_89, %mul3A_144 : i32
        %add3A_158 = arith.constant 3 : i32
        %add3A_159 = arith.addi %add3A_157, %add3A_158 : i32
        %broadcast_in_dim3A_160 = vector.broadcast %add3A_159 : i32 to vector<16xi32>
        %gather3A_161 = tpu.vector_load_idx %arg9[%broadcast_in_dim3A_160] : memref<4800xf32, #tpu.memory_space<vmem>>[vector<16xi32>], vector<16xf32>,
        %get3A = arith.constant 0 : i32
        %get3A_162 = arith.constant 0 : i32
        %get3A_163 = tpu.memref_slice %arg10[%get3A, %get3A_162] : memref<192x128xf32, #tpu.memory_space<vmem>> -> memref<96x128xf32, #tpu.memory_space<vmem>>
        %get3A_164 = arith.index_cast %mul3A_144 : i32 to index
        %get3A_165 = arith.constant 0 : index
        %get3A_166 = tpu.vector_load %get3A_163[%get3A_164, %get3A_165] {strides = array<i32>} : memref<96x128xf32, #tpu.memory_space<vmem>>, vector<16xf32>,
        %mul3A_167 = arith.mulf %get3A_166, %gather3A : vector<16xf32>
        %swap3A = arith.constant 0 : i32
        %swap3A_168 = arith.constant 0 : i32
        %swap3A_169 = tpu.memref_slice %arg10[%swap3A, %swap3A_168] : memref<192x128xf32, #tpu.memory_space<vmem>> -> memref<96x128xf32, #tpu.memory_space<vmem>>
        %swap3A_170 = arith.index_cast %mul3A_144 : i32 to index
        %swap3A_171 = arith.constant 0 : index
        %swap3A_172 = tpu.vector_load %swap3A_169[%swap3A_170, %swap3A_171] {strides = array<i32>} : memref<96x128xf32, #tpu.memory_space<vmem>>, vector<16xf32>,
        tpu.vector_store %swap3A_169[%swap3A_170, %swap3A_171], %mul3A_167 {strides = array<i32>} : memref<96x128xf32, #tpu.memory_space<vmem>>, vector<16xf32>,
        %add3A_173 = arith.constant 1 : i32
        %add3A_174 = arith.addi %mul3A_144, %add3A_173 : i32
        %get3A_175 = arith.constant 0 : i32
        %get3A_176 = arith.constant 0 : i32
        %get3A_177 = tpu.memref_slice %arg10[%get3A_175, %get3A_176] : memref<192x128xf32, #tpu.memory_space<vmem>> -> memref<96x128xf32, #tpu.memory_space<vmem>>
        %get3A_178 = arith.index_cast %add3A_174 : i32 to index
        %get3A_179 = arith.constant 0 : index
        %get3A_180 = tpu.vector_load %get3A_177[%get3A_178, %get3A_179] {strides = array<i32>} : memref<96x128xf32, #tpu.memory_space<vmem>>, vector<16xf32>,
        %mul3A_181 = arith.mulf %get3A_180, %gather3A_151 : vector<16xf32>
        %add3A_182 = arith.constant 1 : i32
        %add3A_183 = arith.addi %mul3A_144, %add3A_182 : i32
        %swap3A_184 = arith.constant 0 : i32
        %swap3A_185 = arith.constant 0 : i32
        %swap3A_186 = tpu.memref_slice %arg10[%swap3A_184, %swap3A_185] : memref<192x128xf32, #tpu.memory_space<vmem>> -> memref<96x128xf32, #tpu.memory_space<vmem>>
        %swap3A_187 = arith.index_cast %add3A_183 : i32 to index
        %swap3A_188 = arith.constant 0 : index
        %swap3A_189 = tpu.vector_load %swap3A_186[%swap3A_187, %swap3A_188] {strides = array<i32>} : memref<96x128xf32, #tpu.memory_space<vmem>>, vector<16xf32>,
        tpu.vector_store %swap3A_186[%swap3A_187, %swap3A_188], %mul3A_181 {strides = array<i32>} : memref<96x128xf32, #tpu.memory_space<vmem>>, vector<16xf32>,
        %add3A_190 = arith.constant 2 : i32
        %add3A_191 = arith.addi %mul3A_144, %add3A_190 : i32
        %get3A_192 = arith.constant 0 : i32
        %get3A_193 = arith.constant 0 : i32
        %get3A_194 = tpu.memref_slice %arg10[%get3A_192, %get3A_193] : memref<192x128xf32, #tpu.memory_space<vmem>> -> memref<96x128xf32, #tpu.memory_space<vmem>>
        %get3A_195 = arith.index_cast %add3A_191 : i32 to index
        %get3A_196 = arith.constant 0 : index
        %get3A_197 = tpu.vector_load %get3A_194[%get3A_195, %get3A_196] {strides = array<i32>} : memref<96x128xf32, #tpu.memory_space<vmem>>, vector<16xf32>,
        %mul3A_198 = arith.mulf %get3A_197, %gather3A_156 : vector<16xf32>
        %add3A_199 = arith.constant 2 : i32
        %add3A_200 = arith.addi %mul3A_144, %add3A_199 : i32
        %swap3A_201 = arith.constant 0 : i32
        %swap3A_202 = arith.constant 0 : i32
        %swap3A_203 = tpu.memref_slice %arg10[%swap3A_201, %swap3A_202] : memref<192x128xf32, #tpu.memory_space<vmem>> -> memref<96x128xf32, #tpu.memory_space<vmem>>
        %swap3A_204 = arith.index_cast %add3A_200 : i32 to index
        %swap3A_205 = arith.constant 0 : index
        %swap3A_206 = tpu.vector_load %swap3A_203[%swap3A_204, %swap3A_205] {strides = array<i32>} : memref<96x128xf32, #tpu.memory_space<vmem>>, vector<16xf32>,
        tpu.vector_store %swap3A_203[%swap3A_204, %swap3A_205], %mul3A_198 {strides = array<i32>} : memref<96x128xf32, #tpu.memory_space<vmem>>, vector<16xf32>,
        %add3A_207 = arith.constant 3 : i32
        %add3A_208 = arith.addi %mul3A_144, %add3A_207 : i32
        %get3A_209 = arith.constant 0 : i32
        %get3A_210 = arith.constant 0 : i32
        %get3A_211 = tpu.memref_slice %arg10[%get3A_209, %get3A_210] : memref<192x128xf32, #tpu.memory_space<vmem>> -> memref<96x128xf32, #tpu.memory_space<vmem>>
        %get3A_212 = arith.index_cast %add3A_208 : i32 to index
        %get3A_213 = arith.constant 0 : index
        %get3A_214 = tpu.vector_load %get3A_211[%get3A_212, %get3A_213] {strides = array<i32>} : memref<96x128xf32, #tpu.memory_space<vmem>>, vector<16xf32>,
        %mul3A_215 = arith.mulf %get3A_214, %gather3A_161 : vector<16xf32>
        %add3A_216 = arith.constant 3 : i32
        %add3A_217 = arith.addi %mul3A_144, %add3A_216 : i32
        %swap3A_218 = arith.constant 0 : i32
        %swap3A_219 = arith.constant 0 : i32
        %swap3A_220 = tpu.memref_slice %arg10[%swap3A_218, %swap3A_219] : memref<192x128xf32, #tpu.memory_space<vmem>> -> memref<96x128xf32, #tpu.memory_space<vmem>>
        %swap3A_221 = arith.index_cast %add3A_217 : i32 to index
        %swap3A_222 = arith.constant 0 : index
        %swap3A_223 = tpu.vector_load %swap3A_220[%swap3A_221, %swap3A_222] {strides = array<i32>} : memref<96x128xf32, #tpu.memory_space<vmem>>, vector<16xf32>,
        tpu.vector_store %swap3A_220[%swap3A_221, %swap3A_222], %mul3A_215 {strides = array<i32>} : memref<96x128xf32, #tpu.memory_space<vmem>>, vector<16xf32>,
        %get3A_224 = arith.constant 0 : i32
        %get3A_225 = arith.constant 0 : i32
        %get3A_226 = tpu.memref_slice %arg10[%get3A_224, %get3A_225] : memref<192x128xf32, #tpu.memory_space<vmem>> -> memref<96x128xf32, #tpu.memory_space<vmem>>
        %get3A_227 = arith.index_cast %mul3A_144 : i32 to index
        %get3A_228 = arith.constant 16 : index
        %get3A_229 = tpu.vector_load %get3A_226[%get3A_227, %get3A_228] {strides = array<i32>} : memref<96x128xf32, #tpu.memory_space<vmem>>, vector<16xf32>,
        %mul3A_230 = arith.mulf %get3A_229, %gather3A : vector<16xf32>
        %swap3A_231 = arith.constant 0 : i32
        %swap3A_232 = arith.constant 0 : i32
        %swap3A_233 = tpu.memref_slice %arg10[%swap3A_231, %swap3A_232] : memref<192x128xf32, #tpu.memory_space<vmem>> -> memref<96x128xf32, #tpu.memory_space<vmem>>
        %swap3A_234 = arith.index_cast %mul3A_144 : i32 to index
        %swap3A_235 = arith.constant 16 : index
        %swap3A_236 = tpu.vector_load %swap3A_233[%swap3A_234, %swap3A_235] {strides = array<i32>} : memref<96x128xf32, #tpu.memory_space<vmem>>, vector<16xf32>,
        tpu.vector_store %swap3A_233[%swap3A_234, %swap3A_235], %mul3A_230 {strides = array<i32>} : memref<96x128xf32, #tpu.memory_space<vmem>>, vector<16xf32>,
        %add3A_237 = arith.constant 1 : i32
        %add3A_238 = arith.addi %mul3A_144, %add3A_237 : i32
        %get3A_239 = arith.constant 0 : i32
        %get3A_240 = arith.constant 0 : i32
        %get3A_241 = tpu.memref_slice %arg10[%get3A_239, %get3A_240] : memref<192x128xf32, #tpu.memory_space<vmem>> -> memref<96x128xf32, #tpu.memory_space<vmem>>
        %get3A_242 = arith.index_cast %add3A_238 : i32 to index
        %get3A_243 = arith.constant 16 : index
        %get3A_244 = tpu.vector_load %get3A_241[%get3A_242, %get3A_243] {strides = array<i32>} : memref<96x128xf32, #tpu.memory_space<vmem>>, vector<16xf32>,
        %mul3A_245 = arith.mulf %get3A_244, %gather3A_151 : vector<16xf32>
        %add3A_246 = arith.constant 1 : i32
        %add3A_247 = arith.addi %mul3A_144, %add3A_246 : i32
        %swap3A_248 = arith.constant 0 : i32
        %swap3A_249 = arith.constant 0 : i32
        %swap3A_250 = tpu.memref_slice %arg10[%swap3A_248, %swap3A_249] : memref<192x128xf32, #tpu.memory_space<vmem>> -> memref<96x128xf32, #tpu.memory_space<vmem>>
        %swap3A_251 = arith.index_cast %add3A_247 : i32 to index
        %swap3A_252 = arith.constant 16 : index
        %swap3A_253 = tpu.vector_load %swap3A_250[%swap3A_251, %swap3A_252] {strides = array<i32>} : memref<96x128xf32, #tpu.memory_space<vmem>>, vector<16xf32>,
        tpu.vector_store %swap3A_250[%swap3A_251, %swap3A_252], %mul3A_245 {strides = array<i32>} : memref<96x128xf32, #tpu.memory_space<vmem>>, vector<16xf32>,
        %add3A_254 = arith.constant 2 : i32
        %add3A_255 = arith.addi %mul3A_144, %add3A_254 : i32
        %get3A_256 = arith.constant 0 : i32
        %get3A_257 = arith.constant 0 : i32
        %get3A_258 = tpu.memref_slice %arg10[%get3A_256, %get3A_257] : memref<192x128xf32, #tpu.memory_space<vmem>> -> memref<96x128xf32, #tpu.memory_space<vmem>>
        %get3A_259 = arith.index_cast %add3A_255 : i32 to index
        %get3A_260 = arith.constant 16 : index
        %get3A_261 = tpu.vector_load %get3A_258[%get3A_259, %get3A_260] {strides = array<i32>} : memref<96x128xf32, #tpu.memory_space<vmem>>, vector<16xf32>,
        %mul3A_262 = arith.mulf %get3A_261, %gather3A_156 : vector<16xf32>
        %add3A_263 = arith.constant 2 : i32
        %add3A_264 = arith.addi %mul3A_144, %add3A_263 : i32
        %swap3A_265 = arith.constant 0 : i32
        %swap3A_266 = arith.constant 0 : i32
        %swap3A_267 = tpu.memref_slice %arg10[%swap3A_265, %swap3A_266] : memref<192x128xf32, #tpu.memory_space<vmem>> -> memref<96x128xf32, #tpu.memory_space<vmem>>
        %swap3A_268 = arith.index_cast %add3A_264 : i32 to index
        %swap3A_269 = arith.constant 16 : index
        %swap3A_270 = tpu.vector_load %swap3A_267[%swap3A_268, %swap3A_269] {strides = array<i32>} : memref<96x128xf32, #tpu.memory_space<vmem>>, vector<16xf32>,
        tpu.vector_store %swap3A_267[%swap3A_268, %swap3A_269], %mul3A_262 {strides = array<i32>} : memref<96x128xf32, #tpu.memory_space<vmem>>, vector<16xf32>,
        %add3A_271 = arith.constant 3 : i32
        %add3A_272 = arith.addi %mul3A_144, %add3A_271 : i32
        %get3A_273 = arith.constant 0 : i32
        %get3A_274 = arith.constant 0 : i32
        %get3A_275 = tpu.memref_slice %arg10[%get3A_273, %get3A_274] : memref<192x128xf32, #tpu.memory_space<vmem>> -> memref<96x128xf32, #tpu.memory_space<vmem>>
        %get3A_276 = arith.index_cast %add3A_272 : i32 to index
        %get3A_277 = arith.constant 16 : index
        %get3A_278 = tpu.vector_load %get3A_275[%get3A_276, %get3A_277] {strides = array<i32>} : memref<96x128xf32, #tpu.memory_space<vmem>>, vector<16xf32>,
        %mul3A_279 = arith.mulf %get3A_278, %gather3A_161 : vector<16xf32>
        %add3A_280 = arith.constant 3 : i32
        %add3A_281 = arith.addi %mul3A_144, %add3A_280 : i32
        %swap3A_282 = arith.constant 0 : i32
        %swap3A_283 = arith.constant 0 : i32
        %swap3A_284 = tpu.memref_slice %arg10[%swap3A_282, %swap3A_283] : memref<192x128xf32, #tpu.memory_space<vmem>> -> memref<96x128xf32, #tpu.memory_space<vmem>>
        %swap3A_285 = arith.index_cast %add3A_281 : i32 to index
        %swap3A_286 = arith.constant 16 : index
        %swap3A_287 = tpu.vector_load %swap3A_284[%swap3A_285, %swap3A_286] {strides = array<i32>} : memref<96x128xf32, #tpu.memory_space<vmem>>, vector<16xf32>,
        tpu.vector_store %swap3A_284[%swap3A_285, %swap3A_286], %mul3A_279 {strides = array<i32>} : memref<96x128xf32, #tpu.memory_space<vmem>>, vector<16xf32>,
        %get3A_288 = arith.constant 0 : i32
        %get3A_289 = arith.constant 0 : i32
        %get3A_290 = tpu.memref_slice %arg10[%get3A_288, %get3A_289] : memref<192x128xf32, #tpu.memory_space<vmem>> -> memref<96x128xf32, #tpu.memory_space<vmem>>
        %get3A_291 = arith.index_cast %mul3A_144 : i32 to index
        %get3A_292 = arith.constant 32 : index
        %get3A_293 = tpu.vector_load %get3A_290[%get3A_291, %get3A_292] {strides = array<i32>} : memref<96x128xf32, #tpu.memory_space<vmem>>, vector<16xf32>,
        %mul3A_294 = arith.mulf %get3A_293, %gather3A : vector<16xf32>
        %swap3A_295 = arith.constant 0 : i32
        %swap3A_296 = arith.constant 0 : i32
        %swap3A_297 = tpu.memref_slice %arg10[%swap3A_295, %swap3A_296] : memref<192x128xf32, #tpu.memory_space<vmem>> -> memref<96x128xf32, #tpu.memory_space<vmem>>
        %swap3A_298 = arith.index_cast %mul3A_144 : i32 to index
        %swap3A_299 = arith.constant 32 : index
        %swap3A_300 = tpu.vector_load %swap3A_297[%swap3A_298, %swap3A_299] {strides = array<i32>} : memref<96x128xf32, #tpu.memory_space<vmem>>, vector<16xf32>,
        tpu.vector_store %swap3A_297[%swap3A_298, %swap3A_299], %mul3A_294 {strides = array<i32>} : memref<96x128xf32, #tpu.memory_space<vmem>>, vector<16xf32>,
        %add3A_301 = arith.constant 1 : i32
        %add3A_302 = arith.addi %mul3A_144, %add3A_301 : i32
        %get3A_303 = arith.constant 0 : i32
        %get3A_304 = arith.constant 0 : i32
        %get3A_305 = tpu.memref_slice %arg10[%get3A_303, %get3A_304] : memref<192x128xf32, #tpu.memory_space<vmem>> -> memref<96x128xf32, #tpu.memory_space<vmem>>
        %get3A_306 = arith.index_cast %add3A_302 : i32 to index
        %get3A_307 = arith.constant 32 : index
        %get3A_308 = tpu.vector_load %get3A_305[%get3A_306, %get3A_307] {strides = array<i32>} : memref<96x128xf32, #tpu.memory_space<vmem>>, vector<16xf32>,
        %mul3A_309 = arith.mulf %get3A_308, %gather3A_151 : vector<16xf32>
        %add3A_310 = arith.constant 1 : i32
        %add3A_311 = arith.addi %mul3A_144, %add3A_310 : i32
        %swap3A_312 = arith.constant 0 : i32
        %swap3A_313 = arith.constant 0 : i32
        %swap3A_314 = tpu.memref_slice %arg10[%swap3A_312, %swap3A_313] : memref<192x128xf32, #tpu.memory_space<vmem>> -> memref<96x128xf32, #tpu.memory_space<vmem>>
        %swap3A_315 = arith.index_cast %add3A_311 : i32 to index
        %swap3A_316 = arith.constant 32 : index
        %swap3A_317 = tpu.vector_load %swap3A_314[%swap3A_315, %swap3A_316] {strides = array<i32>} : memref<96x128xf32, #tpu.memory_space<vmem>>, vector<16xf32>,
        tpu.vector_store %swap3A_314[%swap3A_315, %swap3A_316], %mul3A_309 {strides = array<i32>} : memref<96x128xf32, #tpu.memory_space<vmem>>, vector<16xf32>,
        %add3A_318 = arith.constant 2 : i32
        %add3A_319 = arith.addi %mul3A_144, %add3A_318 : i32
        %get3A_320 = arith.constant 0 : i32
        %get3A_321 = arith.constant 0 : i32
        %get3A_322 = tpu.memref_slice %arg10[%get3A_320, %get3A_321] : memref<192x128xf32, #tpu.memory_space<vmem>> -> memref<96x128xf32, #tpu.memory_space<vmem>>
        %get3A_323 = arith.index_cast %add3A_319 : i32 to index
        %get3A_324 = arith.constant 32 : index
        %get3A_325 = tpu.vector_load %get3A_322[%get3A_323, %get3A_324] {strides = array<i32>} : memref<96x128xf32, #tpu.memory_space<vmem>>, vector<16xf32>,
        %mul3A_326 = arith.mulf %get3A_325, %gather3A_156 : vector<16xf32>
        %add3A_327 = arith.constant 2 : i32
        %add3A_328 = arith.addi %mul3A_144, %add3A_327 : i32
        %swap3A_329 = arith.constant 0 : i32
        %swap3A_330 = arith.constant 0 : i32
        %swap3A_331 = tpu.memref_slice %arg10[%swap3A_329, %swap3A_330] : memref<192x128xf32, #tpu.memory_space<vmem>> -> memref<96x128xf32, #tpu.memory_space<vmem>>
        %swap3A_332 = arith.index_cast %add3A_328 : i32 to index
        %swap3A_333 = arith.constant 32 : index
        %swap3A_334 = tpu.vector_load %swap3A_331[%swap3A_332, %swap3A_333] {strides = array<i32>} : memref<96x128xf32, #tpu.memory_space<vmem>>, vector<16xf32>,
        tpu.vector_store %swap3A_331[%swap3A_332, %swap3A_333], %mul3A_326 {strides = array<i32>} : memref<96x128xf32, #tpu.memory_space<vmem>>, vector<16xf32>,
        %add3A_335 = arith.constant 3 : i32
        %add3A_336 = arith.addi %mul3A_144, %add3A_335 : i32
        %get3A_337 = arith.constant 0 : i32
        %get3A_338 = arith.constant 0 : i32
        %get3A_339 = tpu.memref_slice %arg10[%get3A_337, %get3A_338] : memref<192x128xf32, #tpu.memory_space<vmem>> -> memref<96x128xf32, #tpu.memory_space<vmem>>
        %get3A_340 = arith.index_cast %add3A_336 : i32 to index
        %get3A_341 = arith.constant 32 : index
        %get3A_342 = tpu.vector_load %get3A_339[%get3A_340, %get3A_341] {strides = array<i32>} : memref<96x128xf32, #tpu.memory_space<vmem>>, vector<16xf32>,
        %mul3A_343 = arith.mulf %get3A_342, %gather3A_161 : vector<16xf32>
        %add3A_344 = arith.constant 3 : i32
        %add3A_345 = arith.addi %mul3A_144, %add3A_344 : i32
        %swap3A_346 = arith.constant 0 : i32
        %swap3A_347 = arith.constant 0 : i32
        %swap3A_348 = tpu.memref_slice %arg10[%swap3A_346, %swap3A_347] : memref<192x128xf32, #tpu.memory_space<vmem>> -> memref<96x128xf32, #tpu.memory_space<vmem>>
        %swap3A_349 = arith.index_cast %add3A_345 : i32 to index
        %swap3A_350 = arith.constant 32 : index
        %swap3A_351 = tpu.vector_load %swap3A_348[%swap3A_349, %swap3A_350] {strides = array<i32>} : memref<96x128xf32, #tpu.memory_space<vmem>>, vector<16xf32>,
        tpu.vector_store %swap3A_348[%swap3A_349, %swap3A_350], %mul3A_343 {strides = array<i32>} : memref<96x128xf32, #tpu.memory_space<vmem>>, vector<16xf32>,
        %get3A_352 = arith.constant 0 : i32
        %get3A_353 = arith.constant 0 : i32
        %get3A_354 = tpu.memref_slice %arg10[%get3A_352, %get3A_353] : memref<192x128xf32, #tpu.memory_space<vmem>> -> memref<96x128xf32, #tpu.memory_space<vmem>>
        %get3A_355 = arith.index_cast %mul3A_144 : i32 to index
        %get3A_356 = arith.constant 48 : index
        %get3A_357 = tpu.vector_load %get3A_354[%get3A_355, %get3A_356] {strides = array<i32>} : memref<96x128xf32, #tpu.memory_space<vmem>>, vector<16xf32>,
        %mul3A_358 = arith.mulf %get3A_357, %gather3A : vector<16xf32>
        %swap3A_359 = arith.constant 0 : i32
        %swap3A_360 = arith.constant 0 : i32
        %swap3A_361 = tpu.memref_slice %arg10[%swap3A_359, %swap3A_360] : memref<192x128xf32, #tpu.memory_space<vmem>> -> memref<96x128xf32, #tpu.memory_space<vmem>>
        %swap3A_362 = arith.index_cast %mul3A_144 : i32 to index
        %swap3A_363 = arith.constant 48 : index
        %swap3A_364 = tpu.vector_load %swap3A_361[%swap3A_362, %swap3A_363] {strides = array<i32>} : memref<96x128xf32, #tpu.memory_space<vmem>>, vector<16xf32>,
        tpu.vector_store %swap3A_361[%swap3A_362, %swap3A_363], %mul3A_358 {strides = array<i32>} : memref<96x128xf32, #tpu.memory_space<vmem>>, vector<16xf32>,
        %add3A_365 = arith.constant 1 : i32
        %add3A_366 = arith.addi %mul3A_144, %add3A_365 : i32
        %get3A_367 = arith.constant 0 : i32
        %get3A_368 = arith.constant 0 : i32
        %get3A_369 = tpu.memref_slice %arg10[%get3A_367, %get3A_368] : memref<192x128xf32, #tpu.memory_space<vmem>> -> memref<96x128xf32, #tpu.memory_space<vmem>>
        %get3A_370 = arith.index_cast %add3A_366 : i32 to index
        %get3A_371 = arith.constant 48 : index
        %get3A_372 = tpu.vector_load %get3A_369[%get3A_370, %get3A_371] {strides = array<i32>} : memref<96x128xf32, #tpu.memory_space<vmem>>, vector<16xf32>,
        %mul3A_373 = arith.mulf %get3A_372, %gather3A_151 : vector<16xf32>
        %add3A_374 = arith.constant 1 : i32
        %add3A_375 = arith.addi %mul3A_144, %add3A_374 : i32
        %swap3A_376 = arith.constant 0 : i32
        %swap3A_377 = arith.constant 0 : i32
        %swap3A_378 = tpu.memref_slice %arg10[%swap3A_376, %swap3A_377] : memref<192x128xf32, #tpu.memory_space<vmem>> -> memref<96x128xf32, #tpu.memory_space<vmem>>
        %swap3A_379 = arith.index_cast %add3A_375 : i32 to index
        %swap3A_380 = arith.constant 48 : index
        %swap3A_381 = tpu.vector_load %swap3A_378[%swap3A_379, %swap3A_380] {strides = array<i32>} : memref<96x128xf32, #tpu.memory_space<vmem>>, vector<16xf32>,
        tpu.vector_store %swap3A_378[%swap3A_379, %swap3A_380], %mul3A_373 {strides = array<i32>} : memref<96x128xf32, #tpu.memory_space<vmem>>, vector<16xf32>,
        %add3A_382 = arith.constant 2 : i32
        %add3A_383 = arith.addi %mul3A_144, %add3A_382 : i32
        %get3A_384 = arith.constant 0 : i32
        %get3A_385 = arith.constant 0 : i32
        %get3A_386 = tpu.memref_slice %arg10[%get3A_384, %get3A_385] : memref<192x128xf32, #tpu.memory_space<vmem>> -> memref<96x128xf32, #tpu.memory_space<vmem>>
        %get3A_387 = arith.index_cast %add3A_383 : i32 to index
        %get3A_388 = arith.constant 48 : index
        %get3A_389 = tpu.vector_load %get3A_386[%get3A_387, %get3A_388] {strides = array<i32>} : memref<96x128xf32, #tpu.memory_space<vmem>>, vector<16xf32>,
        %mul3A_390 = arith.mulf %get3A_389, %gather3A_156 : vector<16xf32>
        %add3A_391 = arith.constant 2 : i32
        %add3A_392 = arith.addi %mul3A_144, %add3A_391 : i32
        %swap3A_393 = arith.constant 0 : i32
        %swap3A_394 = arith.constant 0 : i32
        %swap3A_395 = tpu.memref_slice %arg10[%swap3A_393, %swap3A_394] : memref<192x128xf32, #tpu.memory_space<vmem>> -> memref<96x128xf32, #tpu.memory_space<vmem>>
        %swap3A_396 = arith.index_cast %add3A_392 : i32 to index
        %swap3A_397 = arith.constant 48 : index
        %swap3A_398 = tpu.vector_load %swap3A_395[%swap3A_396, %swap3A_397] {strides = array<i32>} : memref<96x128xf32, #tpu.memory_space<vmem>>, vector<16xf32>,
        tpu.vector_store %swap3A_395[%swap3A_396, %swap3A_397], %mul3A_390 {strides = array<i32>} : memref<96x128xf32, #tpu.memory_space<vmem>>, vector<16xf32>,
        %add3A_399 = arith.constant 3 : i32
        %add3A_400 = arith.addi %mul3A_144, %add3A_399 : i32
        %get3A_401 = arith.constant 0 : i32
        %get3A_402 = arith.constant 0 : i32
        %get3A_403 = tpu.memref_slice %arg10[%get3A_401, %get3A_402] : memref<192x128xf32, #tpu.memory_space<vmem>> -> memref<96x128xf32, #tpu.memory_space<vmem>>
        %get3A_404 = arith.index_cast %add3A_400 : i32 to index
        %get3A_405 = arith.constant 48 : index
        %get3A_406 = tpu.vector_load %get3A_403[%get3A_404, %get3A_405] {strides = array<i32>} : memref<96x128xf32, #tpu.memory_space<vmem>>, vector<16xf32>,
        %mul3A_407 = arith.mulf %get3A_406, %gather3A_161 : vector<16xf32>
        %add3A_408 = arith.constant 3 : i32
        %add3A_409 = arith.addi %mul3A_144, %add3A_408 : i32
        %swap3A_410 = arith.constant 0 : i32
        %swap3A_411 = arith.constant 0 : i32
        %swap3A_412 = tpu.memref_slice %arg10[%swap3A_410, %swap3A_411] : memref<192x128xf32, #tpu.memory_space<vmem>> -> memref<96x128xf32, #tpu.memory_space<vmem>>
        %swap3A_413 = arith.index_cast %add3A_409 : i32 to index
        %swap3A_414 = arith.constant 48 : index
        %swap3A_415 = tpu.vector_load %swap3A_412[%swap3A_413, %swap3A_414] {strides = array<i32>} : memref<96x128xf32, #tpu.memory_space<vmem>>, vector<16xf32>,
        tpu.vector_store %swap3A_412[%swap3A_413, %swap3A_414], %mul3A_407 {strides = array<i32>} : memref<96x128xf32, #tpu.memory_space<vmem>>, vector<16xf32>,
        %get3A_416 = arith.constant 0 : i32
        %get3A_417 = arith.constant 0 : i32
        %get3A_418 = tpu.memref_slice %arg10[%get3A_416, %get3A_417] : memref<192x128xf32, #tpu.memory_space<vmem>> -> memref<96x128xf32, #tpu.memory_space<vmem>>
        %get3A_419 = arith.index_cast %mul3A_144 : i32 to index
        %get3A_420 = arith.constant 64 : index
        %get3A_421 = tpu.vector_load %get3A_418[%get3A_419, %get3A_420] {strides = array<i32>} : memref<96x128xf32, #tpu.memory_space<vmem>>, vector<16xf32>,
        %mul3A_422 = arith.mulf %get3A_421, %gather3A : vector<16xf32>
        %swap3A_423 = arith.constant 0 : i32
        %swap3A_424 = arith.constant 0 : i32
        %swap3A_425 = tpu.memref_slice %arg10[%swap3A_423, %swap3A_424] : memref<192x128xf32, #tpu.memory_space<vmem>> -> memref<96x128xf32, #tpu.memory_space<vmem>>
        %swap3A_426 = arith.index_cast %mul3A_144 : i32 to index
        %swap3A_427 = arith.constant 64 : index
        %swap3A_428 = tpu.vector_load %swap3A_425[%swap3A_426, %swap3A_427] {strides = array<i32>} : memref<96x128xf32, #tpu.memory_space<vmem>>, vector<16xf32>,
        tpu.vector_store %swap3A_425[%swap3A_426, %swap3A_427], %mul3A_422 {strides = array<i32>} : memref<96x128xf32, #tpu.memory_space<vmem>>, vector<16xf32>,
        %add3A_429 = arith.constant 1 : i32
        %add3A_430 = arith.addi %mul3A_144, %add3A_429 : i32
        %get3A_431 = arith.constant 0 : i32
        %get3A_432 = arith.constant 0 : i32
        %get3A_433 = tpu.memref_slice %arg10[%get3A_431, %get3A_432] : memref<192x128xf32, #tpu.memory_space<vmem>> -> memref<96x128xf32, #tpu.memory_space<vmem>>
        %get3A_434 = arith.index_cast %add3A_430 : i32 to index
        %get3A_435 = arith.constant 64 : index
        %get3A_436 = tpu.vector_load %get3A_433[%get3A_434, %get3A_435] {strides = array<i32>} : memref<96x128xf32, #tpu.memory_space<vmem>>, vector<16xf32>,
        %mul3A_437 = arith.mulf %get3A_436, %gather3A_151 : vector<16xf32>
        %add3A_438 = arith.constant 1 : i32
        %add3A_439 = arith.addi %mul3A_144, %add3A_438 : i32
        %swap3A_440 = arith.constant 0 : i32
        %swap3A_441 = arith.constant 0 : i32
        %swap3A_442 = tpu.memref_slice %arg10[%swap3A_440, %swap3A_441] : memref<192x128xf32, #tpu.memory_space<vmem>> -> memref<96x128xf32, #tpu.memory_space<vmem>>
        %swap3A_443 = arith.index_cast %add3A_439 : i32 to index
        %swap3A_444 = arith.constant 64 : index
        %swap3A_445 = tpu.vector_load %swap3A_442[%swap3A_443, %swap3A_444] {strides = array<i32>} : memref<96x128xf32, #tpu.memory_space<vmem>>, vector<16xf32>,
        tpu.vector_store %swap3A_442[%swap3A_443, %swap3A_444], %mul3A_437 {strides = array<i32>} : memref<96x128xf32, #tpu.memory_space<vmem>>, vector<16xf32>,
        %add3A_446 = arith.constant 2 : i32
        %add3A_447 = arith.addi %mul3A_144, %add3A_446 : i32
        %get3A_448 = arith.constant 0 : i32
        %get3A_449 = arith.constant 0 : i32
        %get3A_450 = tpu.memref_slice %arg10[%get3A_448, %get3A_449] : memref<192x128xf32, #tpu.memory_space<vmem>> -> memref<96x128xf32, #tpu.memory_space<vmem>>
        %get3A_451 = arith.index_cast %add3A_447 : i32 to index
        %get3A_452 = arith.constant 64 : index
        %get3A_453 = tpu.vector_load %get3A_450[%get3A_451, %get3A_452] {strides = array<i32>} : memref<96x128xf32, #tpu.memory_space<vmem>>, vector<16xf32>,
        %mul3A_454 = arith.mulf %get3A_453, %gather3A_156 : vector<16xf32>
        %add3A_455 = arith.constant 2 : i32
        %add3A_456 = arith.addi %mul3A_144, %add3A_455 : i32
        %swap3A_457 = arith.constant 0 : i32
        %swap3A_458 = arith.constant 0 : i32
        %swap3A_459 = tpu.memref_slice %arg10[%swap3A_457, %swap3A_458] : memref<192x128xf32, #tpu.memory_space<vmem>> -> memref<96x128xf32, #tpu.memory_space<vmem>>
        %swap3A_460 = arith.index_cast %add3A_456 : i32 to index
        %swap3A_461 = arith.constant 64 : index
        %swap3A_462 = tpu.vector_load %swap3A_459[%swap3A_460, %swap3A_461] {strides = array<i32>} : memref<96x128xf32, #tpu.memory_space<vmem>>, vector<16xf32>,
        tpu.vector_store %swap3A_459[%swap3A_460, %swap3A_461], %mul3A_454 {strides = array<i32>} : memref<96x128xf32, #tpu.memory_space<vmem>>, vector<16xf32>,
        %add3A_463 = arith.constant 3 : i32
        %add3A_464 = arith.addi %mul3A_144, %add3A_463 : i32
        %get3A_465 = arith.constant 0 : i32
        %get3A_466 = arith.constant 0 : i32
        %get3A_467 = tpu.memref_slice %arg10[%get3A_465, %get3A_466] : memref<192x128xf32, #tpu.memory_space<vmem>> -> memref<96x128xf32, #tpu.memory_space<vmem>>
        %get3A_468 = arith.index_cast %add3A_464 : i32 to index
        %get3A_469 = arith.constant 64 : index
        %get3A_470 = tpu.vector_load %get3A_467[%get3A_468, %get3A_469] {strides = array<i32>} : memref<96x128xf32, #tpu.memory_space<vmem>>, vector<16xf32>,
        %mul3A_471 = arith.mulf %get3A_470, %gather3A_161 : vector<16xf32>
        %add3A_472 = arith.constant 3 : i32
        %add3A_473 = arith.addi %mul3A_144, %add3A_472 : i32
        %swap3A_474 = arith.constant 0 : i32
        %swap3A_475 = arith.constant 0 : i32
        %swap3A_476 = tpu.memref_slice %arg10[%swap3A_474, %swap3A_475] : memref<192x128xf32, #tpu.memory_space<vmem>> -> memref<96x128xf32, #tpu.memory_space<vmem>>
        %swap3A_477 = arith.index_cast %add3A_473 : i32 to index
        %swap3A_478 = arith.constant 64 : index
        %swap3A_479 = tpu.vector_load %swap3A_476[%swap3A_477, %swap3A_478] {strides = array<i32>} : memref<96x128xf32, #tpu.memory_space<vmem>>, vector<16xf32>,
        tpu.vector_store %swap3A_476[%swap3A_477, %swap3A_478], %mul3A_471 {strides = array<i32>} : memref<96x128xf32, #tpu.memory_space<vmem>>, vector<16xf32>,
        %get3A_480 = arith.constant 0 : i32
        %get3A_481 = arith.constant 0 : i32
        %get3A_482 = tpu.memref_slice %arg10[%get3A_480, %get3A_481] : memref<192x128xf32, #tpu.memory_space<vmem>> -> memref<96x128xf32, #tpu.memory_space<vmem>>
        %get3A_483 = arith.index_cast %mul3A_144 : i32 to index
        %get3A_484 = arith.constant 80 : index
        %get3A_485 = tpu.vector_load %get3A_482[%get3A_483, %get3A_484] {strides = array<i32>} : memref<96x128xf32, #tpu.memory_space<vmem>>, vector<16xf32>,
        %mul3A_486 = arith.mulf %get3A_485, %gather3A : vector<16xf32>
        %swap3A_487 = arith.constant 0 : i32
        %swap3A_488 = arith.constant 0 : i32
        %swap3A_489 = tpu.memref_slice %arg10[%swap3A_487, %swap3A_488] : memref<192x128xf32, #tpu.memory_space<vmem>> -> memref<96x128xf32, #tpu.memory_space<vmem>>
        %swap3A_490 = arith.index_cast %mul3A_144 : i32 to index
        %swap3A_491 = arith.constant 80 : index
        %swap3A_492 = tpu.vector_load %swap3A_489[%swap3A_490, %swap3A_491] {strides = array<i32>} : memref<96x128xf32, #tpu.memory_space<vmem>>, vector<16xf32>,
        tpu.vector_store %swap3A_489[%swap3A_490, %swap3A_491], %mul3A_486 {strides = array<i32>} : memref<96x128xf32, #tpu.memory_space<vmem>>, vector<16xf32>,
        %add3A_493 = arith.constant 1 : i32
        %add3A_494 = arith.addi %mul3A_144, %add3A_493 : i32
        %get3A_495 = arith.constant 0 : i32
        %get3A_496 = arith.constant 0 : i32
        %get3A_497 = tpu.memref_slice %arg10[%get3A_495, %get3A_496] : memref<192x128xf32, #tpu.memory_space<vmem>> -> memref<96x128xf32, #tpu.memory_space<vmem>>
        %get3A_498 = arith.index_cast %add3A_494 : i32 to index
        %get3A_499 = arith.constant 80 : index
        %get3A_500 = tpu.vector_load %get3A_497[%get3A_498, %get3A_499] {strides = array<i32>} : memref<96x128xf32, #tpu.memory_space<vmem>>, vector<16xf32>,
        %mul3A_501 = arith.mulf %get3A_500, %gather3A_151 : vector<16xf32>
        %add3A_502 = arith.constant 1 : i32
        %add3A_503 = arith.addi %mul3A_144, %add3A_502 : i32
        %swap3A_504 = arith.constant 0 : i32
        %swap3A_505 = arith.constant 0 : i32
        %swap3A_506 = tpu.memref_slice %arg10[%swap3A_504, %swap3A_505] : memref<192x128xf32, #tpu.memory_space<vmem>> -> memref<96x128xf32, #tpu.memory_space<vmem>>
        %swap3A_507 = arith.index_cast %add3A_503 : i32 to index
        %swap3A_508 = arith.constant 80 : index
        %swap3A_509 = tpu.vector_load %swap3A_506[%swap3A_507, %swap3A_508] {strides = array<i32>} : memref<96x128xf32, #tpu.memory_space<vmem>>, vector<16xf32>,
        tpu.vector_store %swap3A_506[%swap3A_507, %swap3A_508], %mul3A_501 {strides = array<i32>} : memref<96x128xf32, #tpu.memory_space<vmem>>, vector<16xf32>,
        %add3A_510 = arith.constant 2 : i32
        %add3A_511 = arith.addi %mul3A_144, %add3A_510 : i32
        %get3A_512 = arith.constant 0 : i32
        %get3A_513 = arith.constant 0 : i32
        %get3A_514 = tpu.memref_slice %arg10[%get3A_512, %get3A_513] : memref<192x128xf32, #tpu.memory_space<vmem>> -> memref<96x128xf32, #tpu.memory_space<vmem>>
        %get3A_515 = arith.index_cast %add3A_511 : i32 to index
        %get3A_516 = arith.constant 80 : index
        %get3A_517 = tpu.vector_load %get3A_514[%get3A_515, %get3A_516] {strides = array<i32>} : memref<96x128xf32, #tpu.memory_space<vmem>>, vector<16xf32>,
        %mul3A_518 = arith.mulf %get3A_517, %gather3A_156 : vector<16xf32>
        %add3A_519 = arith.constant 2 : i32
        %add3A_520 = arith.addi %mul3A_144, %add3A_519 : i32
        %swap3A_521 = arith.constant 0 : i32
        %swap3A_522 = arith.constant 0 : i32
        %swap3A_523 = tpu.memref_slice %arg10[%swap3A_521, %swap3A_522] : memref<192x128xf32, #tpu.memory_space<vmem>> -> memref<96x128xf32, #tpu.memory_space<vmem>>
        %swap3A_524 = arith.index_cast %add3A_520 : i32 to index
        %swap3A_525 = arith.constant 80 : index
        %swap3A_526 = tpu.vector_load %swap3A_523[%swap3A_524, %swap3A_525] {strides = array<i32>} : memref<96x128xf32, #tpu.memory_space<vmem>>, vector<16xf32>,
        tpu.vector_store %swap3A_523[%swap3A_524, %swap3A_525], %mul3A_518 {strides = array<i32>} : memref<96x128xf32, #tpu.memory_space<vmem>>, vector<16xf32>,
        %add3A_527 = arith.constant 3 : i32
        %add3A_528 = arith.addi %mul3A_144, %add3A_527 : i32
        %get3A_529 = arith.constant 0 : i32
        %get3A_530 = arith.constant 0 : i32
        %get3A_531 = tpu.memref_slice %arg10[%get3A_529, %get3A_530] : memref<192x128xf32, #tpu.memory_space<vmem>> -> memref<96x128xf32, #tpu.memory_space<vmem>>
        %get3A_532 = arith.index_cast %add3A_528 : i32 to index
        %get3A_533 = arith.constant 80 : index
        %get3A_534 = tpu.vector_load %get3A_531[%get3A_532, %get3A_533] {strides = array<i32>} : memref<96x128xf32, #tpu.memory_space<vmem>>, vector<16xf32>,
        %mul3A_535 = arith.mulf %get3A_534, %gather3A_161 : vector<16xf32>
        %add3A_536 = arith.constant 3 : i32
        %add3A_537 = arith.addi %mul3A_144, %add3A_536 : i32
        %swap3A_538 = arith.constant 0 : i32
        %swap3A_539 = arith.constant 0 : i32
        %swap3A_540 = tpu.memref_slice %arg10[%swap3A_538, %swap3A_539] : memref<192x128xf32, #tpu.memory_space<vmem>> -> memref<96x128xf32, #tpu.memory_space<vmem>>
        %swap3A_541 = arith.index_cast %add3A_537 : i32 to index
        %swap3A_542 = arith.constant 80 : index
        %swap3A_543 = tpu.vector_load %swap3A_540[%swap3A_541, %swap3A_542] {strides = array<i32>} : memref<96x128xf32, #tpu.memory_space<vmem>>, vector<16xf32>,
        tpu.vector_store %swap3A_540[%swap3A_541, %swap3A_542], %mul3A_535 {strides = array<i32>} : memref<96x128xf32, #tpu.memory_space<vmem>>, vector<16xf32>,
        %get3A_544 = arith.constant 0 : i32
        %get3A_545 = arith.constant 0 : i32
        %get3A_546 = tpu.memref_slice %arg10[%get3A_544, %get3A_545] : memref<192x128xf32, #tpu.memory_space<vmem>> -> memref<96x128xf32, #tpu.memory_space<vmem>>
        %get3A_547 = arith.index_cast %mul3A_144 : i32 to index
        %get3A_548 = arith.constant 96 : index
        %get3A_549 = tpu.vector_load %get3A_546[%get3A_547, %get3A_548] {strides = array<i32>} : memref<96x128xf32, #tpu.memory_space<vmem>>, vector<16xf32>,
        %mul3A_550 = arith.mulf %get3A_549, %gather3A : vector<16xf32>
        %swap3A_551 = arith.constant 0 : i32
        %swap3A_552 = arith.constant 0 : i32
        %swap3A_553 = tpu.memref_slice %arg10[%swap3A_551, %swap3A_552] : memref<192x128xf32, #tpu.memory_space<vmem>> -> memref<96x128xf32, #tpu.memory_space<vmem>>
        %swap3A_554 = arith.index_cast %mul3A_144 : i32 to index
        %swap3A_555 = arith.constant 96 : index
        %swap3A_556 = tpu.vector_load %swap3A_553[%swap3A_554, %swap3A_555] {strides = array<i32>} : memref<96x128xf32, #tpu.memory_space<vmem>>, vector<16xf32>,
        tpu.vector_store %swap3A_553[%swap3A_554, %swap3A_555], %mul3A_550 {strides = array<i32>} : memref<96x128xf32, #tpu.memory_space<vmem>>, vector<16xf32>,
        %add3A_557 = arith.constant 1 : i32
        %add3A_558 = arith.addi %mul3A_144, %add3A_557 : i32
        %get3A_559 = arith.constant 0 : i32
        %get3A_560 = arith.constant 0 : i32
        %get3A_561 = tpu.memref_slice %arg10[%get3A_559, %get3A_560] : memref<192x128xf32, #tpu.memory_space<vmem>> -> memref<96x128xf32, #tpu.memory_space<vmem>>
        %get3A_562 = arith.index_cast %add3A_558 : i32 to index
        %get3A_563 = arith.constant 96 : index
        %get3A_564 = tpu.vector_load %get3A_561[%get3A_562, %get3A_563] {strides = array<i32>} : memref<96x128xf32, #tpu.memory_space<vmem>>, vector<16xf32>,
        %mul3A_565 = arith.mulf %get3A_564, %gather3A_151 : vector<16xf32>
        %add3A_566 = arith.constant 1 : i32
        %add3A_567 = arith.addi %mul3A_144, %add3A_566 : i32
        %swap3A_568 = arith.constant 0 : i32
        %swap3A_569 = arith.constant 0 : i32
        %swap3A_570 = tpu.memref_slice %arg10[%swap3A_568, %swap3A_569] : memref<192x128xf32, #tpu.memory_space<vmem>> -> memref<96x128xf32, #tpu.memory_space<vmem>>
        %swap3A_571 = arith.index_cast %add3A_567 : i32 to index
        %swap3A_572 = arith.constant 96 : index
        %swap3A_573 = tpu.vector_load %swap3A_570[%swap3A_571, %swap3A_572] {strides = array<i32>} : memref<96x128xf32, #tpu.memory_space<vmem>>, vector<16xf32>,
        tpu.vector_store %swap3A_570[%swap3A_571, %swap3A_572], %mul3A_565 {strides = array<i32>} : memref<96x128xf32, #tpu.memory_space<vmem>>, vector<16xf32>,
        %add3A_574 = arith.constant 2 : i32
        %add3A_575 = arith.addi %mul3A_144, %add3A_574 : i32
        %get3A_576 = arith.constant 0 : i32
        %get3A_577 = arith.constant 0 : i32
        %get3A_578 = tpu.memref_slice %arg10[%get3A_576, %get3A_577] : memref<192x128xf32, #tpu.memory_space<vmem>> -> memref<96x128xf32, #tpu.memory_space<vmem>>
        %get3A_579 = arith.index_cast %add3A_575 : i32 to index
        %get3A_580 = arith.constant 96 : index
        %get3A_581 = tpu.vector_load %get3A_578[%get3A_579, %get3A_580] {strides = array<i32>} : memref<96x128xf32, #tpu.memory_space<vmem>>, vector<16xf32>,
        %mul3A_582 = arith.mulf %get3A_581, %gather3A_156 : vector<16xf32>
        %add3A_583 = arith.constant 2 : i32
        %add3A_584 = arith.addi %mul3A_144, %add3A_583 : i32
        %swap3A_585 = arith.constant 0 : i32
        %swap3A_586 = arith.constant 0 : i32
        %swap3A_587 = tpu.memref_slice %arg10[%swap3A_585, %swap3A_586] : memref<192x128xf32, #tpu.memory_space<vmem>> -> memref<96x128xf32, #tpu.memory_space<vmem>>
        %swap3A_588 = arith.index_cast %add3A_584 : i32 to index
        %swap3A_589 = arith.constant 96 : index
        %swap3A_590 = tpu.vector_load %swap3A_587[%swap3A_588, %swap3A_589] {strides = array<i32>} : memref<96x128xf32, #tpu.memory_space<vmem>>, vector<16xf32>,
        tpu.vector_store %swap3A_587[%swap3A_588, %swap3A_589], %mul3A_582 {strides = array<i32>} : memref<96x128xf32, #tpu.memory_space<vmem>>, vector<16xf32>,
        %add3A_591 = arith.constant 3 : i32
        %add3A_592 = arith.addi %mul3A_144, %add3A_591 : i32
        %get3A_593 = arith.constant 0 : i32
        %get3A_594 = arith.constant 0 : i32
        %get3A_595 = tpu.memref_slice %arg10[%get3A_593, %get3A_594] : memref<192x128xf32, #tpu.memory_space<vmem>> -> memref<96x128xf32, #tpu.memory_space<vmem>>
        %get3A_596 = arith.index_cast %add3A_592 : i32 to index
        %get3A_597 = arith.constant 96 : index
        %get3A_598 = tpu.vector_load %get3A_595[%get3A_596, %get3A_597] {strides = array<i32>} : memref<96x128xf32, #tpu.memory_space<vmem>>, vector<16xf32>,
        %mul3A_599 = arith.mulf %get3A_598, %gather3A_161 : vector<16xf32>
        %add3A_600 = arith.constant 3 : i32
        %add3A_601 = arith.addi %mul3A_144, %add3A_600 : i32
        %swap3A_602 = arith.constant 0 : i32
        %swap3A_603 = arith.constant 0 : i32
        %swap3A_604 = tpu.memref_slice %arg10[%swap3A_602, %swap3A_603] : memref<192x128xf32, #tpu.memory_space<vmem>> -> memref<96x128xf32, #tpu.memory_space<vmem>>
        %swap3A_605 = arith.index_cast %add3A_601 : i32 to index
        %swap3A_606 = arith.constant 96 : index
        %swap3A_607 = tpu.vector_load %swap3A_604[%swap3A_605, %swap3A_606] {strides = array<i32>} : memref<96x128xf32, #tpu.memory_space<vmem>>, vector<16xf32>,
        tpu.vector_store %swap3A_604[%swap3A_605, %swap3A_606], %mul3A_599 {strides = array<i32>} : memref<96x128xf32, #tpu.memory_space<vmem>>, vector<16xf32>,
        %get3A_608 = arith.constant 0 : i32
        %get3A_609 = arith.constant 0 : i32
        %get3A_610 = tpu.memref_slice %arg10[%get3A_608, %get3A_609] : memref<192x128xf32, #tpu.memory_space<vmem>> -> memref<96x128xf32, #tpu.memory_space<vmem>>
        %get3A_611 = arith.index_cast %mul3A_144 : i32 to index
        %get3A_612 = arith.constant 112 : index
        %get3A_613 = tpu.vector_load %get3A_610[%get3A_611, %get3A_612] {strides = array<i32>} : memref<96x128xf32, #tpu.memory_space<vmem>>, vector<16xf32>,
        %mul3A_614 = arith.mulf %get3A_613, %gather3A : vector<16xf32>
        %swap3A_615 = arith.constant 0 : i32
        %swap3A_616 = arith.constant 0 : i32
        %swap3A_617 = tpu.memref_slice %arg10[%swap3A_615, %swap3A_616] : memref<192x128xf32, #tpu.memory_space<vmem>> -> memref<96x128xf32, #tpu.memory_space<vmem>>
        %swap3A_618 = arith.index_cast %mul3A_144 : i32 to index
        %swap3A_619 = arith.constant 112 : index
        %swap3A_620 = tpu.vector_load %swap3A_617[%swap3A_618, %swap3A_619] {strides = array<i32>} : memref<96x128xf32, #tpu.memory_space<vmem>>, vector<16xf32>,
        tpu.vector_store %swap3A_617[%swap3A_618, %swap3A_619], %mul3A_614 {strides = array<i32>} : memref<96x128xf32, #tpu.memory_space<vmem>>, vector<16xf32>,
        %add3A_621 = arith.constant 1 : i32
        %add3A_622 = arith.addi %mul3A_144, %add3A_621 : i32
        %get3A_623 = arith.constant 0 : i32
        %get3A_624 = arith.constant 0 : i32
        %get3A_625 = tpu.memref_slice %arg10[%get3A_623, %get3A_624] : memref<192x128xf32, #tpu.memory_space<vmem>> -> memref<96x128xf32, #tpu.memory_space<vmem>>
        %get3A_626 = arith.index_cast %add3A_622 : i32 to index
        %get3A_627 = arith.constant 112 : index
        %get3A_628 = tpu.vector_load %get3A_625[%get3A_626, %get3A_627] {strides = array<i32>} : memref<96x128xf32, #tpu.memory_space<vmem>>, vector<16xf32>,
        %mul3A_629 = arith.mulf %get3A_628, %gather3A_151 : vector<16xf32>
        %add3A_630 = arith.constant 1 : i32
        %add3A_631 = arith.addi %mul3A_144, %add3A_630 : i32
        %swap3A_632 = arith.constant 0 : i32
        %swap3A_633 = arith.constant 0 : i32
        %swap3A_634 = tpu.memref_slice %arg10[%swap3A_632, %swap3A_633] : memref<192x128xf32, #tpu.memory_space<vmem>> -> memref<96x128xf32, #tpu.memory_space<vmem>>
        %swap3A_635 = arith.index_cast %add3A_631 : i32 to index
        %swap3A_636 = arith.constant 112 : index
        %swap3A_637 = tpu.vector_load %swap3A_634[%swap3A_635, %swap3A_636] {strides = array<i32>} : memref<96x128xf32, #tpu.memory_space<vmem>>, vector<16xf32>,
        tpu.vector_store %swap3A_634[%swap3A_635, %swap3A_636], %mul3A_629 {strides = array<i32>} : memref<96x128xf32, #tpu.memory_space<vmem>>, vector<16xf32>,
        %add3A_638 = arith.constant 2 : i32
        %add3A_639 = arith.addi %mul3A_144, %add3A_638 : i32
        %get3A_640 = arith.constant 0 : i32
        %get3A_641 = arith.constant 0 : i32
        %get3A_642 = tpu.memref_slice %arg10[%get3A_640, %get3A_641] : memref<192x128xf32, #tpu.memory_space<vmem>> -> memref<96x128xf32, #tpu.memory_space<vmem>>
        %get3A_643 = arith.index_cast %add3A_639 : i32 to index
        %get3A_644 = arith.constant 112 : index
        %get3A_645 = tpu.vector_load %get3A_642[%get3A_643, %get3A_644] {strides = array<i32>} : memref<96x128xf32, #tpu.memory_space<vmem>>, vector<16xf32>,
        %mul3A_646 = arith.mulf %get3A_645, %gather3A_156 : vector<16xf32>
        %add3A_647 = arith.constant 2 : i32
        %add3A_648 = arith.addi %mul3A_144, %add3A_647 : i32
        %swap3A_649 = arith.constant 0 : i32
        %swap3A_650 = arith.constant 0 : i32
        %swap3A_651 = tpu.memref_slice %arg10[%swap3A_649, %swap3A_650] : memref<192x128xf32, #tpu.memory_space<vmem>> -> memref<96x128xf32, #tpu.memory_space<vmem>>
        %swap3A_652 = arith.index_cast %add3A_648 : i32 to index
        %swap3A_653 = arith.constant 112 : index
        %swap3A_654 = tpu.vector_load %swap3A_651[%swap3A_652, %swap3A_653] {strides = array<i32>} : memref<96x128xf32, #tpu.memory_space<vmem>>, vector<16xf32>,
        tpu.vector_store %swap3A_651[%swap3A_652, %swap3A_653], %mul3A_646 {strides = array<i32>} : memref<96x128xf32, #tpu.memory_space<vmem>>, vector<16xf32>,
        %add3A_655 = arith.constant 3 : i32
        %add3A_656 = arith.addi %mul3A_144, %add3A_655 : i32
        %get3A_657 = arith.constant 0 : i32
        %get3A_658 = arith.constant 0 : i32
        %get3A_659 = tpu.memref_slice %arg10[%get3A_657, %get3A_658] : memref<192x128xf32, #tpu.memory_space<vmem>> -> memref<96x128xf32, #tpu.memory_space<vmem>>
        %get3A_660 = arith.index_cast %add3A_656 : i32 to index
        %get3A_661 = arith.constant 112 : index
        %get3A_662 = tpu.vector_load %get3A_659[%get3A_660, %get3A_661] {strides = array<i32>} : memref<96x128xf32, #tpu.memory_space<vmem>>, vector<16xf32>,
        %mul3A_663 = arith.mulf %get3A_662, %gather3A_161 : vector<16xf32>
        %add3A_664 = arith.constant 3 : i32
        %add3A_665 = arith.addi %mul3A_144, %add3A_664 : i32
        %swap3A_666 = arith.constant 0 : i32
        %swap3A_667 = arith.constant 0 : i32
        %swap3A_668 = tpu.memref_slice %arg10[%swap3A_666, %swap3A_667] : memref<192x128xf32, #tpu.memory_space<vmem>> -> memref<96x128xf32, #tpu.memory_space<vmem>>
        %swap3A_669 = arith.index_cast %add3A_665 : i32 to index
        %swap3A_670 = arith.constant 112 : index
        %swap3A_671 = tpu.vector_load %swap3A_668[%swap3A_669, %swap3A_670] {strides = array<i32>} : memref<96x128xf32, #tpu.memory_space<vmem>>, vector<16xf32>,
        tpu.vector_store %swap3A_668[%swap3A_669, %swap3A_670], %mul3A_663 {strides = array<i32>} : memref<96x128xf32, #tpu.memory_space<vmem>>, vector<16xf32>,
      }
      %scan3A_95 = arith.constant 24 : i32
      %dma_start3A_96 = arith.constant 0 : i32
      %dma_start3A_97 = arith.constant 0 : i32
      %dma_start3A_98 = tpu.memref_slice %arg10[%dma_start3A_96, %dma_start3A_97] : memref<192x128xf32, #tpu.memory_space<vmem>> -> memref<96x128xf32, #tpu.memory_space<vmem>>
      %dma_start3A_99 = arith.constant 0 : i32
      %dma_start3A_100 = tpu.memref_slice %arg8[%add3A_74, %dma_start3A_99] : memref<50x96xi32, #tpu.memory_space<vmem>> -> memref<1x96xi32, #tpu.memory_space<vmem>>
      %dma_start3A_101 = tpu.memref_squeeze %dma_start3A_100 : memref<1x96xi32, #tpu.memory_space<vmem>> -> memref<96xi32, #tpu.memory_space<vmem>>
      %dma_start3A_102 = arith.constant 0 : i32
      %dma_start3A_103 = arith.constant 0 : i32
      %dma_start3A_104 = tpu.memref_slice %arg11[%dma_start3A_102, %dma_start3A_103] : memref<10240x128xf32, #tpu.memory_space<vmem_shared>> -> memref<10240x128xf32, #tpu.memory_space<vmem_shared>>
      tpu.enqueue_indirect_dma source(%dma_start3A_98 : memref<96x128xf32, #tpu.memory_space<vmem>>) target(%dma_start3A_104 : memref<10240x128xf32, #tpu.memory_space<vmem_shared>>) offsets(%dma_start3A_101 : memref<96xi32, #tpu.memory_space<vmem>>) semaphore(%arg14 : memref<!tpu.dma_semaphore, #tpu.memory_space<semaphore_mem>>) {add = true}
      %mul3A_105 = arith.constant 2 : i32
      %mul3A_106 = arith.muli %scan3A_70, %mul3A_105 : i32
      %add3A_107 = arith.constant 1 : i32
      %add3A_108 = arith.addi %mul3A_106, %add3A_107 : i32
      %dma_wait3A_109 = arith.constant 96 : i32
      %dma_wait3A_110 = arith.constant 0 : i32
      %dma_wait3A_111 = tpu.memref_slice %arg10[%dma_wait3A_109, %dma_wait3A_110] : memref<192x128xf32, #tpu.memory_space<vmem>> -> memref<96x128xf32, #tpu.memory_space<vmem>>
      %dma_wait3A_112 = arith.constant 0 : i32
      %dma_wait3A_113 = tpu.memref_slice %arg7[%add3A_108, %dma_wait3A_112] : memref<50x96xi32, #tpu.memory_space<vmem>> -> memref<1x96xi32, #tpu.memory_space<vmem>>
      %dma_wait3A_114 = tpu.memref_squeeze %dma_wait3A_113 : memref<1x96xi32, #tpu.memory_space<vmem>> -> memref<96xi32, #tpu.memory_space<vmem>>
      %dma_wait3A_115 = arith.constant 0 : i32
      %dma_wait3A_116 = arith.constant 0 : i32
      %dma_wait3A_117 = tpu.memref_slice %arg2[%dma_wait3A_115, %dma_wait3A_116] : memref<61440x128xf32, #tpu.memory_space<hbm>> -> memref<61440x128xf32, #tpu.memory_space<hbm>>
      tpu.wait_indirect_dma semaphore(%arg13 : memref<!tpu.dma_semaphore, #tpu.memory_space<semaphore_mem>>) src(%dma_wait3A_117 : memref<61440x128xf32, #tpu.memory_space<hbm>>) dst(%dma_wait3A_111 : memref<96x128xf32, #tpu.memory_space<vmem>>)
      %add3A_118 = arith.constant 1 : i32
      %add3A_119 = arith.addi %add3A_108, %add3A_118 : i32
      %lt3A_120 = arith.constant 50 : i32
      %lt3A_121 = arith.cmpi slt, %add3A_119, %lt3A_120 : i32
      %convert_element_type3A_122 = arith.extui %lt3A_121 : i1 to i32
      %cond3A_123 = arith.constant 0 : i32
      %cond3A_124 = arith.cmpi ne, %convert_element_type3A_122, %cond3A_123 : i32
      scf.if %cond3A_124 {
        %ge3A = arith.constant 1 : i32
        %ge3A_142 = arith.cmpi sge, %add3A_108, %ge3A : i32
        %convert_element_type3A_143 = arith.extui %ge3A_142 : i1 to i32
        %cond3A_144 = arith.constant 0 : i32
        %cond3A_145 = arith.cmpi ne, %convert_element_type3A_143, %cond3A_144 : i32
        scf.if %cond3A_145 {
          %dma_wait3A_157 = arith.constant 0 : i32
          %dma_wait3A_158 = arith.constant 0 : i32
          %dma_wait3A_159 = tpu.memref_slice %arg10[%dma_wait3A_157, %dma_wait3A_158] : memref<192x128xf32, #tpu.memory_space<vmem>> -> memref<96x128xf32, #tpu.memory_space<vmem>>
          %dma_wait3A_160 = arith.constant 0 : i32
          %dma_wait3A_161 = tpu.memref_slice %arg8[%add3A_108, %dma_wait3A_160] : memref<50x96xi32, #tpu.memory_space<vmem>> -> memref<1x96xi32, #tpu.memory_space<vmem>>
          %dma_wait3A_162 = tpu.memref_squeeze %dma_wait3A_161 : memref<1x96xi32, #tpu.memory_space<vmem>> -> memref<96xi32, #tpu.memory_space<vmem>>
          %dma_wait3A_163 = arith.constant 0 : i32
          %dma_wait3A_164 = arith.constant 0 : i32
          %dma_wait3A_165 = tpu.memref_slice %arg11[%dma_wait3A_163, %dma_wait3A_164] : memref<10240x128xf32, #tpu.memory_space<vmem_shared>> -> memref<10240x128xf32, #tpu.memory_space<vmem_shared>>
          tpu.wait_indirect_dma semaphore(%arg14 : memref<!tpu.dma_semaphore, #tpu.memory_space<semaphore_mem>>) src(%dma_wait3A_159 : memref<96x128xf32, #tpu.memory_space<vmem>>) dst(%dma_wait3A_165 : memref<10240x128xf32, #tpu.memory_space<vmem_shared>>)
        } else {
        }
        %add3A_146 = arith.constant 1 : i32
        %add3A_147 = arith.addi %add3A_108, %add3A_146 : i32
        %dma_start3A_148 = arith.constant 0 : i32
        %dma_start3A_149 = arith.constant 0 : i32
        %dma_start3A_150 = tpu.memref_slice %arg10[%dma_start3A_148, %dma_start3A_149] : memref<192x128xf32, #tpu.memory_space<vmem>> -> memref<96x128xf32, #tpu.memory_space<vmem>>
        %dma_start3A_151 = arith.constant 0 : i32
        %dma_start3A_152 = tpu.memref_slice %arg7[%add3A_147, %dma_start3A_151] : memref<50x96xi32, #tpu.memory_space<vmem>> -> memref<1x96xi32, #tpu.memory_space<vmem>>
        %dma_start3A_153 = tpu.memref_squeeze %dma_start3A_152 : memref<1x96xi32, #tpu.memory_space<vmem>> -> memref<96xi32, #tpu.memory_space<vmem>>
        %dma_start3A_154 = arith.constant 0 : i32
        %dma_start3A_155 = arith.constant 0 : i32
        %dma_start3A_156 = tpu.memref_slice %arg2[%dma_start3A_154, %dma_start3A_155] : memref<61440x128xf32, #tpu.memory_space<hbm>> -> memref<61440x128xf32, #tpu.memory_space<hbm>>
        tpu.enqueue_indirect_dma source(%dma_start3A_156 : memref<61440x128xf32, #tpu.memory_space<hbm>>) target(%dma_start3A_150 : memref<96x128xf32, #tpu.memory_space<vmem>>) offsets(%dma_start3A_153 : memref<96xi32, #tpu.memory_space<vmem>>) semaphore(%arg12 : memref<!tpu.dma_semaphore, #tpu.memory_space<semaphore_mem>>)
      } else {
      }
      %mul3A_125 = arith.constant 96 : i32
      %mul3A_126 = arith.muli %add3A_108, %mul3A_125 : i32
      %scan3A_127 = arith.constant 0 : i32
      %scan3A_128 = arith.constant 0 : i32
      %scan3A_129 = arith.constant 24 : i32
      %scan3A_130 = arith.addi %scan3A_128, %scan3A_129 : i32
      %scan3A_131 = arith.constant 1 : i32
      scf.for %scan3A_142 = %scan3A_128 to %scan3A_130 step %scan3A_131  : i32 {
        %mul3A_143 = arith.constant 4 : i32
        %mul3A_144 = arith.muli %scan3A_142, %mul3A_143 : i32
        %add3A_145 = arith.addi %mul3A_126, %mul3A_144 : i32
        %broadcast_in_dim3A_146 = vector.broadcast %add3A_145 : i32 to vector<16xi32>
        %gather3A = tpu.vector_load_idx %arg9[%broadcast_in_dim3A_146] : memref<4800xf32, #tpu.memory_space<vmem>>[vector<16xi32>], vector<16xf32>,
        %add3A_147 = arith.addi %mul3A_126, %mul3A_144 : i32
        %add3A_148 = arith.constant 1 : i32
        %add3A_149 = arith.addi %add3A_147, %add3A_148 : i32
        %broadcast_in_dim3A_150 = vector.broadcast %add3A_149 : i32 to vector<16xi32>
        %gather3A_151 = tpu.vector_load_idx %arg9[%broadcast_in_dim3A_150] : memref<4800xf32, #tpu.memory_space<vmem>>[vector<16xi32>], vector<16xf32>,
        %add3A_152 = arith.addi %mul3A_126, %mul3A_144 : i32
        %add3A_153 = arith.constant 2 : i32
        %add3A_154 = arith.addi %add3A_152, %add3A_153 : i32
        %broadcast_in_dim3A_155 = vector.broadcast %add3A_154 : i32 to vector<16xi32>
        %gather3A_156 = tpu.vector_load_idx %arg9[%broadcast_in_dim3A_155] : memref<4800xf32, #tpu.memory_space<vmem>>[vector<16xi32>], vector<16xf32>,
        %add3A_157 = arith.addi %mul3A_126, %mul3A_144 : i32
        %add3A_158 = arith.constant 3 : i32
        %add3A_159 = arith.addi %add3A_157, %add3A_158 : i32
        %broadcast_in_dim3A_160 = vector.broadcast %add3A_159 : i32 to vector<16xi32>
        %gather3A_161 = tpu.vector_load_idx %arg9[%broadcast_in_dim3A_160] : memref<4800xf32, #tpu.memory_space<vmem>>[vector<16xi32>], vector<16xf32>,
        %get3A = arith.constant 96 : i32
        %get3A_162 = arith.constant 0 : i32
        %get3A_163 = tpu.memref_slice %arg10[%get3A, %get3A_162] : memref<192x128xf32, #tpu.memory_space<vmem>> -> memref<96x128xf32, #tpu.memory_space<vmem>>
        %get3A_164 = arith.index_cast %mul3A_144 : i32 to index
        %get3A_165 = arith.constant 0 : index
        %get3A_166 = tpu.vector_load %get3A_163[%get3A_164, %get3A_165] {strides = array<i32>} : memref<96x128xf32, #tpu.memory_space<vmem>>, vector<16xf32>,
        %mul3A_167 = arith.mulf %get3A_166, %gather3A : vector<16xf32>
        %swap3A = arith.constant 96 : i32
        %swap3A_168 = arith.constant 0 : i32
        %swap3A_169 = tpu.memref_slice %arg10[%swap3A, %swap3A_168] : memref<192x128xf32, #tpu.memory_space<vmem>> -> memref<96x128xf32, #tpu.memory_space<vmem>>
        %swap3A_170 = arith.index_cast %mul3A_144 : i32 to index
        %swap3A_171 = arith.constant 0 : index
        %swap3A_172 = tpu.vector_load %swap3A_169[%swap3A_170, %swap3A_171] {strides = array<i32>} : memref<96x128xf32, #tpu.memory_space<vmem>>, vector<16xf32>,
        tpu.vector_store %swap3A_169[%swap3A_170, %swap3A_171], %mul3A_167 {strides = array<i32>} : memref<96x128xf32, #tpu.memory_space<vmem>>, vector<16xf32>,
        %add3A_173 = arith.constant 1 : i32
        %add3A_174 = arith.addi %mul3A_144, %add3A_173 : i32
        %get3A_175 = arith.constant 96 : i32
        %get3A_176 = arith.constant 0 : i32
        %get3A_177 = tpu.memref_slice %arg10[%get3A_175, %get3A_176] : memref<192x128xf32, #tpu.memory_space<vmem>> -> memref<96x128xf32, #tpu.memory_space<vmem>>
        %get3A_178 = arith.index_cast %add3A_174 : i32 to index
        %get3A_179 = arith.constant 0 : index
        %get3A_180 = tpu.vector_load %get3A_177[%get3A_178, %get3A_179] {strides = array<i32>} : memref<96x128xf32, #tpu.memory_space<vmem>>, vector<16xf32>,
        %mul3A_181 = arith.mulf %get3A_180, %gather3A_151 : vector<16xf32>
        %add3A_182 = arith.constant 1 : i32
        %add3A_183 = arith.addi %mul3A_144, %add3A_182 : i32
        %swap3A_184 = arith.constant 96 : i32
        %swap3A_185 = arith.constant 0 : i32
        %swap3A_186 = tpu.memref_slice %arg10[%swap3A_184, %swap3A_185] : memref<192x128xf32, #tpu.memory_space<vmem>> -> memref<96x128xf32, #tpu.memory_space<vmem>>
        %swap3A_187 = arith.index_cast %add3A_183 : i32 to index
        %swap3A_188 = arith.constant 0 : index
        %swap3A_189 = tpu.vector_load %swap3A_186[%swap3A_187, %swap3A_188] {strides = array<i32>} : memref<96x128xf32, #tpu.memory_space<vmem>>, vector<16xf32>,
        tpu.vector_store %swap3A_186[%swap3A_187, %swap3A_188], %mul3A_181 {strides = array<i32>} : memref<96x128xf32, #tpu.memory_space<vmem>>, vector<16xf32>,
        %add3A_190 = arith.constant 2 : i32
        %add3A_191 = arith.addi %mul3A_144, %add3A_190 : i32
        %get3A_192 = arith.constant 96 : i32
        %get3A_193 = arith.constant 0 : i32
        %get3A_194 = tpu.memref_slice %arg10[%get3A_192, %get3A_193] : memref<192x128xf32, #tpu.memory_space<vmem>> -> memref<96x128xf32, #tpu.memory_space<vmem>>
        %get3A_195 = arith.index_cast %add3A_191 : i32 to index
        %get3A_196 = arith.constant 0 : index
        %get3A_197 = tpu.vector_load %get3A_194[%get3A_195, %get3A_196] {strides = array<i32>} : memref<96x128xf32, #tpu.memory_space<vmem>>, vector<16xf32>,
        %mul3A_198 = arith.mulf %get3A_197, %gather3A_156 : vector<16xf32>
        %add3A_199 = arith.constant 2 : i32
        %add3A_200 = arith.addi %mul3A_144, %add3A_199 : i32
        %swap3A_201 = arith.constant 96 : i32
        %swap3A_202 = arith.constant 0 : i32
        %swap3A_203 = tpu.memref_slice %arg10[%swap3A_201, %swap3A_202] : memref<192x128xf32, #tpu.memory_space<vmem>> -> memref<96x128xf32, #tpu.memory_space<vmem>>
        %swap3A_204 = arith.index_cast %add3A_200 : i32 to index
        %swap3A_205 = arith.constant 0 : index
        %swap3A_206 = tpu.vector_load %swap3A_203[%swap3A_204, %swap3A_205] {strides = array<i32>} : memref<96x128xf32, #tpu.memory_space<vmem>>, vector<16xf32>,
        tpu.vector_store %swap3A_203[%swap3A_204, %swap3A_205], %mul3A_198 {strides = array<i32>} : memref<96x128xf32, #tpu.memory_space<vmem>>, vector<16xf32>,
        %add3A_207 = arith.constant 3 : i32
        %add3A_208 = arith.addi %mul3A_144, %add3A_207 : i32
        %get3A_209 = arith.constant 96 : i32
        %get3A_210 = arith.constant 0 : i32
        %get3A_211 = tpu.memref_slice %arg10[%get3A_209, %get3A_210] : memref<192x128xf32, #tpu.memory_space<vmem>> -> memref<96x128xf32, #tpu.memory_space<vmem>>
        %get3A_212 = arith.index_cast %add3A_208 : i32 to index
        %get3A_213 = arith.constant 0 : index
        %get3A_214 = tpu.vector_load %get3A_211[%get3A_212, %get3A_213] {strides = array<i32>} : memref<96x128xf32, #tpu.memory_space<vmem>>, vector<16xf32>,
        %mul3A_215 = arith.mulf %get3A_214, %gather3A_161 : vector<16xf32>
        %add3A_216 = arith.constant 3 : i32
        %add3A_217 = arith.addi %mul3A_144, %add3A_216 : i32
        %swap3A_218 = arith.constant 96 : i32
        %swap3A_219 = arith.constant 0 : i32
        %swap3A_220 = tpu.memref_slice %arg10[%swap3A_218, %swap3A_219] : memref<192x128xf32, #tpu.memory_space<vmem>> -> memref<96x128xf32, #tpu.memory_space<vmem>>
        %swap3A_221 = arith.index_cast %add3A_217 : i32 to index
        %swap3A_222 = arith.constant 0 : index
        %swap3A_223 = tpu.vector_load %swap3A_220[%swap3A_221, %swap3A_222] {strides = array<i32>} : memref<96x128xf32, #tpu.memory_space<vmem>>, vector<16xf32>,
        tpu.vector_store %swap3A_220[%swap3A_221, %swap3A_222], %mul3A_215 {strides = array<i32>} : memref<96x128xf32, #tpu.memory_space<vmem>>, vector<16xf32>,
        %get3A_224 = arith.constant 96 : i32
        %get3A_225 = arith.constant 0 : i32
        %get3A_226 = tpu.memref_slice %arg10[%get3A_224, %get3A_225] : memref<192x128xf32, #tpu.memory_space<vmem>> -> memref<96x128xf32, #tpu.memory_space<vmem>>
        %get3A_227 = arith.index_cast %mul3A_144 : i32 to index
        %get3A_228 = arith.constant 16 : index
        %get3A_229 = tpu.vector_load %get3A_226[%get3A_227, %get3A_228] {strides = array<i32>} : memref<96x128xf32, #tpu.memory_space<vmem>>, vector<16xf32>,
        %mul3A_230 = arith.mulf %get3A_229, %gather3A : vector<16xf32>
        %swap3A_231 = arith.constant 96 : i32
        %swap3A_232 = arith.constant 0 : i32
        %swap3A_233 = tpu.memref_slice %arg10[%swap3A_231, %swap3A_232] : memref<192x128xf32, #tpu.memory_space<vmem>> -> memref<96x128xf32, #tpu.memory_space<vmem>>
        %swap3A_234 = arith.index_cast %mul3A_144 : i32 to index
        %swap3A_235 = arith.constant 16 : index
        %swap3A_236 = tpu.vector_load %swap3A_233[%swap3A_234, %swap3A_235] {strides = array<i32>} : memref<96x128xf32, #tpu.memory_space<vmem>>, vector<16xf32>,
        tpu.vector_store %swap3A_233[%swap3A_234, %swap3A_235], %mul3A_230 {strides = array<i32>} : memref<96x128xf32, #tpu.memory_space<vmem>>, vector<16xf32>,
        %add3A_237 = arith.constant 1 : i32
        %add3A_238 = arith.addi %mul3A_144, %add3A_237 : i32
        %get3A_239 = arith.constant 96 : i32
        %get3A_240 = arith.constant 0 : i32
        %get3A_241 = tpu.memref_slice %arg10[%get3A_239, %get3A_240] : memref<192x128xf32, #tpu.memory_space<vmem>> -> memref<96x128xf32, #tpu.memory_space<vmem>>
        %get3A_242 = arith.index_cast %add3A_238 : i32 to index
        %get3A_243 = arith.constant 16 : index
        %get3A_244 = tpu.vector_load %get3A_241[%get3A_242, %get3A_243] {strides = array<i32>} : memref<96x128xf32, #tpu.memory_space<vmem>>, vector<16xf32>,
        %mul3A_245 = arith.mulf %get3A_244, %gather3A_151 : vector<16xf32>
        %add3A_246 = arith.constant 1 : i32
        %add3A_247 = arith.addi %mul3A_144, %add3A_246 : i32
        %swap3A_248 = arith.constant 96 : i32
        %swap3A_249 = arith.constant 0 : i32
        %swap3A_250 = tpu.memref_slice %arg10[%swap3A_248, %swap3A_249] : memref<192x128xf32, #tpu.memory_space<vmem>> -> memref<96x128xf32, #tpu.memory_space<vmem>>
        %swap3A_251 = arith.index_cast %add3A_247 : i32 to index
        %swap3A_252 = arith.constant 16 : index
        %swap3A_253 = tpu.vector_load %swap3A_250[%swap3A_251, %swap3A_252] {strides = array<i32>} : memref<96x128xf32, #tpu.memory_space<vmem>>, vector<16xf32>,
        tpu.vector_store %swap3A_250[%swap3A_251, %swap3A_252], %mul3A_245 {strides = array<i32>} : memref<96x128xf32, #tpu.memory_space<vmem>>, vector<16xf32>,
        %add3A_254 = arith.constant 2 : i32
        %add3A_255 = arith.addi %mul3A_144, %add3A_254 : i32
        %get3A_256 = arith.constant 96 : i32
        %get3A_257 = arith.constant 0 : i32
        %get3A_258 = tpu.memref_slice %arg10[%get3A_256, %get3A_257] : memref<192x128xf32, #tpu.memory_space<vmem>> -> memref<96x128xf32, #tpu.memory_space<vmem>>
        %get3A_259 = arith.index_cast %add3A_255 : i32 to index
        %get3A_260 = arith.constant 16 : index
        %get3A_261 = tpu.vector_load %get3A_258[%get3A_259, %get3A_260] {strides = array<i32>} : memref<96x128xf32, #tpu.memory_space<vmem>>, vector<16xf32>,
        %mul3A_262 = arith.mulf %get3A_261, %gather3A_156 : vector<16xf32>
        %add3A_263 = arith.constant 2 : i32
        %add3A_264 = arith.addi %mul3A_144, %add3A_263 : i32
        %swap3A_265 = arith.constant 96 : i32
        %swap3A_266 = arith.constant 0 : i32
        %swap3A_267 = tpu.memref_slice %arg10[%swap3A_265, %swap3A_266] : memref<192x128xf32, #tpu.memory_space<vmem>> -> memref<96x128xf32, #tpu.memory_space<vmem>>
        %swap3A_268 = arith.index_cast %add3A_264 : i32 to index
        %swap3A_269 = arith.constant 16 : index
        %swap3A_270 = tpu.vector_load %swap3A_267[%swap3A_268, %swap3A_269] {strides = array<i32>} : memref<96x128xf32, #tpu.memory_space<vmem>>, vector<16xf32>,
        tpu.vector_store %swap3A_267[%swap3A_268, %swap3A_269], %mul3A_262 {strides = array<i32>} : memref<96x128xf32, #tpu.memory_space<vmem>>, vector<16xf32>,
        %add3A_271 = arith.constant 3 : i32
        %add3A_272 = arith.addi %mul3A_144, %add3A_271 : i32
        %get3A_273 = arith.constant 96 : i32
        %get3A_274 = arith.constant 0 : i32
        %get3A_275 = tpu.memref_slice %arg10[%get3A_273, %get3A_274] : memref<192x128xf32, #tpu.memory_space<vmem>> -> memref<96x128xf32, #tpu.memory_space<vmem>>
        %get3A_276 = arith.index_cast %add3A_272 : i32 to index
        %get3A_277 = arith.constant 16 : index
        %get3A_278 = tpu.vector_load %get3A_275[%get3A_276, %get3A_277] {strides = array<i32>} : memref<96x128xf32, #tpu.memory_space<vmem>>, vector<16xf32>,
        %mul3A_279 = arith.mulf %get3A_278, %gather3A_161 : vector<16xf32>
        %add3A_280 = arith.constant 3 : i32
        %add3A_281 = arith.addi %mul3A_144, %add3A_280 : i32
        %swap3A_282 = arith.constant 96 : i32
        %swap3A_283 = arith.constant 0 : i32
        %swap3A_284 = tpu.memref_slice %arg10[%swap3A_282, %swap3A_283] : memref<192x128xf32, #tpu.memory_space<vmem>> -> memref<96x128xf32, #tpu.memory_space<vmem>>
        %swap3A_285 = arith.index_cast %add3A_281 : i32 to index
        %swap3A_286 = arith.constant 16 : index
        %swap3A_287 = tpu.vector_load %swap3A_284[%swap3A_285, %swap3A_286] {strides = array<i32>} : memref<96x128xf32, #tpu.memory_space<vmem>>, vector<16xf32>,
        tpu.vector_store %swap3A_284[%swap3A_285, %swap3A_286], %mul3A_279 {strides = array<i32>} : memref<96x128xf32, #tpu.memory_space<vmem>>, vector<16xf32>,
        %get3A_288 = arith.constant 96 : i32
        %get3A_289 = arith.constant 0 : i32
        %get3A_290 = tpu.memref_slice %arg10[%get3A_288, %get3A_289] : memref<192x128xf32, #tpu.memory_space<vmem>> -> memref<96x128xf32, #tpu.memory_space<vmem>>
        %get3A_291 = arith.index_cast %mul3A_144 : i32 to index
        %get3A_292 = arith.constant 32 : index
        %get3A_293 = tpu.vector_load %get3A_290[%get3A_291, %get3A_292] {strides = array<i32>} : memref<96x128xf32, #tpu.memory_space<vmem>>, vector<16xf32>,
        %mul3A_294 = arith.mulf %get3A_293, %gather3A : vector<16xf32>
        %swap3A_295 = arith.constant 96 : i32
        %swap3A_296 = arith.constant 0 : i32
        %swap3A_297 = tpu.memref_slice %arg10[%swap3A_295, %swap3A_296] : memref<192x128xf32, #tpu.memory_space<vmem>> -> memref<96x128xf32, #tpu.memory_space<vmem>>
        %swap3A_298 = arith.index_cast %mul3A_144 : i32 to index
        %swap3A_299 = arith.constant 32 : index
        %swap3A_300 = tpu.vector_load %swap3A_297[%swap3A_298, %swap3A_299] {strides = array<i32>} : memref<96x128xf32, #tpu.memory_space<vmem>>, vector<16xf32>,
        tpu.vector_store %swap3A_297[%swap3A_298, %swap3A_299], %mul3A_294 {strides = array<i32>} : memref<96x128xf32, #tpu.memory_space<vmem>>, vector<16xf32>,
        %add3A_301 = arith.constant 1 : i32
        %add3A_302 = arith.addi %mul3A_144, %add3A_301 : i32
        %get3A_303 = arith.constant 96 : i32
        %get3A_304 = arith.constant 0 : i32
        %get3A_305 = tpu.memref_slice %arg10[%get3A_303, %get3A_304] : memref<192x128xf32, #tpu.memory_space<vmem>> -> memref<96x128xf32, #tpu.memory_space<vmem>>
        %get3A_306 = arith.index_cast %add3A_302 : i32 to index
        %get3A_307 = arith.constant 32 : index
        %get3A_308 = tpu.vector_load %get3A_305[%get3A_306, %get3A_307] {strides = array<i32>} : memref<96x128xf32, #tpu.memory_space<vmem>>, vector<16xf32>,
        %mul3A_309 = arith.mulf %get3A_308, %gather3A_151 : vector<16xf32>
        %add3A_310 = arith.constant 1 : i32
        %add3A_311 = arith.addi %mul3A_144, %add3A_310 : i32
        %swap3A_312 = arith.constant 96 : i32
        %swap3A_313 = arith.constant 0 : i32
        %swap3A_314 = tpu.memref_slice %arg10[%swap3A_312, %swap3A_313] : memref<192x128xf32, #tpu.memory_space<vmem>> -> memref<96x128xf32, #tpu.memory_space<vmem>>
        %swap3A_315 = arith.index_cast %add3A_311 : i32 to index
        %swap3A_316 = arith.constant 32 : index
        %swap3A_317 = tpu.vector_load %swap3A_314[%swap3A_315, %swap3A_316] {strides = array<i32>} : memref<96x128xf32, #tpu.memory_space<vmem>>, vector<16xf32>,
        tpu.vector_store %swap3A_314[%swap3A_315, %swap3A_316], %mul3A_309 {strides = array<i32>} : memref<96x128xf32, #tpu.memory_space<vmem>>, vector<16xf32>,
        %add3A_318 = arith.constant 2 : i32
        %add3A_319 = arith.addi %mul3A_144, %add3A_318 : i32
        %get3A_320 = arith.constant 96 : i32
        %get3A_321 = arith.constant 0 : i32
        %get3A_322 = tpu.memref_slice %arg10[%get3A_320, %get3A_321] : memref<192x128xf32, #tpu.memory_space<vmem>> -> memref<96x128xf32, #tpu.memory_space<vmem>>
        %get3A_323 = arith.index_cast %add3A_319 : i32 to index
        %get3A_324 = arith.constant 32 : index
        %get3A_325 = tpu.vector_load %get3A_322[%get3A_323, %get3A_324] {strides = array<i32>} : memref<96x128xf32, #tpu.memory_space<vmem>>, vector<16xf32>,
        %mul3A_326 = arith.mulf %get3A_325, %gather3A_156 : vector<16xf32>
        %add3A_327 = arith.constant 2 : i32
        %add3A_328 = arith.addi %mul3A_144, %add3A_327 : i32
        %swap3A_329 = arith.constant 96 : i32
        %swap3A_330 = arith.constant 0 : i32
        %swap3A_331 = tpu.memref_slice %arg10[%swap3A_329, %swap3A_330] : memref<192x128xf32, #tpu.memory_space<vmem>> -> memref<96x128xf32, #tpu.memory_space<vmem>>
        %swap3A_332 = arith.index_cast %add3A_328 : i32 to index
        %swap3A_333 = arith.constant 32 : index
        %swap3A_334 = tpu.vector_load %swap3A_331[%swap3A_332, %swap3A_333] {strides = array<i32>} : memref<96x128xf32, #tpu.memory_space<vmem>>, vector<16xf32>,
        tpu.vector_store %swap3A_331[%swap3A_332, %swap3A_333], %mul3A_326 {strides = array<i32>} : memref<96x128xf32, #tpu.memory_space<vmem>>, vector<16xf32>,
        %add3A_335 = arith.constant 3 : i32
        %add3A_336 = arith.addi %mul3A_144, %add3A_335 : i32
        %get3A_337 = arith.constant 96 : i32
        %get3A_338 = arith.constant 0 : i32
        %get3A_339 = tpu.memref_slice %arg10[%get3A_337, %get3A_338] : memref<192x128xf32, #tpu.memory_space<vmem>> -> memref<96x128xf32, #tpu.memory_space<vmem>>
        %get3A_340 = arith.index_cast %add3A_336 : i32 to index
        %get3A_341 = arith.constant 32 : index
        %get3A_342 = tpu.vector_load %get3A_339[%get3A_340, %get3A_341] {strides = array<i32>} : memref<96x128xf32, #tpu.memory_space<vmem>>, vector<16xf32>,
        %mul3A_343 = arith.mulf %get3A_342, %gather3A_161 : vector<16xf32>
        %add3A_344 = arith.constant 3 : i32
        %add3A_345 = arith.addi %mul3A_144, %add3A_344 : i32
        %swap3A_346 = arith.constant 96 : i32
        %swap3A_347 = arith.constant 0 : i32
        %swap3A_348 = tpu.memref_slice %arg10[%swap3A_346, %swap3A_347] : memref<192x128xf32, #tpu.memory_space<vmem>> -> memref<96x128xf32, #tpu.memory_space<vmem>>
        %swap3A_349 = arith.index_cast %add3A_345 : i32 to index
        %swap3A_350 = arith.constant 32 : index
        %swap3A_351 = tpu.vector_load %swap3A_348[%swap3A_349, %swap3A_350] {strides = array<i32>} : memref<96x128xf32, #tpu.memory_space<vmem>>, vector<16xf32>,
        tpu.vector_store %swap3A_348[%swap3A_349, %swap3A_350], %mul3A_343 {strides = array<i32>} : memref<96x128xf32, #tpu.memory_space<vmem>>, vector<16xf32>,
        %get3A_352 = arith.constant 96 : i32
        %get3A_353 = arith.constant 0 : i32
        %get3A_354 = tpu.memref_slice %arg10[%get3A_352, %get3A_353] : memref<192x128xf32, #tpu.memory_space<vmem>> -> memref<96x128xf32, #tpu.memory_space<vmem>>
        %get3A_355 = arith.index_cast %mul3A_144 : i32 to index
        %get3A_356 = arith.constant 48 : index
        %get3A_357 = tpu.vector_load %get3A_354[%get3A_355, %get3A_356] {strides = array<i32>} : memref<96x128xf32, #tpu.memory_space<vmem>>, vector<16xf32>,
        %mul3A_358 = arith.mulf %get3A_357, %gather3A : vector<16xf32>
        %swap3A_359 = arith.constant 96 : i32
        %swap3A_360 = arith.constant 0 : i32
        %swap3A_361 = tpu.memref_slice %arg10[%swap3A_359, %swap3A_360] : memref<192x128xf32, #tpu.memory_space<vmem>> -> memref<96x128xf32, #tpu.memory_space<vmem>>
        %swap3A_362 = arith.index_cast %mul3A_144 : i32 to index
        %swap3A_363 = arith.constant 48 : index
        %swap3A_364 = tpu.vector_load %swap3A_361[%swap3A_362, %swap3A_363] {strides = array<i32>} : memref<96x128xf32, #tpu.memory_space<vmem>>, vector<16xf32>,
        tpu.vector_store %swap3A_361[%swap3A_362, %swap3A_363], %mul3A_358 {strides = array<i32>} : memref<96x128xf32, #tpu.memory_space<vmem>>, vector<16xf32>,
        %add3A_365 = arith.constant 1 : i32
        %add3A_366 = arith.addi %mul3A_144, %add3A_365 : i32
        %get3A_367 = arith.constant 96 : i32
        %get3A_368 = arith.constant 0 : i32
        %get3A_369 = tpu.memref_slice %arg10[%get3A_367, %get3A_368] : memref<192x128xf32, #tpu.memory_space<vmem>> -> memref<96x128xf32, #tpu.memory_space<vmem>>
        %get3A_370 = arith.index_cast %add3A_366 : i32 to index
        %get3A_371 = arith.constant 48 : index
        %get3A_372 = tpu.vector_load %get3A_369[%get3A_370, %get3A_371] {strides = array<i32>} : memref<96x128xf32, #tpu.memory_space<vmem>>, vector<16xf32>,
        %mul3A_373 = arith.mulf %get3A_372, %gather3A_151 : vector<16xf32>
        %add3A_374 = arith.constant 1 : i32
        %add3A_375 = arith.addi %mul3A_144, %add3A_374 : i32
        %swap3A_376 = arith.constant 96 : i32
        %swap3A_377 = arith.constant 0 : i32
        %swap3A_378 = tpu.memref_slice %arg10[%swap3A_376, %swap3A_377] : memref<192x128xf32, #tpu.memory_space<vmem>> -> memref<96x128xf32, #tpu.memory_space<vmem>>
        %swap3A_379 = arith.index_cast %add3A_375 : i32 to index
        %swap3A_380 = arith.constant 48 : index
        %swap3A_381 = tpu.vector_load %swap3A_378[%swap3A_379, %swap3A_380] {strides = array<i32>} : memref<96x128xf32, #tpu.memory_space<vmem>>, vector<16xf32>,
        tpu.vector_store %swap3A_378[%swap3A_379, %swap3A_380], %mul3A_373 {strides = array<i32>} : memref<96x128xf32, #tpu.memory_space<vmem>>, vector<16xf32>,
        %add3A_382 = arith.constant 2 : i32
        %add3A_383 = arith.addi %mul3A_144, %add3A_382 : i32
        %get3A_384 = arith.constant 96 : i32
        %get3A_385 = arith.constant 0 : i32
        %get3A_386 = tpu.memref_slice %arg10[%get3A_384, %get3A_385] : memref<192x128xf32, #tpu.memory_space<vmem>> -> memref<96x128xf32, #tpu.memory_space<vmem>>
        %get3A_387 = arith.index_cast %add3A_383 : i32 to index
        %get3A_388 = arith.constant 48 : index
        %get3A_389 = tpu.vector_load %get3A_386[%get3A_387, %get3A_388] {strides = array<i32>} : memref<96x128xf32, #tpu.memory_space<vmem>>, vector<16xf32>,
        %mul3A_390 = arith.mulf %get3A_389, %gather3A_156 : vector<16xf32>
        %add3A_391 = arith.constant 2 : i32
        %add3A_392 = arith.addi %mul3A_144, %add3A_391 : i32
        %swap3A_393 = arith.constant 96 : i32
        %swap3A_394 = arith.constant 0 : i32
        %swap3A_395 = tpu.memref_slice %arg10[%swap3A_393, %swap3A_394] : memref<192x128xf32, #tpu.memory_space<vmem>> -> memref<96x128xf32, #tpu.memory_space<vmem>>
        %swap3A_396 = arith.index_cast %add3A_392 : i32 to index
        %swap3A_397 = arith.constant 48 : index
        %swap3A_398 = tpu.vector_load %swap3A_395[%swap3A_396, %swap3A_397] {strides = array<i32>} : memref<96x128xf32, #tpu.memory_space<vmem>>, vector<16xf32>,
        tpu.vector_store %swap3A_395[%swap3A_396, %swap3A_397], %mul3A_390 {strides = array<i32>} : memref<96x128xf32, #tpu.memory_space<vmem>>, vector<16xf32>,
        %add3A_399 = arith.constant 3 : i32
        %add3A_400 = arith.addi %mul3A_144, %add3A_399 : i32
        %get3A_401 = arith.constant 96 : i32
        %get3A_402 = arith.constant 0 : i32
        %get3A_403 = tpu.memref_slice %arg10[%get3A_401, %get3A_402] : memref<192x128xf32, #tpu.memory_space<vmem>> -> memref<96x128xf32, #tpu.memory_space<vmem>>
        %get3A_404 = arith.index_cast %add3A_400 : i32 to index
        %get3A_405 = arith.constant 48 : index
        %get3A_406 = tpu.vector_load %get3A_403[%get3A_404, %get3A_405] {strides = array<i32>} : memref<96x128xf32, #tpu.memory_space<vmem>>, vector<16xf32>,
        %mul3A_407 = arith.mulf %get3A_406, %gather3A_161 : vector<16xf32>
        %add3A_408 = arith.constant 3 : i32
        %add3A_409 = arith.addi %mul3A_144, %add3A_408 : i32
        %swap3A_410 = arith.constant 96 : i32
        %swap3A_411 = arith.constant 0 : i32
        %swap3A_412 = tpu.memref_slice %arg10[%swap3A_410, %swap3A_411] : memref<192x128xf32, #tpu.memory_space<vmem>> -> memref<96x128xf32, #tpu.memory_space<vmem>>
        %swap3A_413 = arith.index_cast %add3A_409 : i32 to index
        %swap3A_414 = arith.constant 48 : index
        %swap3A_415 = tpu.vector_load %swap3A_412[%swap3A_413, %swap3A_414] {strides = array<i32>} : memref<96x128xf32, #tpu.memory_space<vmem>>, vector<16xf32>,
        tpu.vector_store %swap3A_412[%swap3A_413, %swap3A_414], %mul3A_407 {strides = array<i32>} : memref<96x128xf32, #tpu.memory_space<vmem>>, vector<16xf32>,
        %get3A_416 = arith.constant 96 : i32
        %get3A_417 = arith.constant 0 : i32
        %get3A_418 = tpu.memref_slice %arg10[%get3A_416, %get3A_417] : memref<192x128xf32, #tpu.memory_space<vmem>> -> memref<96x128xf32, #tpu.memory_space<vmem>>
        %get3A_419 = arith.index_cast %mul3A_144 : i32 to index
        %get3A_420 = arith.constant 64 : index
        %get3A_421 = tpu.vector_load %get3A_418[%get3A_419, %get3A_420] {strides = array<i32>} : memref<96x128xf32, #tpu.memory_space<vmem>>, vector<16xf32>,
        %mul3A_422 = arith.mulf %get3A_421, %gather3A : vector<16xf32>
        %swap3A_423 = arith.constant 96 : i32
        %swap3A_424 = arith.constant 0 : i32
        %swap3A_425 = tpu.memref_slice %arg10[%swap3A_423, %swap3A_424] : memref<192x128xf32, #tpu.memory_space<vmem>> -> memref<96x128xf32, #tpu.memory_space<vmem>>
        %swap3A_426 = arith.index_cast %mul3A_144 : i32 to index
        %swap3A_427 = arith.constant 64 : index
        %swap3A_428 = tpu.vector_load %swap3A_425[%swap3A_426, %swap3A_427] {strides = array<i32>} : memref<96x128xf32, #tpu.memory_space<vmem>>, vector<16xf32>,
        tpu.vector_store %swap3A_425[%swap3A_426, %swap3A_427], %mul3A_422 {strides = array<i32>} : memref<96x128xf32, #tpu.memory_space<vmem>>, vector<16xf32>,
        %add3A_429 = arith.constant 1 : i32
        %add3A_430 = arith.addi %mul3A_144, %add3A_429 : i32
        %get3A_431 = arith.constant 96 : i32
        %get3A_432 = arith.constant 0 : i32
        %get3A_433 = tpu.memref_slice %arg10[%get3A_431, %get3A_432] : memref<192x128xf32, #tpu.memory_space<vmem>> -> memref<96x128xf32, #tpu.memory_space<vmem>>
        %get3A_434 = arith.index_cast %add3A_430 : i32 to index
        %get3A_435 = arith.constant 64 : index
        %get3A_436 = tpu.vector_load %get3A_433[%get3A_434, %get3A_435] {strides = array<i32>} : memref<96x128xf32, #tpu.memory_space<vmem>>, vector<16xf32>,
        %mul3A_437 = arith.mulf %get3A_436, %gather3A_151 : vector<16xf32>
        %add3A_438 = arith.constant 1 : i32
        %add3A_439 = arith.addi %mul3A_144, %add3A_438 : i32
        %swap3A_440 = arith.constant 96 : i32
        %swap3A_441 = arith.constant 0 : i32
        %swap3A_442 = tpu.memref_slice %arg10[%swap3A_440, %swap3A_441] : memref<192x128xf32, #tpu.memory_space<vmem>> -> memref<96x128xf32, #tpu.memory_space<vmem>>
        %swap3A_443 = arith.index_cast %add3A_439 : i32 to index
        %swap3A_444 = arith.constant 64 : index
        %swap3A_445 = tpu.vector_load %swap3A_442[%swap3A_443, %swap3A_444] {strides = array<i32>} : memref<96x128xf32, #tpu.memory_space<vmem>>, vector<16xf32>,
        tpu.vector_store %swap3A_442[%swap3A_443, %swap3A_444], %mul3A_437 {strides = array<i32>} : memref<96x128xf32, #tpu.memory_space<vmem>>, vector<16xf32>,
        %add3A_446 = arith.constant 2 : i32
        %add3A_447 = arith.addi %mul3A_144, %add3A_446 : i32
        %get3A_448 = arith.constant 96 : i32
        %get3A_449 = arith.constant 0 : i32
        %get3A_450 = tpu.memref_slice %arg10[%get3A_448, %get3A_449] : memref<192x128xf32, #tpu.memory_space<vmem>> -> memref<96x128xf32, #tpu.memory_space<vmem>>
        %get3A_451 = arith.index_cast %add3A_447 : i32 to index
        %get3A_452 = arith.constant 64 : index
        %get3A_453 = tpu.vector_load %get3A_450[%get3A_451, %get3A_452] {strides = array<i32>} : memref<96x128xf32, #tpu.memory_space<vmem>>, vector<16xf32>,
        %mul3A_454 = arith.mulf %get3A_453, %gather3A_156 : vector<16xf32>
        %add3A_455 = arith.constant 2 : i32
        %add3A_456 = arith.addi %mul3A_144, %add3A_455 : i32
        %swap3A_457 = arith.constant 96 : i32
        %swap3A_458 = arith.constant 0 : i32
        %swap3A_459 = tpu.memref_slice %arg10[%swap3A_457, %swap3A_458] : memref<192x128xf32, #tpu.memory_space<vmem>> -> memref<96x128xf32, #tpu.memory_space<vmem>>
        %swap3A_460 = arith.index_cast %add3A_456 : i32 to index
        %swap3A_461 = arith.constant 64 : index
        %swap3A_462 = tpu.vector_load %swap3A_459[%swap3A_460, %swap3A_461] {strides = array<i32>} : memref<96x128xf32, #tpu.memory_space<vmem>>, vector<16xf32>,
        tpu.vector_store %swap3A_459[%swap3A_460, %swap3A_461], %mul3A_454 {strides = array<i32>} : memref<96x128xf32, #tpu.memory_space<vmem>>, vector<16xf32>,
        %add3A_463 = arith.constant 3 : i32
        %add3A_464 = arith.addi %mul3A_144, %add3A_463 : i32
        %get3A_465 = arith.constant 96 : i32
        %get3A_466 = arith.constant 0 : i32
        %get3A_467 = tpu.memref_slice %arg10[%get3A_465, %get3A_466] : memref<192x128xf32, #tpu.memory_space<vmem>> -> memref<96x128xf32, #tpu.memory_space<vmem>>
        %get3A_468 = arith.index_cast %add3A_464 : i32 to index
        %get3A_469 = arith.constant 64 : index
        %get3A_470 = tpu.vector_load %get3A_467[%get3A_468, %get3A_469] {strides = array<i32>} : memref<96x128xf32, #tpu.memory_space<vmem>>, vector<16xf32>,
        %mul3A_471 = arith.mulf %get3A_470, %gather3A_161 : vector<16xf32>
        %add3A_472 = arith.constant 3 : i32
        %add3A_473 = arith.addi %mul3A_144, %add3A_472 : i32
        %swap3A_474 = arith.constant 96 : i32
        %swap3A_475 = arith.constant 0 : i32
        %swap3A_476 = tpu.memref_slice %arg10[%swap3A_474, %swap3A_475] : memref<192x128xf32, #tpu.memory_space<vmem>> -> memref<96x128xf32, #tpu.memory_space<vmem>>
        %swap3A_477 = arith.index_cast %add3A_473 : i32 to index
        %swap3A_478 = arith.constant 64 : index
        %swap3A_479 = tpu.vector_load %swap3A_476[%swap3A_477, %swap3A_478] {strides = array<i32>} : memref<96x128xf32, #tpu.memory_space<vmem>>, vector<16xf32>,
        tpu.vector_store %swap3A_476[%swap3A_477, %swap3A_478], %mul3A_471 {strides = array<i32>} : memref<96x128xf32, #tpu.memory_space<vmem>>, vector<16xf32>,
        %get3A_480 = arith.constant 96 : i32
        %get3A_481 = arith.constant 0 : i32
        %get3A_482 = tpu.memref_slice %arg10[%get3A_480, %get3A_481] : memref<192x128xf32, #tpu.memory_space<vmem>> -> memref<96x128xf32, #tpu.memory_space<vmem>>
        %get3A_483 = arith.index_cast %mul3A_144 : i32 to index
        %get3A_484 = arith.constant 80 : index
        %get3A_485 = tpu.vector_load %get3A_482[%get3A_483, %get3A_484] {strides = array<i32>} : memref<96x128xf32, #tpu.memory_space<vmem>>, vector<16xf32>,
        %mul3A_486 = arith.mulf %get3A_485, %gather3A : vector<16xf32>
        %swap3A_487 = arith.constant 96 : i32
        %swap3A_488 = arith.constant 0 : i32
        %swap3A_489 = tpu.memref_slice %arg10[%swap3A_487, %swap3A_488] : memref<192x128xf32, #tpu.memory_space<vmem>> -> memref<96x128xf32, #tpu.memory_space<vmem>>
        %swap3A_490 = arith.index_cast %mul3A_144 : i32 to index
        %swap3A_491 = arith.constant 80 : index
        %swap3A_492 = tpu.vector_load %swap3A_489[%swap3A_490, %swap3A_491] {strides = array<i32>} : memref<96x128xf32, #tpu.memory_space<vmem>>, vector<16xf32>,
        tpu.vector_store %swap3A_489[%swap3A_490, %swap3A_491], %mul3A_486 {strides = array<i32>} : memref<96x128xf32, #tpu.memory_space<vmem>>, vector<16xf32>,
        %add3A_493 = arith.constant 1 : i32
        %add3A_494 = arith.addi %mul3A_144, %add3A_493 : i32
        %get3A_495 = arith.constant 96 : i32
        %get3A_496 = arith.constant 0 : i32
        %get3A_497 = tpu.memref_slice %arg10[%get3A_495, %get3A_496] : memref<192x128xf32, #tpu.memory_space<vmem>> -> memref<96x128xf32, #tpu.memory_space<vmem>>
        %get3A_498 = arith.index_cast %add3A_494 : i32 to index
        %get3A_499 = arith.constant 80 : index
        %get3A_500 = tpu.vector_load %get3A_497[%get3A_498, %get3A_499] {strides = array<i32>} : memref<96x128xf32, #tpu.memory_space<vmem>>, vector<16xf32>,
        %mul3A_501 = arith.mulf %get3A_500, %gather3A_151 : vector<16xf32>
        %add3A_502 = arith.constant 1 : i32
        %add3A_503 = arith.addi %mul3A_144, %add3A_502 : i32
        %swap3A_504 = arith.constant 96 : i32
        %swap3A_505 = arith.constant 0 : i32
        %swap3A_506 = tpu.memref_slice %arg10[%swap3A_504, %swap3A_505] : memref<192x128xf32, #tpu.memory_space<vmem>> -> memref<96x128xf32, #tpu.memory_space<vmem>>
        %swap3A_507 = arith.index_cast %add3A_503 : i32 to index
        %swap3A_508 = arith.constant 80 : index
        %swap3A_509 = tpu.vector_load %swap3A_506[%swap3A_507, %swap3A_508] {strides = array<i32>} : memref<96x128xf32, #tpu.memory_space<vmem>>, vector<16xf32>,
        tpu.vector_store %swap3A_506[%swap3A_507, %swap3A_508], %mul3A_501 {strides = array<i32>} : memref<96x128xf32, #tpu.memory_space<vmem>>, vector<16xf32>,
        %add3A_510 = arith.constant 2 : i32
        %add3A_511 = arith.addi %mul3A_144, %add3A_510 : i32
        %get3A_512 = arith.constant 96 : i32
        %get3A_513 = arith.constant 0 : i32
        %get3A_514 = tpu.memref_slice %arg10[%get3A_512, %get3A_513] : memref<192x128xf32, #tpu.memory_space<vmem>> -> memref<96x128xf32, #tpu.memory_space<vmem>>
        %get3A_515 = arith.index_cast %add3A_511 : i32 to index
        %get3A_516 = arith.constant 80 : index
        %get3A_517 = tpu.vector_load %get3A_514[%get3A_515, %get3A_516] {strides = array<i32>} : memref<96x128xf32, #tpu.memory_space<vmem>>, vector<16xf32>,
        %mul3A_518 = arith.mulf %get3A_517, %gather3A_156 : vector<16xf32>
        %add3A_519 = arith.constant 2 : i32
        %add3A_520 = arith.addi %mul3A_144, %add3A_519 : i32
        %swap3A_521 = arith.constant 96 : i32
        %swap3A_522 = arith.constant 0 : i32
        %swap3A_523 = tpu.memref_slice %arg10[%swap3A_521, %swap3A_522] : memref<192x128xf32, #tpu.memory_space<vmem>> -> memref<96x128xf32, #tpu.memory_space<vmem>>
        %swap3A_524 = arith.index_cast %add3A_520 : i32 to index
        %swap3A_525 = arith.constant 80 : index
        %swap3A_526 = tpu.vector_load %swap3A_523[%swap3A_524, %swap3A_525] {strides = array<i32>} : memref<96x128xf32, #tpu.memory_space<vmem>>, vector<16xf32>,
        tpu.vector_store %swap3A_523[%swap3A_524, %swap3A_525], %mul3A_518 {strides = array<i32>} : memref<96x128xf32, #tpu.memory_space<vmem>>, vector<16xf32>,
        %add3A_527 = arith.constant 3 : i32
        %add3A_528 = arith.addi %mul3A_144, %add3A_527 : i32
        %get3A_529 = arith.constant 96 : i32
        %get3A_530 = arith.constant 0 : i32
        %get3A_531 = tpu.memref_slice %arg10[%get3A_529, %get3A_530] : memref<192x128xf32, #tpu.memory_space<vmem>> -> memref<96x128xf32, #tpu.memory_space<vmem>>
        %get3A_532 = arith.index_cast %add3A_528 : i32 to index
        %get3A_533 = arith.constant 80 : index
        %get3A_534 = tpu.vector_load %get3A_531[%get3A_532, %get3A_533] {strides = array<i32>} : memref<96x128xf32, #tpu.memory_space<vmem>>, vector<16xf32>,
        %mul3A_535 = arith.mulf %get3A_534, %gather3A_161 : vector<16xf32>
        %add3A_536 = arith.constant 3 : i32
        %add3A_537 = arith.addi %mul3A_144, %add3A_536 : i32
        %swap3A_538 = arith.constant 96 : i32
        %swap3A_539 = arith.constant 0 : i32
        %swap3A_540 = tpu.memref_slice %arg10[%swap3A_538, %swap3A_539] : memref<192x128xf32, #tpu.memory_space<vmem>> -> memref<96x128xf32, #tpu.memory_space<vmem>>
        %swap3A_541 = arith.index_cast %add3A_537 : i32 to index
        %swap3A_542 = arith.constant 80 : index
        %swap3A_543 = tpu.vector_load %swap3A_540[%swap3A_541, %swap3A_542] {strides = array<i32>} : memref<96x128xf32, #tpu.memory_space<vmem>>, vector<16xf32>,
        tpu.vector_store %swap3A_540[%swap3A_541, %swap3A_542], %mul3A_535 {strides = array<i32>} : memref<96x128xf32, #tpu.memory_space<vmem>>, vector<16xf32>,
        %get3A_544 = arith.constant 96 : i32
        %get3A_545 = arith.constant 0 : i32
        %get3A_546 = tpu.memref_slice %arg10[%get3A_544, %get3A_545] : memref<192x128xf32, #tpu.memory_space<vmem>> -> memref<96x128xf32, #tpu.memory_space<vmem>>
        %get3A_547 = arith.index_cast %mul3A_144 : i32 to index
        %get3A_548 = arith.constant 96 : index
        %get3A_549 = tpu.vector_load %get3A_546[%get3A_547, %get3A_548] {strides = array<i32>} : memref<96x128xf32, #tpu.memory_space<vmem>>, vector<16xf32>,
        %mul3A_550 = arith.mulf %get3A_549, %gather3A : vector<16xf32>
        %swap3A_551 = arith.constant 96 : i32
        %swap3A_552 = arith.constant 0 : i32
        %swap3A_553 = tpu.memref_slice %arg10[%swap3A_551, %swap3A_552] : memref<192x128xf32, #tpu.memory_space<vmem>> -> memref<96x128xf32, #tpu.memory_space<vmem>>
        %swap3A_554 = arith.index_cast %mul3A_144 : i32 to index
        %swap3A_555 = arith.constant 96 : index
        %swap3A_556 = tpu.vector_load %swap3A_553[%swap3A_554, %swap3A_555] {strides = array<i32>} : memref<96x128xf32, #tpu.memory_space<vmem>>, vector<16xf32>,
        tpu.vector_store %swap3A_553[%swap3A_554, %swap3A_555], %mul3A_550 {strides = array<i32>} : memref<96x128xf32, #tpu.memory_space<vmem>>, vector<16xf32>,
        %add3A_557 = arith.constant 1 : i32
        %add3A_558 = arith.addi %mul3A_144, %add3A_557 : i32
        %get3A_559 = arith.constant 96 : i32
        %get3A_560 = arith.constant 0 : i32
        %get3A_561 = tpu.memref_slice %arg10[%get3A_559, %get3A_560] : memref<192x128xf32, #tpu.memory_space<vmem>> -> memref<96x128xf32, #tpu.memory_space<vmem>>
        %get3A_562 = arith.index_cast %add3A_558 : i32 to index
        %get3A_563 = arith.constant 96 : index
        %get3A_564 = tpu.vector_load %get3A_561[%get3A_562, %get3A_563] {strides = array<i32>} : memref<96x128xf32, #tpu.memory_space<vmem>>, vector<16xf32>,
        %mul3A_565 = arith.mulf %get3A_564, %gather3A_151 : vector<16xf32>
        %add3A_566 = arith.constant 1 : i32
        %add3A_567 = arith.addi %mul3A_144, %add3A_566 : i32
        %swap3A_568 = arith.constant 96 : i32
        %swap3A_569 = arith.constant 0 : i32
        %swap3A_570 = tpu.memref_slice %arg10[%swap3A_568, %swap3A_569] : memref<192x128xf32, #tpu.memory_space<vmem>> -> memref<96x128xf32, #tpu.memory_space<vmem>>
        %swap3A_571 = arith.index_cast %add3A_567 : i32 to index
        %swap3A_572 = arith.constant 96 : index
        %swap3A_573 = tpu.vector_load %swap3A_570[%swap3A_571, %swap3A_572] {strides = array<i32>} : memref<96x128xf32, #tpu.memory_space<vmem>>, vector<16xf32>,
        tpu.vector_store %swap3A_570[%swap3A_571, %swap3A_572], %mul3A_565 {strides = array<i32>} : memref<96x128xf32, #tpu.memory_space<vmem>>, vector<16xf32>,
        %add3A_574 = arith.constant 2 : i32
        %add3A_575 = arith.addi %mul3A_144, %add3A_574 : i32
        %get3A_576 = arith.constant 96 : i32
        %get3A_577 = arith.constant 0 : i32
        %get3A_578 = tpu.memref_slice %arg10[%get3A_576, %get3A_577] : memref<192x128xf32, #tpu.memory_space<vmem>> -> memref<96x128xf32, #tpu.memory_space<vmem>>
        %get3A_579 = arith.index_cast %add3A_575 : i32 to index
        %get3A_580 = arith.constant 96 : index
        %get3A_581 = tpu.vector_load %get3A_578[%get3A_579, %get3A_580] {strides = array<i32>} : memref<96x128xf32, #tpu.memory_space<vmem>>, vector<16xf32>,
        %mul3A_582 = arith.mulf %get3A_581, %gather3A_156 : vector<16xf32>
        %add3A_583 = arith.constant 2 : i32
        %add3A_584 = arith.addi %mul3A_144, %add3A_583 : i32
        %swap3A_585 = arith.constant 96 : i32
        %swap3A_586 = arith.constant 0 : i32
        %swap3A_587 = tpu.memref_slice %arg10[%swap3A_585, %swap3A_586] : memref<192x128xf32, #tpu.memory_space<vmem>> -> memref<96x128xf32, #tpu.memory_space<vmem>>
        %swap3A_588 = arith.index_cast %add3A_584 : i32 to index
        %swap3A_589 = arith.constant 96 : index
        %swap3A_590 = tpu.vector_load %swap3A_587[%swap3A_588, %swap3A_589] {strides = array<i32>} : memref<96x128xf32, #tpu.memory_space<vmem>>, vector<16xf32>,
        tpu.vector_store %swap3A_587[%swap3A_588, %swap3A_589], %mul3A_582 {strides = array<i32>} : memref<96x128xf32, #tpu.memory_space<vmem>>, vector<16xf32>,
        %add3A_591 = arith.constant 3 : i32
        %add3A_592 = arith.addi %mul3A_144, %add3A_591 : i32
        %get3A_593 = arith.constant 96 : i32
        %get3A_594 = arith.constant 0 : i32
        %get3A_595 = tpu.memref_slice %arg10[%get3A_593, %get3A_594] : memref<192x128xf32, #tpu.memory_space<vmem>> -> memref<96x128xf32, #tpu.memory_space<vmem>>
        %get3A_596 = arith.index_cast %add3A_592 : i32 to index
        %get3A_597 = arith.constant 96 : index
        %get3A_598 = tpu.vector_load %get3A_595[%get3A_596, %get3A_597] {strides = array<i32>} : memref<96x128xf32, #tpu.memory_space<vmem>>, vector<16xf32>,
        %mul3A_599 = arith.mulf %get3A_598, %gather3A_161 : vector<16xf32>
        %add3A_600 = arith.constant 3 : i32
        %add3A_601 = arith.addi %mul3A_144, %add3A_600 : i32
        %swap3A_602 = arith.constant 96 : i32
        %swap3A_603 = arith.constant 0 : i32
        %swap3A_604 = tpu.memref_slice %arg10[%swap3A_602, %swap3A_603] : memref<192x128xf32, #tpu.memory_space<vmem>> -> memref<96x128xf32, #tpu.memory_space<vmem>>
        %swap3A_605 = arith.index_cast %add3A_601 : i32 to index
        %swap3A_606 = arith.constant 96 : index
        %swap3A_607 = tpu.vector_load %swap3A_604[%swap3A_605, %swap3A_606] {strides = array<i32>} : memref<96x128xf32, #tpu.memory_space<vmem>>, vector<16xf32>,
        tpu.vector_store %swap3A_604[%swap3A_605, %swap3A_606], %mul3A_599 {strides = array<i32>} : memref<96x128xf32, #tpu.memory_space<vmem>>, vector<16xf32>,
        %get3A_608 = arith.constant 96 : i32
        %get3A_609 = arith.constant 0 : i32
        %get3A_610 = tpu.memref_slice %arg10[%get3A_608, %get3A_609] : memref<192x128xf32, #tpu.memory_space<vmem>> -> memref<96x128xf32, #tpu.memory_space<vmem>>
        %get3A_611 = arith.index_cast %mul3A_144 : i32 to index
        %get3A_612 = arith.constant 112 : index
        %get3A_613 = tpu.vector_load %get3A_610[%get3A_611, %get3A_612] {strides = array<i32>} : memref<96x128xf32, #tpu.memory_space<vmem>>, vector<16xf32>,
        %mul3A_614 = arith.mulf %get3A_613, %gather3A : vector<16xf32>
        %swap3A_615 = arith.constant 96 : i32
        %swap3A_616 = arith.constant 0 : i32
        %swap3A_617 = tpu.memref_slice %arg10[%swap3A_615, %swap3A_616] : memref<192x128xf32, #tpu.memory_space<vmem>> -> memref<96x128xf32, #tpu.memory_space<vmem>>
        %swap3A_618 = arith.index_cast %mul3A_144 : i32 to index
        %swap3A_619 = arith.constant 112 : index
        %swap3A_620 = tpu.vector_load %swap3A_617[%swap3A_618, %swap3A_619] {strides = array<i32>} : memref<96x128xf32, #tpu.memory_space<vmem>>, vector<16xf32>,
        tpu.vector_store %swap3A_617[%swap3A_618, %swap3A_619], %mul3A_614 {strides = array<i32>} : memref<96x128xf32, #tpu.memory_space<vmem>>, vector<16xf32>,
        %add3A_621 = arith.constant 1 : i32
        %add3A_622 = arith.addi %mul3A_144, %add3A_621 : i32
        %get3A_623 = arith.constant 96 : i32
        %get3A_624 = arith.constant 0 : i32
        %get3A_625 = tpu.memref_slice %arg10[%get3A_623, %get3A_624] : memref<192x128xf32, #tpu.memory_space<vmem>> -> memref<96x128xf32, #tpu.memory_space<vmem>>
        %get3A_626 = arith.index_cast %add3A_622 : i32 to index
        %get3A_627 = arith.constant 112 : index
        %get3A_628 = tpu.vector_load %get3A_625[%get3A_626, %get3A_627] {strides = array<i32>} : memref<96x128xf32, #tpu.memory_space<vmem>>, vector<16xf32>,
        %mul3A_629 = arith.mulf %get3A_628, %gather3A_151 : vector<16xf32>
        %add3A_630 = arith.constant 1 : i32
        %add3A_631 = arith.addi %mul3A_144, %add3A_630 : i32
        %swap3A_632 = arith.constant 96 : i32
        %swap3A_633 = arith.constant 0 : i32
        %swap3A_634 = tpu.memref_slice %arg10[%swap3A_632, %swap3A_633] : memref<192x128xf32, #tpu.memory_space<vmem>> -> memref<96x128xf32, #tpu.memory_space<vmem>>
        %swap3A_635 = arith.index_cast %add3A_631 : i32 to index
        %swap3A_636 = arith.constant 112 : index
        %swap3A_637 = tpu.vector_load %swap3A_634[%swap3A_635, %swap3A_636] {strides = array<i32>} : memref<96x128xf32, #tpu.memory_space<vmem>>, vector<16xf32>,
        tpu.vector_store %swap3A_634[%swap3A_635, %swap3A_636], %mul3A_629 {strides = array<i32>} : memref<96x128xf32, #tpu.memory_space<vmem>>, vector<16xf32>,
        %add3A_638 = arith.constant 2 : i32
        %add3A_639 = arith.addi %mul3A_144, %add3A_638 : i32
        %get3A_640 = arith.constant 96 : i32
        %get3A_641 = arith.constant 0 : i32
        %get3A_642 = tpu.memref_slice %arg10[%get3A_640, %get3A_641] : memref<192x128xf32, #tpu.memory_space<vmem>> -> memref<96x128xf32, #tpu.memory_space<vmem>>
        %get3A_643 = arith.index_cast %add3A_639 : i32 to index
        %get3A_644 = arith.constant 112 : index
        %get3A_645 = tpu.vector_load %get3A_642[%get3A_643, %get3A_644] {strides = array<i32>} : memref<96x128xf32, #tpu.memory_space<vmem>>, vector<16xf32>,
        %mul3A_646 = arith.mulf %get3A_645, %gather3A_156 : vector<16xf32>
        %add3A_647 = arith.constant 2 : i32
        %add3A_648 = arith.addi %mul3A_144, %add3A_647 : i32
        %swap3A_649 = arith.constant 96 : i32
        %swap3A_650 = arith.constant 0 : i32
        %swap3A_651 = tpu.memref_slice %arg10[%swap3A_649, %swap3A_650] : memref<192x128xf32, #tpu.memory_space<vmem>> -> memref<96x128xf32, #tpu.memory_space<vmem>>
        %swap3A_652 = arith.index_cast %add3A_648 : i32 to index
        %swap3A_653 = arith.constant 112 : index
        %swap3A_654 = tpu.vector_load %swap3A_651[%swap3A_652, %swap3A_653] {strides = array<i32>} : memref<96x128xf32, #tpu.memory_space<vmem>>, vector<16xf32>,
        tpu.vector_store %swap3A_651[%swap3A_652, %swap3A_653], %mul3A_646 {strides = array<i32>} : memref<96x128xf32, #tpu.memory_space<vmem>>, vector<16xf32>,
        %add3A_655 = arith.constant 3 : i32
        %add3A_656 = arith.addi %mul3A_144, %add3A_655 : i32
        %get3A_657 = arith.constant 96 : i32
        %get3A_658 = arith.constant 0 : i32
        %get3A_659 = tpu.memref_slice %arg10[%get3A_657, %get3A_658] : memref<192x128xf32, #tpu.memory_space<vmem>> -> memref<96x128xf32, #tpu.memory_space<vmem>>
        %get3A_660 = arith.index_cast %add3A_656 : i32 to index
        %get3A_661 = arith.constant 112 : index
        %get3A_662 = tpu.vector_load %get3A_659[%get3A_660, %get3A_661] {strides = array<i32>} : memref<96x128xf32, #tpu.memory_space<vmem>>, vector<16xf32>,
        %mul3A_663 = arith.mulf %get3A_662, %gather3A_161 : vector<16xf32>
        %add3A_664 = arith.constant 3 : i32
        %add3A_665 = arith.addi %mul3A_144, %add3A_664 : i32
        %swap3A_666 = arith.constant 96 : i32
        %swap3A_667 = arith.constant 0 : i32
        %swap3A_668 = tpu.memref_slice %arg10[%swap3A_666, %swap3A_667] : memref<192x128xf32, #tpu.memory_space<vmem>> -> memref<96x128xf32, #tpu.memory_space<vmem>>
        %swap3A_669 = arith.index_cast %add3A_665 : i32 to index
        %swap3A_670 = arith.constant 112 : index
        %swap3A_671 = tpu.vector_load %swap3A_668[%swap3A_669, %swap3A_670] {strides = array<i32>} : memref<96x128xf32, #tpu.memory_space<vmem>>, vector<16xf32>,
        tpu.vector_store %swap3A_668[%swap3A_669, %swap3A_670], %mul3A_663 {strides = array<i32>} : memref<96x128xf32, #tpu.memory_space<vmem>>, vector<16xf32>,
      }
      %scan3A_132 = arith.constant 24 : i32
      %dma_start3A_133 = arith.constant 96 : i32
      %dma_start3A_134 = arith.constant 0 : i32
      %dma_start3A_135 = tpu.memref_slice %arg10[%dma_start3A_133, %dma_start3A_134] : memref<192x128xf32, #tpu.memory_space<vmem>> -> memref<96x128xf32, #tpu.memory_space<vmem>>
      %dma_start3A_136 = arith.constant 0 : i32
      %dma_start3A_137 = tpu.memref_slice %arg8[%add3A_108, %dma_start3A_136] : memref<50x96xi32, #tpu.memory_space<vmem>> -> memref<1x96xi32, #tpu.memory_space<vmem>>
      %dma_start3A_138 = tpu.memref_squeeze %dma_start3A_137 : memref<1x96xi32, #tpu.memory_space<vmem>> -> memref<96xi32, #tpu.memory_space<vmem>>
      %dma_start3A_139 = arith.constant 0 : i32
      %dma_start3A_140 = arith.constant 0 : i32
      %dma_start3A_141 = tpu.memref_slice %arg11[%dma_start3A_139, %dma_start3A_140] : memref<10240x128xf32, #tpu.memory_space<vmem_shared>> -> memref<10240x128xf32, #tpu.memory_space<vmem_shared>>
      tpu.enqueue_indirect_dma source(%dma_start3A_135 : memref<96x128xf32, #tpu.memory_space<vmem>>) target(%dma_start3A_141 : memref<10240x128xf32, #tpu.memory_space<vmem_shared>>) offsets(%dma_start3A_138 : memref<96xi32, #tpu.memory_space<vmem>>) semaphore(%arg15 : memref<!tpu.dma_semaphore, #tpu.memory_space<semaphore_mem>>) {add = true}
    }
    %scan3A_49 = arith.constant 25 : i32
    %dma_wait3A = arith.constant 0 : i32
    %dma_wait3A_50 = arith.constant 0 : i32
    %dma_wait3A_51 = arith.constant 0 : i32
    %dma_wait3A_52 = tpu.memref_slice %arg10[%dma_wait3A_50, %dma_wait3A_51] : memref<192x128xf32, #tpu.memory_space<vmem>> -> memref<96x128xf32, #tpu.memory_space<vmem>>
    %dma_wait3A_53 = arith.constant 0 : i32
    %dma_wait3A_54 = tpu.memref_slice %arg8[%dma_wait3A, %dma_wait3A_53] : memref<50x96xi32, #tpu.memory_space<vmem>> -> memref<1x96xi32, #tpu.memory_space<vmem>>
    %dma_wait3A_55 = tpu.memref_squeeze %dma_wait3A_54 : memref<1x96xi32, #tpu.memory_space<vmem>> -> memref<96xi32, #tpu.memory_space<vmem>>
    %dma_wait3A_56 = arith.constant 0 : i32
    %dma_wait3A_57 = arith.constant 0 : i32
    %dma_wait3A_58 = tpu.memref_slice %arg11[%dma_wait3A_56, %dma_wait3A_57] : memref<10240x128xf32, #tpu.memory_space<vmem_shared>> -> memref<10240x128xf32, #tpu.memory_space<vmem_shared>>
    tpu.wait_indirect_dma semaphore(%arg14 : memref<!tpu.dma_semaphore, #tpu.memory_space<semaphore_mem>>) src(%dma_wait3A_52 : memref<96x128xf32, #tpu.memory_space<vmem>>) dst(%dma_wait3A_58 : memref<10240x128xf32, #tpu.memory_space<vmem_shared>>)
    %dma_wait3A_59 = arith.constant 0 : i32
    %dma_wait3A_60 = arith.constant 96 : i32
    %dma_wait3A_61 = arith.constant 0 : i32
    %dma_wait3A_62 = tpu.memref_slice %arg10[%dma_wait3A_60, %dma_wait3A_61] : memref<192x128xf32, #tpu.memory_space<vmem>> -> memref<96x128xf32, #tpu.memory_space<vmem>>
    %dma_wait3A_63 = arith.constant 0 : i32
    %dma_wait3A_64 = tpu.memref_slice %arg8[%dma_wait3A_59, %dma_wait3A_63] : memref<50x96xi32, #tpu.memory_space<vmem>> -> memref<1x96xi32, #tpu.memory_space<vmem>>
    %dma_wait3A_65 = tpu.memref_squeeze %dma_wait3A_64 : memref<1x96xi32, #tpu.memory_space<vmem>> -> memref<96xi32, #tpu.memory_space<vmem>>
    %dma_wait3A_66 = arith.constant 0 : i32
    %dma_wait3A_67 = arith.constant 0 : i32
    %dma_wait3A_68 = tpu.memref_slice %arg11[%dma_wait3A_66, %dma_wait3A_67] : memref<10240x128xf32, #tpu.memory_space<vmem_shared>> -> memref<10240x128xf32, #tpu.memory_space<vmem_shared>>
    tpu.wait_indirect_dma semaphore(%arg15 : memref<!tpu.dma_semaphore, #tpu.memory_space<semaphore_mem>>) src(%dma_wait3A_62 : memref<96x128xf32, #tpu.memory_space<vmem>>) dst(%dma_wait3A_68 : memref<10240x128xf32, #tpu.memory_space<vmem_shared>>)
    %barrier3A_69 = arith.constant 0 : index
    tpu.barrier barrier_id(%barrier3A_69)
    "tpu.region"() ({
      %run_scoped3A = tpu.sem_alloc : memref<!tpu.dma_semaphore, #tpu.memory_space<semaphore_mem>>
      %dma_start3A_70 = arith.constant 0 : i32
      %dma_start3A_71 = tpu.memref_slice %arg6[%arg0, %mul3A_0, %dma_start3A_70] : memref<2x10240x128xf32, #tpu.memory_space<hbm>> -> memref<1x640x128xf32, #tpu.memory_space<hbm>>
      %dma_start3A_72 = tpu.memref_squeeze %dma_start3A_71 : memref<1x640x128xf32, #tpu.memory_space<hbm>> -> memref<640x128xf32, #tpu.memory_space<hbm>>
      %dma_start3A_73 = arith.constant 0 : i32
      %dma_start3A_74 = tpu.memref_slice %arg11[%mul3A_0, %dma_start3A_73] : memref<10240x128xf32, #tpu.memory_space<vmem_shared>> -> memref<640x128xf32, #tpu.memory_space<vmem_shared>>
      tpu.enqueue_dma source(%dma_start3A_74 : memref<640x128xf32, #tpu.memory_space<vmem_shared>>) target(%dma_start3A_72 : memref<640x128xf32, #tpu.memory_space<hbm>>) target_semaphore(%run_scoped3A : memref<!tpu.dma_semaphore, #tpu.memory_space<semaphore_mem>>)
      %dma_wait3A_75 = arith.constant 0 : i32
      %dma_wait3A_76 = tpu.memref_slice %arg6[%arg0, %mul3A_0, %dma_wait3A_75] : memref<2x10240x128xf32, #tpu.memory_space<hbm>> -> memref<1x640x128xf32, #tpu.memory_space<hbm>>
      %dma_wait3A_77 = tpu.memref_squeeze %dma_wait3A_76 : memref<1x640x128xf32, #tpu.memory_space<hbm>> -> memref<640x128xf32, #tpu.memory_space<hbm>>
      %dma_wait3A_78 = arith.constant 0 : i32
      %dma_wait3A_79 = tpu.memref_slice %arg11[%mul3A_0, %dma_wait3A_78] : memref<10240x128xf32, #tpu.memory_space<vmem_shared>> -> memref<640x128xf32, #tpu.memory_space<vmem_shared>>
      tpu.wait_dma2 semaphore(%run_scoped3A : memref<!tpu.dma_semaphore, #tpu.memory_space<semaphore_mem>>) src(%dma_wait3A_79 : memref<640x128xf32, #tpu.memory_space<vmem_shared>>) dst(%dma_wait3A_77 : memref<640x128xf32, #tpu.memory_space<hbm>>)
      tpu.yield
    }) : () -> ()
    return
  }
}

module attributes {stable_mosaic.version = 14 : i64} {
  func.func @_mm_body(%arg0: i32, %arg1: memref<256x1024xf32, #tpu.memory_space<vmem>>, %arg2: memref<3x1024x256xf32, #tpu.memory_space<vmem>>, %arg3: memref<1024x128xf32, #tpu.memory_space<vmem>>, %arg4: memref<2x3x256x128xf32, #tpu.memory_space<vmem>>) attributes {dimension_semantics = [#tpu.dimension_semantics<arbitrary>], iteration_bounds = array<i64: 40>, scalar_prefetch = 0 : i64, scratch_operands = 0 : i64, tpu.core_type = #tpu.core_type<tc>, window_params = [{transform_indices = @transform_0, window_bounds = array<i64: 256, 1024>}, {pipeline_mode = #tpu.pipeline_mode<synchronous>, transform_indices = @transform_1, window_bounds = array<i64: 3, 1024, 256>}, {pipeline_mode = #tpu.pipeline_mode<synchronous>, transform_indices = @transform_2, window_bounds = array<i64: 1024, 128>}, {transform_indices = @transform_3, window_bounds = array<i64: 2, 3, 256, 128>}]} {
    %get3A = arith.constant 0 : index
    %get3A_0 = arith.constant 0 : index
    %get3A_1 = vector.load %arg1[%get3A, %get3A_0] : memref<256x1024xf32, #tpu.memory_space<vmem>>, vector<256x1024xf32>
    %get3A_2 = arith.constant 0 : index
    %get3A_3 = arith.constant 0 : index
    %get3A_4 = vector.load %arg3[%get3A_2, %get3A_3] : memref<1024x128xf32, #tpu.memory_space<vmem>>, vector<1024x128xf32>
    %dot_general3A = arith.constant dense<0.000000e+00> : vector<256x128xf32>
    %dot_general3A_5 = tpu.matmul %get3A_1, %get3A_4, %dot_general3A {dimension_numbers = #tpu.dot_dimension_numbers<[1], [0], [0], [1], [0, 0, 1, 1], [], []>, transpose_lhs_hint = false} : vector<256x1024xf32>, vector<1024x128xf32>, vector<256x128xf32> -> vector<256x128xf32>
    %logistic3A = arith.negf %dot_general3A_5 : vector<256x128xf32>
    %logistic3A_6 = math.exp %logistic3A : vector<256x128xf32>
    %logistic3A_7 = arith.constant 1.000000e+00 : f32
    %logistic3A_8 = vector.broadcast %logistic3A_7 : f32 to vector<256x128xf32>
    %logistic3A_9 = arith.addf %logistic3A_8, %logistic3A_6 : vector<256x128xf32>
    %logistic3A_10 = arith.divf %logistic3A_8, %logistic3A_9 : vector<256x128xf32>
    %get3A_11 = arith.constant 0 : index
    %get3A_12 = arith.constant 0 : index
    %get3A_13 = arith.constant 0 : index
    %get3A_14 = vector.load %arg2[%get3A_11, %get3A_12, %get3A_13] : memref<3x1024x256xf32, #tpu.memory_space<vmem>>, vector<1x1024x256xf32>
    %get3A_15 = vector.shape_cast %get3A_14 : vector<1x1024x256xf32> to vector<1024x256xf32>
    %dot_general3A_16 = arith.constant dense<0.000000e+00> : vector<256x256xf32>
    %dot_general3A_17 = tpu.matmul %get3A_1, %get3A_15, %dot_general3A_16 {dimension_numbers = #tpu.dot_dimension_numbers<[1], [0], [0], [1], [0, 0, 1, 1], [], []>, transpose_lhs_hint = false} : vector<256x1024xf32>, vector<1024x256xf32>, vector<256x256xf32> -> vector<256x256xf32>
    %slice3A = vector.extract_strided_slice %logistic3A_10 {offsets = [0, 0], sizes = [256, 1], strides = [1, 1]} : vector<256x128xf32> to vector<256x1xf32>
    %squeeze3A = vector.shape_cast %slice3A : vector<256x1xf32> to vector<256xf32>
    %broadcast_in_dim3A = vector.shape_cast %squeeze3A : vector<256xf32> to vector<256x1xf32>
    %slice3A_18 = vector.extract_strided_slice %dot_general3A_17 {offsets = [0, 0], sizes = [256, 128], strides = [1, 1]} : vector<256x256xf32> to vector<256x128xf32>
    %mul3A = vector.broadcast %broadcast_in_dim3A : vector<256x1xf32> to vector<256x128xf32>
    %mul3A_19 = arith.mulf %slice3A_18, %mul3A : vector<256x128xf32>
    %swap3A = arith.constant 0 : index
    %swap3A_20 = arith.constant 0 : index
    %swap3A_21 = arith.constant 0 : index
    %swap3A_22 = arith.constant 0 : index
    %swap3A_23 = vector.load %arg4[%swap3A, %swap3A_20, %swap3A_21, %swap3A_22] : memref<2x3x256x128xf32, #tpu.memory_space<vmem>>, vector<1x1x256x128xf32>
    %swap3A_24 = vector.shape_cast %swap3A_23 : vector<1x1x256x128xf32> to vector<256x128xf32>
    %swap3A_25 = vector.shape_cast %mul3A_19 : vector<256x128xf32> to vector<1x1x256x128xf32>
    tpu.vector_store %arg4[%swap3A, %swap3A_20, %swap3A_21, %swap3A_22], %swap3A_25 {strides = array<i32>} : memref<2x3x256x128xf32, #tpu.memory_space<vmem>>, vector<1x1x256x128xf32>,
    %slice3A_26 = vector.extract_strided_slice %dot_general3A_17 {offsets = [0, 128], sizes = [256, 128], strides = [1, 1]} : vector<256x256xf32> to vector<256x128xf32>
    %mul3A_27 = vector.broadcast %broadcast_in_dim3A : vector<256x1xf32> to vector<256x128xf32>
    %mul3A_28 = arith.mulf %slice3A_26, %mul3A_27 : vector<256x128xf32>
    %swap3A_29 = arith.constant 1 : index
    %swap3A_30 = arith.constant 0 : index
    %swap3A_31 = arith.constant 0 : index
    %swap3A_32 = arith.constant 0 : index
    %swap3A_33 = vector.load %arg4[%swap3A_29, %swap3A_30, %swap3A_31, %swap3A_32] : memref<2x3x256x128xf32, #tpu.memory_space<vmem>>, vector<1x1x256x128xf32>
    %swap3A_34 = vector.shape_cast %swap3A_33 : vector<1x1x256x128xf32> to vector<256x128xf32>
    %swap3A_35 = vector.shape_cast %mul3A_28 : vector<256x128xf32> to vector<1x1x256x128xf32>
    tpu.vector_store %arg4[%swap3A_29, %swap3A_30, %swap3A_31, %swap3A_32], %swap3A_35 {strides = array<i32>} : memref<2x3x256x128xf32, #tpu.memory_space<vmem>>, vector<1x1x256x128xf32>,
    %get3A_36 = arith.constant 1 : index
    %get3A_37 = arith.constant 0 : index
    %get3A_38 = arith.constant 0 : index
    %get3A_39 = vector.load %arg2[%get3A_36, %get3A_37, %get3A_38] : memref<3x1024x256xf32, #tpu.memory_space<vmem>>, vector<1x1024x256xf32>
    %get3A_40 = vector.shape_cast %get3A_39 : vector<1x1024x256xf32> to vector<1024x256xf32>
    %dot_general3A_41 = arith.constant dense<0.000000e+00> : vector<256x256xf32>
    %dot_general3A_42 = tpu.matmul %get3A_1, %get3A_40, %dot_general3A_41 {dimension_numbers = #tpu.dot_dimension_numbers<[1], [0], [0], [1], [0, 0, 1, 1], [], []>, transpose_lhs_hint = false} : vector<256x1024xf32>, vector<1024x256xf32>, vector<256x256xf32> -> vector<256x256xf32>
    %slice3A_43 = vector.extract_strided_slice %logistic3A_10 {offsets = [0, 1], sizes = [256, 1], strides = [1, 1]} : vector<256x128xf32> to vector<256x1xf32>
    %squeeze3A_44 = vector.shape_cast %slice3A_43 : vector<256x1xf32> to vector<256xf32>
    %broadcast_in_dim3A_45 = vector.shape_cast %squeeze3A_44 : vector<256xf32> to vector<256x1xf32>
    %slice3A_46 = vector.extract_strided_slice %dot_general3A_42 {offsets = [0, 0], sizes = [256, 128], strides = [1, 1]} : vector<256x256xf32> to vector<256x128xf32>
    %mul3A_47 = vector.broadcast %broadcast_in_dim3A_45 : vector<256x1xf32> to vector<256x128xf32>
    %mul3A_48 = arith.mulf %slice3A_46, %mul3A_47 : vector<256x128xf32>
    %swap3A_49 = arith.constant 0 : index
    %swap3A_50 = arith.constant 1 : index
    %swap3A_51 = arith.constant 0 : index
    %swap3A_52 = arith.constant 0 : index
    %swap3A_53 = vector.load %arg4[%swap3A_49, %swap3A_50, %swap3A_51, %swap3A_52] : memref<2x3x256x128xf32, #tpu.memory_space<vmem>>, vector<1x1x256x128xf32>
    %swap3A_54 = vector.shape_cast %swap3A_53 : vector<1x1x256x128xf32> to vector<256x128xf32>
    %swap3A_55 = vector.shape_cast %mul3A_48 : vector<256x128xf32> to vector<1x1x256x128xf32>
    tpu.vector_store %arg4[%swap3A_49, %swap3A_50, %swap3A_51, %swap3A_52], %swap3A_55 {strides = array<i32>} : memref<2x3x256x128xf32, #tpu.memory_space<vmem>>, vector<1x1x256x128xf32>,
    %slice3A_56 = vector.extract_strided_slice %dot_general3A_42 {offsets = [0, 128], sizes = [256, 128], strides = [1, 1]} : vector<256x256xf32> to vector<256x128xf32>
    %mul3A_57 = vector.broadcast %broadcast_in_dim3A_45 : vector<256x1xf32> to vector<256x128xf32>
    %mul3A_58 = arith.mulf %slice3A_56, %mul3A_57 : vector<256x128xf32>
    %swap3A_59 = arith.constant 1 : index
    %swap3A_60 = arith.constant 1 : index
    %swap3A_61 = arith.constant 0 : index
    %swap3A_62 = arith.constant 0 : index
    %swap3A_63 = vector.load %arg4[%swap3A_59, %swap3A_60, %swap3A_61, %swap3A_62] : memref<2x3x256x128xf32, #tpu.memory_space<vmem>>, vector<1x1x256x128xf32>
    %swap3A_64 = vector.shape_cast %swap3A_63 : vector<1x1x256x128xf32> to vector<256x128xf32>
    %swap3A_65 = vector.shape_cast %mul3A_58 : vector<256x128xf32> to vector<1x1x256x128xf32>
    tpu.vector_store %arg4[%swap3A_59, %swap3A_60, %swap3A_61, %swap3A_62], %swap3A_65 {strides = array<i32>} : memref<2x3x256x128xf32, #tpu.memory_space<vmem>>, vector<1x1x256x128xf32>,
    %get3A_66 = arith.constant 2 : index
    %get3A_67 = arith.constant 0 : index
    %get3A_68 = arith.constant 0 : index
    %get3A_69 = vector.load %arg2[%get3A_66, %get3A_67, %get3A_68] : memref<3x1024x256xf32, #tpu.memory_space<vmem>>, vector<1x1024x256xf32>
    %get3A_70 = vector.shape_cast %get3A_69 : vector<1x1024x256xf32> to vector<1024x256xf32>
    %dot_general3A_71 = arith.constant dense<0.000000e+00> : vector<256x256xf32>
    %dot_general3A_72 = tpu.matmul %get3A_1, %get3A_70, %dot_general3A_71 {dimension_numbers = #tpu.dot_dimension_numbers<[1], [0], [0], [1], [0, 0, 1, 1], [], []>, transpose_lhs_hint = false} : vector<256x1024xf32>, vector<1024x256xf32>, vector<256x256xf32> -> vector<256x256xf32>
    %slice3A_73 = vector.extract_strided_slice %logistic3A_10 {offsets = [0, 2], sizes = [256, 1], strides = [1, 1]} : vector<256x128xf32> to vector<256x1xf32>
    %squeeze3A_74 = vector.shape_cast %slice3A_73 : vector<256x1xf32> to vector<256xf32>
    %broadcast_in_dim3A_75 = vector.shape_cast %squeeze3A_74 : vector<256xf32> to vector<256x1xf32>
    %slice3A_76 = vector.extract_strided_slice %dot_general3A_72 {offsets = [0, 0], sizes = [256, 128], strides = [1, 1]} : vector<256x256xf32> to vector<256x128xf32>
    %mul3A_77 = vector.broadcast %broadcast_in_dim3A_75 : vector<256x1xf32> to vector<256x128xf32>
    %mul3A_78 = arith.mulf %slice3A_76, %mul3A_77 : vector<256x128xf32>
    %swap3A_79 = arith.constant 0 : index
    %swap3A_80 = arith.constant 2 : index
    %swap3A_81 = arith.constant 0 : index
    %swap3A_82 = arith.constant 0 : index
    %swap3A_83 = vector.load %arg4[%swap3A_79, %swap3A_80, %swap3A_81, %swap3A_82] : memref<2x3x256x128xf32, #tpu.memory_space<vmem>>, vector<1x1x256x128xf32>
    %swap3A_84 = vector.shape_cast %swap3A_83 : vector<1x1x256x128xf32> to vector<256x128xf32>
    %swap3A_85 = vector.shape_cast %mul3A_78 : vector<256x128xf32> to vector<1x1x256x128xf32>
    tpu.vector_store %arg4[%swap3A_79, %swap3A_80, %swap3A_81, %swap3A_82], %swap3A_85 {strides = array<i32>} : memref<2x3x256x128xf32, #tpu.memory_space<vmem>>, vector<1x1x256x128xf32>,
    %slice3A_86 = vector.extract_strided_slice %dot_general3A_72 {offsets = [0, 128], sizes = [256, 128], strides = [1, 1]} : vector<256x256xf32> to vector<256x128xf32>
    %mul3A_87 = vector.broadcast %broadcast_in_dim3A_75 : vector<256x1xf32> to vector<256x128xf32>
    %mul3A_88 = arith.mulf %slice3A_86, %mul3A_87 : vector<256x128xf32>
    %swap3A_89 = arith.constant 1 : index
    %swap3A_90 = arith.constant 2 : index
    %swap3A_91 = arith.constant 0 : index
    %swap3A_92 = arith.constant 0 : index
    %swap3A_93 = vector.load %arg4[%swap3A_89, %swap3A_90, %swap3A_91, %swap3A_92] : memref<2x3x256x128xf32, #tpu.memory_space<vmem>>, vector<1x1x256x128xf32>
    %swap3A_94 = vector.shape_cast %swap3A_93 : vector<1x1x256x128xf32> to vector<256x128xf32>
    %swap3A_95 = vector.shape_cast %mul3A_88 : vector<256x128xf32> to vector<1x1x256x128xf32>
    tpu.vector_store %arg4[%swap3A_89, %swap3A_90, %swap3A_91, %swap3A_92], %swap3A_95 {strides = array<i32>} : memref<2x3x256x128xf32, #tpu.memory_space<vmem>>, vector<1x1x256x128xf32>,
    return
  }
  func.func @transform_0(%arg0: i32) -> (i32, i32) {
    %c0_i32 = arith.constant 0 : i32
    %c0_i32_0 = arith.constant 0 : i32
    return %arg0, %c0_i32 : i32, i32
  }
  func.func @transform_1(%arg0: i32) -> (i32, i32, i32) {
    %c0_i32 = arith.constant 0 : i32
    %c0_i32_0 = arith.constant 0 : i32
    %c0_i32_1 = arith.constant 0 : i32
    %c0_i32_2 = arith.constant 0 : i32
    return %c0_i32, %c0_i32_0, %c0_i32_1 : i32, i32, i32
  }
  func.func @transform_2(%arg0: i32) -> (i32, i32) {
    %c0_i32 = arith.constant 0 : i32
    %c0_i32_0 = arith.constant 0 : i32
    %c0_i32_1 = arith.constant 0 : i32
    return %c0_i32, %c0_i32_0 : i32, i32
  }
  func.func @transform_3(%arg0: i32) -> (i32, i32, i32, i32) {
    %c0_i32 = arith.constant 0 : i32
    %c0_i32_0 = arith.constant 0 : i32
    %c0_i32_1 = arith.constant 0 : i32
    %c0_i32_2 = arith.constant 0 : i32
    return %c0_i32, %c0_i32_0, %arg0, %c0_i32_1 : i32, i32, i32, i32
  }
}

module attributes {stable_mosaic.version = 14 : i64} {
  func.func @_pool_body(%arg0: i32, %arg1: memref<2x1x640x128xf32, #tpu.memory_space<vmem>>, %arg2: memref<1x640x1xf32, #tpu.memory_space<vmem>>, %arg3: memref<1x640x1xf32, #tpu.memory_space<vmem>>, %arg4: memref<1x640x1xf32, #tpu.memory_space<vmem>>, %arg5: memref<1x1x768xf32, #tpu.memory_space<vmem>>) attributes {dimension_semantics = [#tpu.dimension_semantics<arbitrary>], iteration_bounds = array<i64: 16>, scalar_prefetch = 0 : i64, scratch_operands = 0 : i64, tpu.core_type = #tpu.core_type<tc>, window_params = [{transform_indices = @transform_0, window_bounds = array<i64: 2, 1, 640, 128>}, {transform_indices = @transform_1, window_bounds = array<i64: 1, 640, 1>}, {transform_indices = @transform_2, window_bounds = array<i64: 1, 640, 1>}, {transform_indices = @transform_3, window_bounds = array<i64: 1, 640, 1>}, {transform_indices = @transform_4, window_bounds = array<i64: 1, 1, 768>}]} {
    %get3A = arith.constant 0 : index
    %get3A_0 = arith.constant 0 : index
    %get3A_1 = arith.constant 0 : index
    %get3A_2 = arith.constant 0 : index
    %get3A_3 = vector.load %arg1[%get3A, %get3A_0, %get3A_1, %get3A_2] : memref<2x1x640x128xf32, #tpu.memory_space<vmem>>, vector<1x1x640x128xf32>
    %get3A_4 = vector.shape_cast %get3A_3 : vector<1x1x640x128xf32> to vector<640x128xf32>
    %max3A = arith.constant 0.000000e+00 : f32
    %max3A_5 = vector.broadcast %max3A : f32 to vector<640x128xf32>
    %max3A_6 = arith.maximumf %get3A_4, %max3A_5 : vector<640x128xf32>
    %get3A_7 = arith.constant 1 : index
    %get3A_8 = arith.constant 0 : index
    %get3A_9 = arith.constant 0 : index
    %get3A_10 = arith.constant 0 : index
    %get3A_11 = vector.load %arg1[%get3A_7, %get3A_8, %get3A_9, %get3A_10] : memref<2x1x640x128xf32, #tpu.memory_space<vmem>>, vector<1x1x640x128xf32>
    %get3A_12 = vector.shape_cast %get3A_11 : vector<1x1x640x128xf32> to vector<640x128xf32>
    %max3A_13 = arith.constant 0.000000e+00 : f32
    %max3A_14 = vector.broadcast %max3A_13 : f32 to vector<640x128xf32>
    %max3A_15 = arith.maximumf %get3A_12, %max3A_14 : vector<640x128xf32>
    %get3A_16 = arith.constant 0 : index
    %get3A_17 = arith.constant 0 : index
    %get3A_18 = arith.constant 0 : index
    %get3A_19 = vector.load %arg2[%get3A_16, %get3A_17, %get3A_18] : memref<1x640x1xf32, #tpu.memory_space<vmem>>, vector<1x640x1xf32>
    %get3A_20 = vector.shape_cast %get3A_19 : vector<1x640x1xf32> to vector<640x1xf32>
    %get3A_21 = arith.constant 0 : index
    %get3A_22 = arith.constant 0 : index
    %get3A_23 = arith.constant 0 : index
    %get3A_24 = vector.load %arg3[%get3A_21, %get3A_22, %get3A_23] : memref<1x640x1xf32, #tpu.memory_space<vmem>>, vector<1x640x1xf32>
    %get3A_25 = vector.shape_cast %get3A_24 : vector<1x640x1xf32> to vector<640x1xf32>
    %get3A_26 = arith.constant 0 : index
    %get3A_27 = arith.constant 0 : index
    %get3A_28 = arith.constant 0 : index
    %get3A_29 = vector.load %arg4[%get3A_26, %get3A_27, %get3A_28] : memref<1x640x1xf32, #tpu.memory_space<vmem>>, vector<1x640x1xf32>
    %get3A_30 = vector.shape_cast %get3A_29 : vector<1x640x1xf32> to vector<640x1xf32>
    %broadcast_in_dim3A = vector.shape_cast %get3A_20 : vector<640x1xf32> to vector<640x1xf32>
    %broadcast_in_dim3A_31 = vector.broadcast %broadcast_in_dim3A : vector<640x1xf32> to vector<640x128xf32>
    %broadcast_in_dim3A_32 = vector.shape_cast %get3A_25 : vector<640x1xf32> to vector<640x1xf32>
    %broadcast_in_dim3A_33 = vector.broadcast %broadcast_in_dim3A_32 : vector<640x1xf32> to vector<640x128xf32>
    %broadcast_in_dim3A_34 = vector.shape_cast %get3A_30 : vector<640x1xf32> to vector<640x1xf32>
    %broadcast_in_dim3A_35 = vector.broadcast %broadcast_in_dim3A_34 : vector<640x1xf32> to vector<640x128xf32>
    %reduce_sum3A = vector.shape_cast %get3A_25 : vector<640x1xf32> to vector<1x640x1xf32>
    %reduce_sum3A_36 = arith.constant dense<0.000000e+00> : vector<1xf32>
    %reduce_sum3A_37 = vector.multi_reduction <add>, %reduce_sum3A, %reduce_sum3A_36 [1, 2] : vector<1x640x1xf32> to vector<1xf32>
    %reduce_sum3A_38 = vector.shape_cast %reduce_sum3A_37 : vector<1xf32> to vector<1x1x1xf32>
    %reduce_sum3A_39 = vector.extract %reduce_sum3A_38[0, 0, 0] : f32 from vector<1x1x1xf32>
    %sub3A = arith.constant 6.400000e+02 : f32
    %sub3A_40 = arith.subf %sub3A, %reduce_sum3A_39 : f32
    %reduce_sum3A_41 = vector.shape_cast %get3A_30 : vector<640x1xf32> to vector<1x640x1xf32>
    %reduce_sum3A_42 = arith.constant dense<0.000000e+00> : vector<1xf32>
    %reduce_sum3A_43 = vector.multi_reduction <add>, %reduce_sum3A_41, %reduce_sum3A_42 [1, 2] : vector<1x640x1xf32> to vector<1xf32>
    %reduce_sum3A_44 = vector.shape_cast %reduce_sum3A_43 : vector<1xf32> to vector<1x1x1xf32>
    %reduce_sum3A_45 = vector.extract %reduce_sum3A_44[0, 0, 0] : f32 from vector<1x1x1xf32>
    %sub3A_46 = arith.constant 6.400000e+02 : f32
    %sub3A_47 = arith.subf %sub3A_46, %reduce_sum3A_45 : f32
    %gt3A = arith.constant 5.000000e-01 : f32
    %gt3A_48 = vector.broadcast %gt3A : f32 to vector<640x128xf32>
    %gt3A_49 = arith.cmpf ogt, %broadcast_in_dim3A_31, %gt3A_48 : vector<640x128xf32>
    %jit3A = arith.constant -9.99999995E+11 : f32
    %broadcast_in_dim3A_50 = vector.broadcast %jit3A : f32 to vector<640x128xf32>
    %select_n3A = arith.select %gt3A_49, %broadcast_in_dim3A_50, %max3A_6 : vector<640x128xi1>, vector<640x128xf32>
    %reduce_max3A = arith.constant dense<0xFF800000> : vector<128xf32>
    %reduce_max3A_51 = vector.multi_reduction <maximumf>, %select_n3A, %reduce_max3A [0] : vector<640x128xf32> to vector<128xf32>
    %swap3A = arith.constant 0 : index
    %swap3A_52 = arith.constant 0 : index
    %swap3A_53 = arith.constant 0 : index
    %swap3A_54 = vector.load %arg5[%swap3A, %swap3A_52, %swap3A_53] : memref<1x1x768xf32, #tpu.memory_space<vmem>>, vector<1x1x128xf32>
    %swap3A_55 = vector.shape_cast %swap3A_54 : vector<1x1x128xf32> to vector<128xf32>
    %swap3A_56 = vector.shape_cast %reduce_max3A_51 : vector<128xf32> to vector<1x1x128xf32>
    tpu.vector_store %arg5[%swap3A, %swap3A_52, %swap3A_53], %swap3A_56 {strides = array<i32>} : memref<1x1x768xf32, #tpu.memory_space<vmem>>, vector<1x1x128xf32>,
    %gt3A_57 = arith.constant 5.000000e-01 : f32
    %gt3A_58 = vector.broadcast %gt3A_57 : f32 to vector<640x128xf32>
    %gt3A_59 = arith.cmpf ogt, %broadcast_in_dim3A_31, %gt3A_58 : vector<640x128xf32>
    %jit3A_60 = arith.constant -9.99999995E+11 : f32
    %broadcast_in_dim3A_61 = vector.broadcast %jit3A_60 : f32 to vector<640x128xf32>
    %select_n3A_62 = arith.select %gt3A_59, %broadcast_in_dim3A_61, %max3A_15 : vector<640x128xi1>, vector<640x128xf32>
    %reduce_max3A_63 = arith.constant dense<0xFF800000> : vector<128xf32>
    %reduce_max3A_64 = vector.multi_reduction <maximumf>, %select_n3A_62, %reduce_max3A_63 [0] : vector<640x128xf32> to vector<128xf32>
    %swap3A_65 = arith.constant 0 : index
    %swap3A_66 = arith.constant 0 : index
    %swap3A_67 = arith.constant 128 : index
    %swap3A_68 = vector.load %arg5[%swap3A_65, %swap3A_66, %swap3A_67] : memref<1x1x768xf32, #tpu.memory_space<vmem>>, vector<1x1x128xf32>
    %swap3A_69 = vector.shape_cast %swap3A_68 : vector<1x1x128xf32> to vector<128xf32>
    %swap3A_70 = vector.shape_cast %reduce_max3A_64 : vector<128xf32> to vector<1x1x128xf32>
    tpu.vector_store %arg5[%swap3A_65, %swap3A_66, %swap3A_67], %swap3A_70 {strides = array<i32>} : memref<1x1x768xf32, #tpu.memory_space<vmem>>, vector<1x1x128xf32>,
    %gt3A_71 = arith.constant 5.000000e-01 : f32
    %gt3A_72 = vector.broadcast %gt3A_71 : f32 to vector<640x128xf32>
    %gt3A_73 = arith.cmpf ogt, %broadcast_in_dim3A_33, %gt3A_72 : vector<640x128xf32>
    %jit3A_74 = arith.constant 0.000000e+00 : f32
    %broadcast_in_dim3A_75 = vector.broadcast %jit3A_74 : f32 to vector<640x128xf32>
    %select_n3A_76 = arith.select %gt3A_73, %broadcast_in_dim3A_75, %max3A_6 : vector<640x128xi1>, vector<640x128xf32>
    %reduce_sum3A_77 = arith.constant dense<0.000000e+00> : vector<128xf32>
    %reduce_sum3A_78 = vector.multi_reduction <add>, %select_n3A_76, %reduce_sum3A_77 [0] : vector<640x128xf32> to vector<128xf32>
    %div3A = vector.broadcast %sub3A_40 : f32 to vector<128xf32>
    %div3A_79 = arith.divf %reduce_sum3A_78, %div3A : vector<128xf32>
    %swap3A_80 = arith.constant 0 : index
    %swap3A_81 = arith.constant 0 : index
    %swap3A_82 = arith.constant 256 : index
    %swap3A_83 = vector.load %arg5[%swap3A_80, %swap3A_81, %swap3A_82] : memref<1x1x768xf32, #tpu.memory_space<vmem>>, vector<1x1x128xf32>
    %swap3A_84 = vector.shape_cast %swap3A_83 : vector<1x1x128xf32> to vector<128xf32>
    %swap3A_85 = vector.shape_cast %div3A_79 : vector<128xf32> to vector<1x1x128xf32>
    tpu.vector_store %arg5[%swap3A_80, %swap3A_81, %swap3A_82], %swap3A_85 {strides = array<i32>} : memref<1x1x768xf32, #tpu.memory_space<vmem>>, vector<1x1x128xf32>,
    %gt3A_86 = arith.constant 5.000000e-01 : f32
    %gt3A_87 = vector.broadcast %gt3A_86 : f32 to vector<640x128xf32>
    %gt3A_88 = arith.cmpf ogt, %broadcast_in_dim3A_33, %gt3A_87 : vector<640x128xf32>
    %jit3A_89 = arith.constant 0.000000e+00 : f32
    %broadcast_in_dim3A_90 = vector.broadcast %jit3A_89 : f32 to vector<640x128xf32>
    %select_n3A_91 = arith.select %gt3A_88, %broadcast_in_dim3A_90, %max3A_15 : vector<640x128xi1>, vector<640x128xf32>
    %reduce_sum3A_92 = arith.constant dense<0.000000e+00> : vector<128xf32>
    %reduce_sum3A_93 = vector.multi_reduction <add>, %select_n3A_91, %reduce_sum3A_92 [0] : vector<640x128xf32> to vector<128xf32>
    %div3A_94 = vector.broadcast %sub3A_40 : f32 to vector<128xf32>
    %div3A_95 = arith.divf %reduce_sum3A_93, %div3A_94 : vector<128xf32>
    %swap3A_96 = arith.constant 0 : index
    %swap3A_97 = arith.constant 0 : index
    %swap3A_98 = arith.constant 384 : index
    %swap3A_99 = vector.load %arg5[%swap3A_96, %swap3A_97, %swap3A_98] : memref<1x1x768xf32, #tpu.memory_space<vmem>>, vector<1x1x128xf32>
    %swap3A_100 = vector.shape_cast %swap3A_99 : vector<1x1x128xf32> to vector<128xf32>
    %swap3A_101 = vector.shape_cast %div3A_95 : vector<128xf32> to vector<1x1x128xf32>
    tpu.vector_store %arg5[%swap3A_96, %swap3A_97, %swap3A_98], %swap3A_101 {strides = array<i32>} : memref<1x1x768xf32, #tpu.memory_space<vmem>>, vector<1x1x128xf32>,
    %gt3A_102 = arith.constant 5.000000e-01 : f32
    %gt3A_103 = vector.broadcast %gt3A_102 : f32 to vector<640x128xf32>
    %gt3A_104 = arith.cmpf ogt, %broadcast_in_dim3A_35, %gt3A_103 : vector<640x128xf32>
    %jit3A_105 = arith.constant 0.000000e+00 : f32
    %broadcast_in_dim3A_106 = vector.broadcast %jit3A_105 : f32 to vector<640x128xf32>
    %select_n3A_107 = arith.select %gt3A_104, %broadcast_in_dim3A_106, %max3A_6 : vector<640x128xi1>, vector<640x128xf32>
    %reduce_sum3A_108 = arith.constant dense<0.000000e+00> : vector<128xf32>
    %reduce_sum3A_109 = vector.multi_reduction <add>, %select_n3A_107, %reduce_sum3A_108 [0] : vector<640x128xf32> to vector<128xf32>
    %div3A_110 = vector.broadcast %sub3A_47 : f32 to vector<128xf32>
    %div3A_111 = arith.divf %reduce_sum3A_109, %div3A_110 : vector<128xf32>
    %swap3A_112 = arith.constant 0 : index
    %swap3A_113 = arith.constant 0 : index
    %swap3A_114 = arith.constant 512 : index
    %swap3A_115 = vector.load %arg5[%swap3A_112, %swap3A_113, %swap3A_114] : memref<1x1x768xf32, #tpu.memory_space<vmem>>, vector<1x1x128xf32>
    %swap3A_116 = vector.shape_cast %swap3A_115 : vector<1x1x128xf32> to vector<128xf32>
    %swap3A_117 = vector.shape_cast %div3A_111 : vector<128xf32> to vector<1x1x128xf32>
    tpu.vector_store %arg5[%swap3A_112, %swap3A_113, %swap3A_114], %swap3A_117 {strides = array<i32>} : memref<1x1x768xf32, #tpu.memory_space<vmem>>, vector<1x1x128xf32>,
    %gt3A_118 = arith.constant 5.000000e-01 : f32
    %gt3A_119 = vector.broadcast %gt3A_118 : f32 to vector<640x128xf32>
    %gt3A_120 = arith.cmpf ogt, %broadcast_in_dim3A_35, %gt3A_119 : vector<640x128xf32>
    %jit3A_121 = arith.constant 0.000000e+00 : f32
    %broadcast_in_dim3A_122 = vector.broadcast %jit3A_121 : f32 to vector<640x128xf32>
    %select_n3A_123 = arith.select %gt3A_120, %broadcast_in_dim3A_122, %max3A_15 : vector<640x128xi1>, vector<640x128xf32>
    %reduce_sum3A_124 = arith.constant dense<0.000000e+00> : vector<128xf32>
    %reduce_sum3A_125 = vector.multi_reduction <add>, %select_n3A_123, %reduce_sum3A_124 [0] : vector<640x128xf32> to vector<128xf32>
    %div3A_126 = vector.broadcast %sub3A_47 : f32 to vector<128xf32>
    %div3A_127 = arith.divf %reduce_sum3A_125, %div3A_126 : vector<128xf32>
    %swap3A_128 = arith.constant 0 : index
    %swap3A_129 = arith.constant 0 : index
    %swap3A_130 = arith.constant 640 : index
    %swap3A_131 = vector.load %arg5[%swap3A_128, %swap3A_129, %swap3A_130] : memref<1x1x768xf32, #tpu.memory_space<vmem>>, vector<1x1x128xf32>
    %swap3A_132 = vector.shape_cast %swap3A_131 : vector<1x1x128xf32> to vector<128xf32>
    %swap3A_133 = vector.shape_cast %div3A_127 : vector<128xf32> to vector<1x1x128xf32>
    tpu.vector_store %arg5[%swap3A_128, %swap3A_129, %swap3A_130], %swap3A_133 {strides = array<i32>} : memref<1x1x768xf32, #tpu.memory_space<vmem>>, vector<1x1x128xf32>,
    return
  }
  func.func @transform_0(%arg0: i32) -> (i32, i32, i32, i32) {
    %c0_i32 = arith.constant 0 : i32
    %c0_i32_0 = arith.constant 0 : i32
    %c0_i32_1 = arith.constant 0 : i32
    %c0_i32_2 = arith.constant 0 : i32
    return %c0_i32, %arg0, %c0_i32_0, %c0_i32_1 : i32, i32, i32, i32
  }
  func.func @transform_1(%arg0: i32) -> (i32, i32, i32) {
    %c0_i32 = arith.constant 0 : i32
    %c0_i32_0 = arith.constant 0 : i32
    %c0_i32_1 = arith.constant 0 : i32
    return %arg0, %c0_i32, %c0_i32_0 : i32, i32, i32
  }
  func.func @transform_2(%arg0: i32) -> (i32, i32, i32) {
    %c0_i32 = arith.constant 0 : i32
    %c0_i32_0 = arith.constant 0 : i32
    %c0_i32_1 = arith.constant 0 : i32
    return %arg0, %c0_i32, %c0_i32_0 : i32, i32, i32
  }
  func.func @transform_3(%arg0: i32) -> (i32, i32, i32) {
    %c0_i32 = arith.constant 0 : i32
    %c0_i32_0 = arith.constant 0 : i32
    %c0_i32_1 = arith.constant 0 : i32
    return %arg0, %c0_i32, %c0_i32_0 : i32, i32, i32
  }
  func.func @transform_4(%arg0: i32) -> (i32, i32, i32) {
    %c0_i32 = arith.constant 0 : i32
    %c0_i32_0 = arith.constant 0 : i32
    %c0_i32_1 = arith.constant 0 : i32
    return %arg0, %c0_i32, %c0_i32_0 : i32, i32, i32
  }
}

module attributes {stable_mosaic.version = 14 : i64} {
  func.func @_head_body(%arg0: memref<16x768xf32, #tpu.memory_space<vmem>>, %arg1: memref<16x3072xf32, #tpu.memory_space<vmem>>, %arg2: memref<1x3072xf32, #tpu.memory_space<vmem>>, %arg3: memref<1x3072xf32, #tpu.memory_space<vmem>>, %arg4: memref<3072x1536xf32, #tpu.memory_space<vmem>>, %arg5: memref<1x1536xf32, #tpu.memory_space<vmem>>, %arg6: memref<1x2304xf32, #tpu.memory_space<vmem>>, %arg7: memref<1x2304xf32, #tpu.memory_space<vmem>>, %arg8: memref<2304x256xf32, #tpu.memory_space<vmem>>, %arg9: memref<1x256xf32, #tpu.memory_space<vmem>>, %arg10: memref<1x256xf32, #tpu.memory_space<vmem>>, %arg11: memref<1x256xf32, #tpu.memory_space<vmem>>, %arg12: memref<256x128xf32, #tpu.memory_space<vmem>>, %arg13: memref<1x128xf32, #tpu.memory_space<vmem>>, %arg14: memref<16x128xf32, #tpu.memory_space<vmem>>) attributes {dimension_semantics = [], scalar_prefetch = 0 : i64, scratch_operands = 0 : i64, tpu.core_type = #tpu.core_type<tc>} {
    %get3A = arith.constant 0 : index
    %get3A_0 = arith.constant 0 : index
    %get3A_1 = vector.load %arg1[%get3A, %get3A_0] : memref<16x3072xf32, #tpu.memory_space<vmem>>, vector<16x3072xf32>
    %get3A_2 = arith.constant 0 : index
    %get3A_3 = arith.constant 0 : index
    %get3A_4 = vector.load %arg2[%get3A_2, %get3A_3] : memref<1x3072xf32, #tpu.memory_space<vmem>>, vector<1x3072xf32>
    %get3A_5 = arith.constant 0 : index
    %get3A_6 = arith.constant 0 : index
    %get3A_7 = vector.load %arg3[%get3A_5, %get3A_6] : memref<1x3072xf32, #tpu.memory_space<vmem>>, vector<1x3072xf32>
    %reduce_sum3A = arith.constant dense<0.000000e+00> : vector<3072xf32>
    %reduce_sum3A_8 = vector.multi_reduction <add>, %get3A_1, %reduce_sum3A [0] : vector<16x3072xf32> to vector<3072xf32>
    %broadcast_in_dim3A = vector.shape_cast %reduce_sum3A_8 : vector<3072xf32> to vector<1x3072xf32>
    %div3A = arith.constant 1.600000e+01 : f32
    %div3A_9 = vector.broadcast %div3A : f32 to vector<1x3072xf32>
    %div3A_10 = arith.divf %broadcast_in_dim3A, %div3A_9 : vector<1x3072xf32>
    %sub3A = vector.broadcast %div3A_10 : vector<1x3072xf32> to vector<16x3072xf32>
    %sub3A_11 = arith.subf %get3A_1, %sub3A : vector<16x3072xf32>
    %sub3A_12 = vector.broadcast %div3A_10 : vector<1x3072xf32> to vector<16x3072xf32>
    %sub3A_13 = arith.subf %get3A_1, %sub3A_12 : vector<16x3072xf32>
    %mul3A = arith.mulf %sub3A_11, %sub3A_13 : vector<16x3072xf32>
    %reduce_sum3A_14 = arith.constant dense<0.000000e+00> : vector<3072xf32>
    %reduce_sum3A_15 = vector.multi_reduction <add>, %mul3A, %reduce_sum3A_14 [0] : vector<16x3072xf32> to vector<3072xf32>
    %broadcast_in_dim3A_16 = vector.shape_cast %reduce_sum3A_15 : vector<3072xf32> to vector<1x3072xf32>
    %div3A_17 = arith.constant 1.600000e+01 : f32
    %div3A_18 = vector.broadcast %div3A_17 : f32 to vector<1x3072xf32>
    %div3A_19 = arith.divf %broadcast_in_dim3A_16, %div3A_18 : vector<1x3072xf32>
    %sub3A_20 = vector.broadcast %div3A_10 : vector<1x3072xf32> to vector<16x3072xf32>
    %sub3A_21 = arith.subf %get3A_1, %sub3A_20 : vector<16x3072xf32>
    %add3A = arith.constant 9.99999974E-6 : f32
    %add3A_22 = vector.broadcast %add3A : f32 to vector<1x3072xf32>
    %add3A_23 = arith.addf %div3A_19, %add3A_22 : vector<1x3072xf32>
    %sqrt3A = math.sqrt %add3A_23 : vector<1x3072xf32>
    %div3A_24 = vector.broadcast %sqrt3A : vector<1x3072xf32> to vector<16x3072xf32>
    %div3A_25 = arith.divf %sub3A_21, %div3A_24 : vector<16x3072xf32>
    %mul3A_26 = vector.broadcast %get3A_4 : vector<1x3072xf32> to vector<16x3072xf32>
    %mul3A_27 = arith.mulf %div3A_25, %mul3A_26 : vector<16x3072xf32>
    %add3A_28 = vector.broadcast %get3A_7 : vector<1x3072xf32> to vector<16x3072xf32>
    %add3A_29 = arith.addf %mul3A_27, %add3A_28 : vector<16x3072xf32>
    %get3A_30 = arith.constant 0 : index
    %get3A_31 = arith.constant 0 : index
    %get3A_32 = vector.load %arg4[%get3A_30, %get3A_31] : memref<3072x1536xf32, #tpu.memory_space<vmem>>, vector<3072x1536xf32>
    %dot_general3A = arith.constant dense<0.000000e+00> : vector<16x1536xf32>
    %dot_general3A_33 = tpu.matmul %add3A_29, %get3A_32, %dot_general3A {dimension_numbers = #tpu.dot_dimension_numbers<[1], [0], [0], [1], [0, 0, 1, 1], [], []>, transpose_lhs_hint = false} : vector<16x3072xf32>, vector<3072x1536xf32>, vector<16x1536xf32> -> vector<16x1536xf32>
    %get3A_34 = arith.constant 0 : index
    %get3A_35 = arith.constant 0 : index
    %get3A_36 = vector.load %arg5[%get3A_34, %get3A_35] : memref<1x1536xf32, #tpu.memory_space<vmem>>, vector<1x1536xf32>
    %add3A_37 = vector.broadcast %get3A_36 : vector<1x1536xf32> to vector<16x1536xf32>
    %add3A_38 = arith.addf %dot_general3A_33, %add3A_37 : vector<16x1536xf32>
    %max3A = arith.constant 0.000000e+00 : f32
    %max3A_39 = vector.broadcast %max3A : f32 to vector<16x1536xf32>
    %max3A_40 = arith.maximumf %add3A_38, %max3A_39 : vector<16x1536xf32>
    %get3A_41 = arith.constant 0 : index
    %get3A_42 = arith.constant 0 : index
    %get3A_43 = vector.load %arg0[%get3A_41, %get3A_42] : memref<16x768xf32, #tpu.memory_space<vmem>>, vector<16x768xf32>
    %concatenate3A = tpu.concatenate %get3A_43, %max3A_40 in 1 : vector<16x768xf32>, vector<16x1536xf32> -> vector<16x2304xf32>
    %get3A_44 = arith.constant 0 : index
    %get3A_45 = arith.constant 0 : index
    %get3A_46 = vector.load %arg6[%get3A_44, %get3A_45] : memref<1x2304xf32, #tpu.memory_space<vmem>>, vector<1x2304xf32>
    %get3A_47 = arith.constant 0 : index
    %get3A_48 = arith.constant 0 : index
    %get3A_49 = vector.load %arg7[%get3A_47, %get3A_48] : memref<1x2304xf32, #tpu.memory_space<vmem>>, vector<1x2304xf32>
    %reduce_sum3A_50 = arith.constant dense<0.000000e+00> : vector<2304xf32>
    %reduce_sum3A_51 = vector.multi_reduction <add>, %concatenate3A, %reduce_sum3A_50 [0] : vector<16x2304xf32> to vector<2304xf32>
    %broadcast_in_dim3A_52 = vector.shape_cast %reduce_sum3A_51 : vector<2304xf32> to vector<1x2304xf32>
    %div3A_53 = arith.constant 1.600000e+01 : f32
    %div3A_54 = vector.broadcast %div3A_53 : f32 to vector<1x2304xf32>
    %div3A_55 = arith.divf %broadcast_in_dim3A_52, %div3A_54 : vector<1x2304xf32>
    %sub3A_56 = vector.broadcast %div3A_55 : vector<1x2304xf32> to vector<16x2304xf32>
    %sub3A_57 = arith.subf %concatenate3A, %sub3A_56 : vector<16x2304xf32>
    %sub3A_58 = vector.broadcast %div3A_55 : vector<1x2304xf32> to vector<16x2304xf32>
    %sub3A_59 = arith.subf %concatenate3A, %sub3A_58 : vector<16x2304xf32>
    %mul3A_60 = arith.mulf %sub3A_57, %sub3A_59 : vector<16x2304xf32>
    %reduce_sum3A_61 = arith.constant dense<0.000000e+00> : vector<2304xf32>
    %reduce_sum3A_62 = vector.multi_reduction <add>, %mul3A_60, %reduce_sum3A_61 [0] : vector<16x2304xf32> to vector<2304xf32>
    %broadcast_in_dim3A_63 = vector.shape_cast %reduce_sum3A_62 : vector<2304xf32> to vector<1x2304xf32>
    %div3A_64 = arith.constant 1.600000e+01 : f32
    %div3A_65 = vector.broadcast %div3A_64 : f32 to vector<1x2304xf32>
    %div3A_66 = arith.divf %broadcast_in_dim3A_63, %div3A_65 : vector<1x2304xf32>
    %sub3A_67 = vector.broadcast %div3A_55 : vector<1x2304xf32> to vector<16x2304xf32>
    %sub3A_68 = arith.subf %concatenate3A, %sub3A_67 : vector<16x2304xf32>
    %add3A_69 = arith.constant 9.99999974E-6 : f32
    %add3A_70 = vector.broadcast %add3A_69 : f32 to vector<1x2304xf32>
    %add3A_71 = arith.addf %div3A_66, %add3A_70 : vector<1x2304xf32>
    %sqrt3A_72 = math.sqrt %add3A_71 : vector<1x2304xf32>
    %div3A_73 = vector.broadcast %sqrt3A_72 : vector<1x2304xf32> to vector<16x2304xf32>
    %div3A_74 = arith.divf %sub3A_68, %div3A_73 : vector<16x2304xf32>
    %mul3A_75 = vector.broadcast %get3A_46 : vector<1x2304xf32> to vector<16x2304xf32>
    %mul3A_76 = arith.mulf %div3A_74, %mul3A_75 : vector<16x2304xf32>
    %add3A_77 = vector.broadcast %get3A_49 : vector<1x2304xf32> to vector<16x2304xf32>
    %add3A_78 = arith.addf %mul3A_76, %add3A_77 : vector<16x2304xf32>
    %get3A_79 = arith.constant 0 : index
    %get3A_80 = arith.constant 0 : index
    %get3A_81 = vector.load %arg8[%get3A_79, %get3A_80] : memref<2304x256xf32, #tpu.memory_space<vmem>>, vector<2304x256xf32>
    %dot_general3A_82 = arith.constant dense<0.000000e+00> : vector<16x256xf32>
    %dot_general3A_83 = tpu.matmul %add3A_78, %get3A_81, %dot_general3A_82 {dimension_numbers = #tpu.dot_dimension_numbers<[1], [0], [0], [1], [0, 0, 1, 1], [], []>, transpose_lhs_hint = false} : vector<16x2304xf32>, vector<2304x256xf32>, vector<16x256xf32> -> vector<16x256xf32>
    %get3A_84 = arith.constant 0 : index
    %get3A_85 = arith.constant 0 : index
    %get3A_86 = vector.load %arg9[%get3A_84, %get3A_85] : memref<1x256xf32, #tpu.memory_space<vmem>>, vector<1x256xf32>
    %add3A_87 = vector.broadcast %get3A_86 : vector<1x256xf32> to vector<16x256xf32>
    %add3A_88 = arith.addf %dot_general3A_83, %add3A_87 : vector<16x256xf32>
    %max3A_89 = arith.constant 0.000000e+00 : f32
    %max3A_90 = vector.broadcast %max3A_89 : f32 to vector<16x256xf32>
    %max3A_91 = arith.maximumf %add3A_88, %max3A_90 : vector<16x256xf32>
    %get3A_92 = arith.constant 0 : index
    %get3A_93 = arith.constant 0 : index
    %get3A_94 = vector.load %arg10[%get3A_92, %get3A_93] : memref<1x256xf32, #tpu.memory_space<vmem>>, vector<1x256xf32>
    %get3A_95 = arith.constant 0 : index
    %get3A_96 = arith.constant 0 : index
    %get3A_97 = vector.load %arg11[%get3A_95, %get3A_96] : memref<1x256xf32, #tpu.memory_space<vmem>>, vector<1x256xf32>
    %reduce_sum3A_98 = arith.constant dense<0.000000e+00> : vector<256xf32>
    %reduce_sum3A_99 = vector.multi_reduction <add>, %max3A_91, %reduce_sum3A_98 [0] : vector<16x256xf32> to vector<256xf32>
    %broadcast_in_dim3A_100 = vector.shape_cast %reduce_sum3A_99 : vector<256xf32> to vector<1x256xf32>
    %div3A_101 = arith.constant 1.600000e+01 : f32
    %div3A_102 = vector.broadcast %div3A_101 : f32 to vector<1x256xf32>
    %div3A_103 = arith.divf %broadcast_in_dim3A_100, %div3A_102 : vector<1x256xf32>
    %sub3A_104 = vector.broadcast %div3A_103 : vector<1x256xf32> to vector<16x256xf32>
    %sub3A_105 = arith.subf %max3A_91, %sub3A_104 : vector<16x256xf32>
    %sub3A_106 = vector.broadcast %div3A_103 : vector<1x256xf32> to vector<16x256xf32>
    %sub3A_107 = arith.subf %max3A_91, %sub3A_106 : vector<16x256xf32>
    %mul3A_108 = arith.mulf %sub3A_105, %sub3A_107 : vector<16x256xf32>
    %reduce_sum3A_109 = arith.constant dense<0.000000e+00> : vector<256xf32>
    %reduce_sum3A_110 = vector.multi_reduction <add>, %mul3A_108, %reduce_sum3A_109 [0] : vector<16x256xf32> to vector<256xf32>
    %broadcast_in_dim3A_111 = vector.shape_cast %reduce_sum3A_110 : vector<256xf32> to vector<1x256xf32>
    %div3A_112 = arith.constant 1.600000e+01 : f32
    %div3A_113 = vector.broadcast %div3A_112 : f32 to vector<1x256xf32>
    %div3A_114 = arith.divf %broadcast_in_dim3A_111, %div3A_113 : vector<1x256xf32>
    %sub3A_115 = vector.broadcast %div3A_103 : vector<1x256xf32> to vector<16x256xf32>
    %sub3A_116 = arith.subf %max3A_91, %sub3A_115 : vector<16x256xf32>
    %add3A_117 = arith.constant 9.99999974E-6 : f32
    %add3A_118 = vector.broadcast %add3A_117 : f32 to vector<1x256xf32>
    %add3A_119 = arith.addf %div3A_114, %add3A_118 : vector<1x256xf32>
    %sqrt3A_120 = math.sqrt %add3A_119 : vector<1x256xf32>
    %div3A_121 = vector.broadcast %sqrt3A_120 : vector<1x256xf32> to vector<16x256xf32>
    %div3A_122 = arith.divf %sub3A_116, %div3A_121 : vector<16x256xf32>
    %mul3A_123 = vector.broadcast %get3A_94 : vector<1x256xf32> to vector<16x256xf32>
    %mul3A_124 = arith.mulf %div3A_122, %mul3A_123 : vector<16x256xf32>
    %add3A_125 = vector.broadcast %get3A_97 : vector<1x256xf32> to vector<16x256xf32>
    %add3A_126 = arith.addf %mul3A_124, %add3A_125 : vector<16x256xf32>
    %get3A_127 = arith.constant 0 : index
    %get3A_128 = arith.constant 0 : index
    %get3A_129 = vector.load %arg12[%get3A_127, %get3A_128] : memref<256x128xf32, #tpu.memory_space<vmem>>, vector<256x128xf32>
    %dot_general3A_130 = arith.constant dense<0.000000e+00> : vector<16x128xf32>
    %dot_general3A_131 = tpu.matmul %add3A_126, %get3A_129, %dot_general3A_130 {dimension_numbers = #tpu.dot_dimension_numbers<[1], [0], [0], [1], [0, 0, 1, 1], [], []>, transpose_lhs_hint = false} : vector<16x256xf32>, vector<256x128xf32>, vector<16x128xf32> -> vector<16x128xf32>
    %get3A_132 = arith.constant 0 : index
    %get3A_133 = arith.constant 0 : index
    %get3A_134 = vector.load %arg13[%get3A_132, %get3A_133] : memref<1x128xf32, #tpu.memory_space<vmem>>, vector<1x128xf32>
    %add3A_135 = vector.broadcast %get3A_134 : vector<1x128xf32> to vector<16x128xf32>
    %add3A_136 = arith.addf %dot_general3A_131, %add3A_135 : vector<16x128xf32>
    %swap3A = arith.constant 0 : index
    %swap3A_137 = arith.constant 0 : index
    %swap3A_138 = vector.load %arg14[%swap3A, %swap3A_137] : memref<16x128xf32, #tpu.memory_space<vmem>>, vector<16x128xf32>
    tpu.vector_store %arg14[%swap3A, %swap3A_137], %add3A_136 {strides = array<i32>} : memref<16x128xf32, #tpu.memory_space<vmem>>, vector<16x128xf32>,
    return
  }
}

</mosaic_0001>

<sc_bundles>
// kernel: kernel.6.cloned.1.call-start
scs
__scs_entry_jumppad:
0x0: {  	(pc) =	sbr.rel $0x88, $3  }
0x1: {  	(tag) =	ssettag $0x0;
	lr =	simm.s32 $0x1  }
0x2: {  	[smem:$0x3F8B] =	sst lr;
	_ =	strace $0xD0000000  }
0x3: {  	_ = 	snop  }
0x4: {  	_ = 	snop  }
0x5: {  	_ = 	snop  }
0x6: {  	_ = 	snop  }
0x7: {  	_ = 	snop  }
__scs_overlays_trampoline_lowered:
0x8: {  	[smem:$0x3F9A] =	sst s0  }
0x9: {  	[smem:$0x3F9B] =	sst s1  }
0xa: {  	[smem:$0x3F9C] =	sst s2  }
0xb: {  	[smem:$0x3F9D] =	sst s3  }
0xc: {  	[smem:$0x3F9E] =	sst s4  }
0xd: {  	[smem:$0x3F9F] =	sst s5  }
0xe: {  	[smem:$0x3FA0] =	sst s6  }
0xf: {  	[smem:$0x3FA1] =	sst s7  }
0x10: {  	[smem:$0x3FA2] =	sst s8  }
0x11: {  	[smem:$0x3FA3] =	sst s9;
	s0 =	simm.s32 @!p0 $0x0  }
0x12: {  	s1 =	sld [smem:$0x3F89];
	s0 =	simm.s32 @p0 $0x1  }
0x13: {  	[smem:$0x3FA4] =	sst s0;
	s0 =	simm.s32 @!p1 $0x0  }
0x14: {  	s2 =	sld [smem:$0x3F88];
	s0 =	simm.s32 @p1 $0x1  }
0x15: {  	[smem:$0x3FA5] =	sst s0;
	s0 =	simm.s32 @!p2 $0x0  }
0x16: {  	s3 =	sld [smem:$0x3FDB];
	s0 =	simm.s32 @p2 $0x1  }
0x17: {  	s4 =	simm.s32 $0x1BF5;
	[smem:$0x3FA7] =	sst s0  }
0x18: {  	s0 =	sld [smem:$0x3F8A];
	_ =	swait.ge [sflag:s4], $0x0  }
0x19: {  	s7 =	sld [smem:$0x3F8B]  }
0x1a: {  	s8 =	sadd.s32 $0xFFFFE003, lr  }
0x1b: {  	s9 =	sadd.s32 $0xFFFFFEF7, lr;
	s5 =	simm.s32 $0xFFFFFFFF;
	p2 =	slt.u32 s8, $0xFFFFF086  }
0x1c: {  	p1 =	slt.u32 s9, $0xF7A;
	s5 =	simm.s32 @!p2 $0x0  }
0x1d: {  	s5 =	simm.s32 @p1 $0x1;
	p0 =	seq.s32 s7, s2  }
0x1e: {  	s7 =	smul.u32 @!p0 $0xF7A, s2;
	p2 =	seq.s32 @!p0 s5, $0x0  }
0x1f: {  	s9 =	smul.u32 $0xF7A, s1;
	s8 =	simm.s32 @!p0 $0x1BF5;
	p2 =	por !p2, p0  }
0x20: {  	[sflag:s8] =	ssyncset.s32 @!p0 $0xFFFFF086;
	s6 =	sadd.s32 @!p0 s3, s7;
	s7 =	simm.s32 @!p0 $0x108  }
0x21: {  	s3 =	sadd.s32 s3, s9;
	s6 =	sadd.s32 @!p0 $0x88, s6;
	s7 =	simm.s32 @p2 $0x1082  }
0x22: {  	[simem:s7], [sflag:s8] =	dma.local @!p0 [hbm:s6], $0xF7A  }
0x23: {  	s9 =	sor.u32 $0xD0000000, s2;
	s6 =	simm.s32 $0x108;
	_ =	swait.ge @!p0 [sflag:s8], $0x0  }
0x24: {  	s3 =	sadd.s32 $0x88, s3;
	s6 =	simm.s32 @!p1 $0x1082;
	[sflag:s4] =	ssyncset.s32 $0xFFFFF086  }
0x25: {  	[simem:s6], [sflag:s4] =	dma.local [hbm:s3], $0xF7A  }
0x26: {  	[smem:$0x3F8B] =	sst s1;
	(tag) =	ssettag s2;
	_ =	strace s9  }
0x27: {  	s1 =	sld [smem:$0x3F9B]  }
0x28: {  	s2 =	sld [smem:$0x3F9C]  }
0x29: {  	s4 =	sld [smem:$0x3F9E]  }
0x2a: {  	p0 =	seq.s32 s5, $0x0;
	s5 =	sld [smem:$0x3F9F]  }
0x2b: {  	s6 =	sld [smem:$0x3FA0]  }
0x2c: {  	s7 =	sld [smem:$0x3FA1]  }
0x2d: {  	s3 =	simm.s32 $0x108;
	s8 =	sld [smem:$0x3FA2]  }
0x2e: {  	s3 =	simm.s32 @!p0 $0x1082;
	s9 =	sld [smem:$0x3FA3]  }
0x2f: {  	lr =	sadd.s32 s0, s3;
	s0 =	sld [smem:$0x3F9A]  }
0x30: {  	s3 =	sld [smem:$0x3F9D]  }
0x31: {  	[smem:$0x3FA6] =	sst s10  }
0x32: {  	s10 =	sld [smem:$0x3FA4];
	_ =	sdelay $0x3  }
0x33: {  	p0 =	seq.s32 s10, $0x1;
	s10 =	sld [smem:$0x3FA6];
	_ =	sdelay $0x3  }
0x34: {  	[smem:$0x3FA6] =	sst s10  }
0x35: {  	s10 =	sld [smem:$0x3FA5];
	_ =	sdelay $0x3  }
0x36: {  	p1 =	seq.s32 s10, $0x1;
	s10 =	sld [smem:$0x3FA6];
	_ =	sdelay $0x3  }
0x37: {  	[smem:$0x3FA6] =	sst s10  }
0x38: {  	s10 =	sld [smem:$0x3FA7]  }
0x39: {  	_ = 	snop;
	(pc) =	sbr.ind lr, $3  }
0x3a: {  	_ = 	snop  }
0x3b: {  	_ = 	snop  }
0x3c: {  	p2 =	seq.s32 s10, $0x1;
	s10 =	sld [smem:$0x3FA6]  }
0x3d: {  	_ =	shalt  }
0x3e: {  	_ =	shalt  }
0x3f: {  	_ =	shalt  }
0x40: {  	_ =	shalt  }
0x41: {  	_ =	shalt  }
0x42: {  	_ =	shalt  }
0x43: {  	_ =	shalt  }
0x44: {  	_ =	shalt  }
0x45: {  	_ =	shalt  }
0x46: {  	_ =	shalt  }
0x47: {  	_ =	shalt  }
0x48: {  	_ =	shalt  }
0x49: {  	_ =	shalt  }
0x4a: {  	_ =	shalt  }
0x4b: {  	_ =	shalt  }
0x4c: {  	_ =	shalt  }
0x4d: {  	_ =	shalt  }
0x4e: {  	_ =	shalt  }
0x4f: {  	_ =	shalt  }
0x50: {  	_ =	shalt  }
0x51: {  	_ =	shalt  }
0x52: {  	_ =	shalt  }
0x53: {  	_ =	shalt  }
0x54: {  	_ =	shalt  }
0x55: {  	_ =	shalt  }
0x56: {  	_ =	shalt  }
0x57: {  	_ =	shalt  }
0x58: {  	_ =	shalt  }
0x59: {  	_ =	shalt  }
0x5a: {  	_ =	shalt  }
0x5b: {  	_ =	shalt  }
0x5c: {  	_ =	shalt  }
0x5d: {  	_ =	shalt  }
0x5e: {  	_ =	shalt  }
0x5f: {  	_ =	shalt  }
0x60: {  	_ =	shalt  }
0x61: {  	_ =	shalt  }
0x62: {  	_ =	shalt  }
0x63: {  	_ =	shalt  }
0x64: {  	_ =	shalt  }
0x65: {  	_ =	shalt  }
0x66: {  	_ =	shalt  }
0x67: {  	_ =	shalt  }
0x68: {  	_ =	shalt  }
0x69: {  	_ =	shalt  }
0x6a: {  	_ =	shalt  }
0x6b: {  	_ =	shalt  }
0x6c: {  	_ =	shalt  }
0x6d: {  	_ =	shalt  }
0x6e: {  	_ =	shalt  }
0x6f: {  	_ =	shalt  }
0x70: {  	_ =	shalt  }
0x71: {  	_ =	shalt  }
0x72: {  	_ =	shalt  }
0x73: {  	_ =	shalt  }
0x74: {  	_ =	shalt  }
0x75: {  	_ =	shalt  }
0x76: {  	_ =	shalt  }
0x77: {  	_ =	shalt  }
0x78: {  	_ =	shalt  }
0x79: {  	_ =	shalt  }
0x7a: {  	_ =	shalt  }
0x7b: {  	_ =	shalt  }
0x7c: {  	_ =	shalt  }
0x7d: {  	_ =	shalt  }
0x7e: {  	_ =	shalt  }
0x7f: {  	_ =	shalt  }
0x80: {  	_ =	shalt  }
0x81: {  	_ =	shalt  }
0x82: {  	_ =	shalt  }
0x83: {  	_ =	shalt  }
0x84: {  	_ =	shalt  }
0x85: {  	_ =	shalt  }
0x86: {  	_ =	shalt  }
0x87: {  	_ =	shalt  }
.Lfunc_end0:
.L_simem_size_0:
called_computation_lowered:
.L_overlay_start_0:
0x88: {  	s2 =	sld [smem:$0x3FD9]  }
0x89: {  	s3 =	sld [smem:$0x3FFE];
	_ =	sdelay $0x1  }
0x8a: {  	s1 =	srdreg.scid  }
0x8b: {  	s0 =	sand.u32 $0x1, s1  }
0x8c: {  	s16 =	sshll.u32 s0, $0xA;
	s2 =	sadd.s32 s3, s2  }
0x8d: {  	s2 =	sadd.s32 s2, s16  }
0x8e: {  	[smem:$0x3FB2] =	sst s2  }
0x8f: {  	_ = 	snop  }
0x90: {  	(tm) =	ssettm $0x1  }
0x91: {  	s17 =	sld [smem:$0x3FFB];
	_ =	sdelay $0x3  }
0x92: {  	_ =	strace s17  }
0x93: {  	s2 =	sld [smem:$0x3FFC];
	_ =	sdelay $0x3  }
0x94: {  	_ =	strace s2  }
0x95: {  	s2 =	sld [smem:$0x3FFD];
	_ =	sdelay $0x3  }
0x96: {  	_ =	strace s2  }
0x97: {  	_ =	strace $0x8FFFFFFF  }
0x98: {  	s18 =	sld [smem:$0x3FDB];
	_ =	sdelay $0x1  }
0x99: {  	s19 =	simm.s32 $_scs_section_size  }
0x9a: {  	s4 =	simm.s32 $_size__tile_overlayer_lowered;
	s5 =	simm.s32 $_tile_overlayer_lowered  }
0x9b: {  	s22 =	simm.s32 $0x1BFF;
	s21 =	sshll.u32 s5, $0x1;
	s2 =	sadd.s32 s19, s18  }
0x9c: {  	s6 =	simm.s32 $0x0;
	s20 =	sshll.u32 s4, $0x1;
	s4 =	sadd.s32 s21, s2  }
0x9d: {  	[timem:s6], [sflag:s22] =	dma.local [hbm:s4], s20  }
0x9e: {  	_ =	swait.ge [sflag:s22], s20  }
0x9f: {  	s3 =	ssub.s32 $0x0, s20;
	[sflag:s22] =	ssyncset.done $0x0  }
0xa0: {  	[sflag:s22] =	ssyncadd.s32 s3;
	_ =	sdelay $0x1  }
0xa1: {  	s23 =	simm.s32 $0x1B8B  }
0xa2: {  	_ =	swait.ge [sflag:s23], $0x1  }
0xa3: {  	[sflag:s23] =	ssyncset.done $0x0  }
0xa4: {  	s25 =	simm.s32 $0x1B8E;
	s24 =	sld [smem:$0x3FFE];
	[sflag:s23] =	ssyncadd.s32 $0xFFFFFFFF  }
0xa5: {  	s26 =	simm.s32 $execute0_lowered;
	[smem:$0x3FD2] =	sst s25  }
0xa6: {  	s4 =	sshll.u32 s26, $0x1;
	_ =	strace $0x80000046;
	[dreg:$0x1] =	wrdreg $0xFFFFFFFF  }
0xa7: {  	s28 =	simm.s32 $_size_execute0_lowered;
	s2 =	sadd.s32 s2, s4;
	[dreg:$0x0] =	wrdreg $0x0  }
0xa8: {  	s4 =	sshll.u32 s28, $0x1;
	[dreg:$0x2] =	wrdreg s2  }
0xa9: {  	[dreg:$0x3] =	wrdreg s4  }
0xaa: {  	[dreg:$0x4] =	wrdreg $0xC0  }
0xab: {  	_ =	task [dreg:s6], $0x5FFFF  }
0xac: {  	[dreg:$0x1] =	wrdreg $0xFFFFFFFF  }
0xad: {  	[dreg:$0x0] =	wrdreg $0x60  }
0xae: {  	[dreg:$0x2] =	wrdreg s24  }
0xaf: {  	[dreg:$0x3] =	wrdreg $0xAB000  }
0xb0: {  	[dreg:$0x4] =	wrdreg $0x9  }
0xb1: {  	_ =	task.clear_ibuf [dreg:s6], $0x5FFFF;
	_ =	strace $0x90000046  }
0xb2: {  	s29 =	simm.s32 $0x9;
	_ =	strace $0x80000048  }
0xb3: {  	_ =	swait.ge [sflag:s29], $0x1  }
0xb4: {  	[sflag:s29] =	ssyncadd.s32 $0xFFFFFFFF  }
0xb5: {  	_ =	strace $0x90000048  }
0xb6: {  	_ =	sfence  }
0xb7: {  	s30 =	sld [smem:$0x0];
	_ =	sdelay $0x2  }
0xb8: {  	s31 =	sshll.u32 s1, $0xD;
	s1 =	sshrl.u32 s1, $0x2  }
0xb9: {  	s3 =	sand.u32 $0x4000, s31;
	s1 =	sadd.s32 s1, s30  }
0xba: {  	s0 =	sor.u32 s3, s0;
	s1 =	sshll.u32 s1, $0x11  }
0xbb: {  	s0 =	sor.u32 s1, s0  }
0xbc: {  	s0 =	sadd.s32 $0x8F2B, s0  }
0xbd: {  	[sflag:s0] =	ssyncadd.remote.s32 $0x1  }
0xbe: {  	_ =	sfence.sel $0xFFFF  }
0xbf: {  	[dreg:$0x0] =	wrdreg $0xFFFFFFFF;
	(pc) =	sbr.abs _section_cstart, $3  }
0xc0: {  	[dreg:$0x1] =	wrdreg $0xFFFFFFFF  }
0xc1: {  	_ =	task.clear_ibuf [dreg:s6], $0x2FFFF;
	_ =	strace $0x9FFFFFFF  }
0xc2: {  	(tm) =	ssettm $0x7FFFFFFF  }
0xc3: {  	_ =	shalt  }
tec
execute0_lowered:
.L_overlay_start_1:
0x0: {  	(tag) =	ssettag $0x1  }
0x1: {  	s0 =	rddreg [dreg:$0x0]  }
0x2: {  	s2 =	rddreg [dreg:$0x1];
	s9 =	stileid.u32  }
0x3: {  	s4 =	srdreg.scid;
	s6 =	simm.s32 $0x0;
	s24 =	simm.s32 $0x3800  }
0x4: {  	s28 =	simm.s32 $0x1;
	s29 =	simm.s32 $0x7B00;
	s1 =	smul.u32 $0x380, s9  }
0x5: {  	s30 =	simm.s32 $0x2;
	s31 =	simm.s32 $0x3;
	s8 =	smul.u32 $0x14000, s9  }
0x6: {  	s3 =	sshrl.u32 s9, $0x3;
	s16 =	sshll.u32 s9, $0x7;
	s9 =	smul.u32 $0x50000, s9  }
0x7: {  	s5 =	sand.u32 $0x1, s4;
	[smem:$0x7FF] =	sst s6;
	s3 =	smul.u32 $0x9800, s3  }
0x8: {  	s4 =	sadd.s32 $0xA800, s0;
	s17 =	smul.u32 $0x140000, s5;
	_ =	strace $0x80000047  }
0x9: {  	s7 =	sand.u32 $0x380, s16;
	s18 =	ssub.s32 $0x2, s5;
	s23 =	smul.u32 $0x7800, s5  }
0xa: {  	s1 =	sadd.s32 s1, s0;
	s19 =	sshrl.u32 s18, $0x1;
	s22 =	sshrl.u32 s9, $0x2  }
0xb: {  	s3 =	sor.u32 s7, s3;
	s6 =	sadd.s32 s8, s17;
	s20 =	ssub.s32 s18, s19  }
0xc: {  	s21 =	sadd.s32 $0x1200, s1;
	s1 =	sadd.s32 $0x4A00, s1;
	s8 =	sadd.s32 s22, s2  }
0xd: {  	s3 =	sshrl.u32 s3, $0x3;
	s6 =	sshrl.u32 s6, $0x3;
	[dreg:$0x3] =	wrdreg s21  }
0xe: {  	[dreg:$0x4] =	wrdreg s1;
	s1 =	sadd.s32 $0x2000, s8;
	s25 =	sadd.s32 $0x4000, s8  }
0xf: {  	s26 =	sadd.s32 $0x6000, s8;
	s12 =	sadd.s32 $0x8000, s8;
	s13 =	sadd.s32 $0xA000, s8  }
0x10: {  	s14 =	sadd.s32 $0xC000, s8;
	s15 =	sadd.s32 $0xE000, s8;
	s16 =	sadd.s32 $0x10000, s8  }
0x11: {  	s17 =	sadd.s32 $0x12000, s8;
	s19 =	smax.u32 s20, $0x1;
	[dreg:$0x6] =	wrdreg s1  }
0x12: {  	s20 =	simm.s32 $0x5;
	s21 =	simm.s32 $0x0;
	[dreg:$0x7] =	wrdreg s25  }
0x13: {  	s3 =	sadd.s32 s3, s0;
	s0 =	sadd.s32 s6, s0;
	[dreg:$0x8] =	wrdreg s26  }
0x14: {  	s25 =	simm.s32 $0x4B00;
	s26 =	simm.s32 $0x60;
	s3 =	sadd.s32 $0x8200, s3  }
0x15: {  	v1 =	vimm.f32 $0.0e+00;
	v0 =	vmov s23;
	s18 =	sadd.s32 $0xFA800, s0;
	s0 =	simm.s32 $0x4;
	[dreg:$0x5] =	wrdreg s3  }
.LBB2_1:
0x16: {  	s1 =	simm.s32 $0x0;
	s3 =	rddreg [dreg:$0x3]  }
0x17: {  	[tilespmem:s1], [sflag:$0x5] =	stream.linear.gather [hbm4b:s3+s1], $0x1900, $0x38;
	[tilespmem:$0x1EB00] =	vst v63  }
0x18: {  	_ =	swait.ge [sflag:s20], $0x1900  }
0x19: {  	[sflag:s20] =	ssyncset.done $0x0  }
0x1a: {  	s5 =	simm.s32 $0x1C00;
	s10 =	rddreg [dreg:$0x4];
	[sflag:s20] =	ssyncadd.s32 $0xFFFFE700  }
0x1b: {  	[tilespmem:s5], [sflag:$0x5] =	stream.linear.gather [hbm4b:s10+s1], $0x1900, $0x38;
	[tilespmem:$0x1EB00] =	vst v63  }
0x1c: {  	_ =	swait.ge [sflag:s20], $0x1900  }
0x1d: {  	s22 =	simm.s32 $0x80;
	[sflag:s20] =	ssyncset.done $0x0  }
0x1e: {  	s23 =	simm.s32 $0x400;
	s11 =	rddreg [dreg:$0x5];
	[sflag:s20] =	ssyncadd.s32 $0xFFFFE700  }
0x1f: {  	[tilespmem:s24], [sflag:$0x5] =	stream.strided.gather [hbm4b:s11+s22], $0x1300, s23, s22, $0x38;
	[tilespmem:$0x1EB00] =	vst v63  }
0x20: {  	_ =	swait.ge [sflag:s20], $0x1300  }
0x21: {  	[sflag:s20] =	ssyncset.done $0x0  }
0x22: {  	s1 =	simm.s32 $0x0;
	[sflag:s20] =	ssyncadd.s32 $0xFFFFED00  }
0x23: {  	v6 =	vld [tilespmem:s1+$0x0]  }
0x24: {  	v5 =	vld [tilespmem:s1+$0x10]  }
0x25: {  	v4 =	vld [tilespmem:s1+$0x20]  }
0x26: {  	v3 =	vld [tilespmem:s1+$0x30]  }
0x27: {  	s3 =	simm.s32 $0x200;
	v2 =	vld [tilespmem:s1+$0x40]  }
.LBB2_2:
0x28: {  	p0 =	sne.s32 s3, $0x6200;
	v6 =	vadd.s32 v0, v6;
	v7 =	vld [tilespmem:s1+$0x50]  }
0x29: {  	s5 =	sshra.s32 s3, $0x2;
	[tilespmem:s1+$0x0] =	vst v6;
	v5 =	vadd.s32 v0, v5  }
.Ltmp0:
0x2a: {  	v6 =	vld [tilespmem:s5+$0x0];
	[tilespmem:s1+$0x10] =	vst v5;
	v4 =	vadd.s32 v0, v4;
	(pc) =	sbr.rel @p0 .LBB2_2-.Ltmp0, $4  }
0x2b: {  	v5 =	vld [tilespmem:s5+$0x10];
	[tilespmem:s1+$0x20] =	vst v4;
	v3 =	vadd.s32 v0, v3  }
0x2c: {  	v4 =	vld [tilespmem:s5+$0x20];
	[tilespmem:s1+$0x30] =	vst v3;
	v2 =	vadd.s32 v0, v2  }
0x2d: {  	v3 =	vld [tilespmem:s5+$0x30];
	[tilespmem:s1+$0x40] =	vst v2;
	v7 =	vadd.s32 v0, v7  }
0x2e: {  	s3 =	sadd.s32 $0x200, s3;
	v2 =	vld [tilespmem:s5+$0x40];
	[tilespmem:s1+$0x50] =	vst v7;
	s1 =	smov.u32 s5  }
0x2f: {  	v6 =	vadd.s32 v0, v6;
	v7 =	vld [tilespmem:s1+$0x50]  }
0x30: {  	[tilespmem:s1+$0x0] =	vst v6;
	v5 =	vadd.s32 v0, v5  }
0x31: {  	[tilespmem:s1+$0x10] =	vst v5;
	v4 =	vadd.s32 v0, v4  }
0x32: {  	[tilespmem:s1+$0x20] =	vst v4;
	v3 =	vadd.s32 v0, v3  }
0x33: {  	[tilespmem:s1+$0x30] =	vst v3;
	v2 =	vadd.s32 v0, v2  }
0x34: {  	[tilespmem:s1+$0x40] =	vst v2;
	v2 =	vadd.s32 v0, v7  }
0x35: {  	s3 =	simm.s32 $0x200;
	[tilespmem:s1+$0x50] =	vst v2;
	s1 =	simm.s32 $0x0  }
.LBB2_4:
0x36: {  	p0 =	sne.s32 s3, $0x7E00;
	[tilespmem:s1+$0x4B70] =	vst v1  }
0x37: {  	[tilespmem:s1+$0x4B00] =	vst v1  }
0x38: {  	[tilespmem:s1+$0x4B10] =	vst v1  }
.Ltmp1:
0x39: {  	[tilespmem:s1+$0x4B20] =	vst v1;
	(pc) =	sbr.rel @p0 .LBB2_4-.Ltmp1, $4  }
0x3a: {  	[tilespmem:s1+$0x4B30] =	vst v1  }
0x3b: {  	[tilespmem:s1+$0x4B40] =	vst v1  }
0x3c: {  	[tilespmem:s1+$0x4B50] =	vst v1  }
0x3d: {  	[tilespmem:s1+$0x4B60] =	vst v1;
	s1 =	sshra.s32 s3, $0x2;
	s3 =	sadd.s32 $0x200, s3  }
0x3e: {  	[tilespmem:s1+$0x4B70] =	vst v1  }
0x3f: {  	[tilespmem:s1+$0x4B00] =	vst v1  }
0x40: {  	[tilespmem:s1+$0x4B10] =	vst v1  }
0x41: {  	[tilespmem:s1+$0x4B20] =	vst v1  }
0x42: {  	[tilespmem:s1+$0x4B30] =	vst v1  }
0x43: {  	[tilespmem:s1+$0x4B40] =	vst v1  }
0x44: {  	[tilespmem:s1+$0x4B50] =	vst v1  }
0x45: {  	[tilespmem:s1+$0x4B60] =	vst v1  }
0x46: {  	[spmem:s8] =	stream.linear.scatter [tilespmem:s25], [sflag:$0x5], $0x2000, $0x38;
	[tilespmem:$0x1EB00] =	vst v63  }
0x47: {  	_ =	swait.ge [sflag:s20], $0x2000  }
0x48: {  	[sflag:s20] =	ssyncset.done $0x0  }
0x49: {  	s11 =	rddreg [dreg:$0x6];
	[sflag:s20] =	ssyncadd.s32 $0xFFFFE000  }
0x4a: {  	[spmem:s11] =	stream.linear.scatter [tilespmem:s25], [sflag:$0x5], $0x2000, $0x38;
	[tilespmem:$0x1EB00] =	vst v63  }
0x4b: {  	_ =	swait.ge [sflag:s20], $0x2000  }
0x4c: {  	[sflag:s20] =	ssyncset.done $0x0  }
0x4d: {  	s22 =	rddreg [dreg:$0x7];
	[sflag:s20] =	ssyncadd.s32 $0xFFFFE000  }
0x4e: {  	[spmem:s22] =	stream.linear.scatter [tilespmem:s25], [sflag:$0x5], $0x2000, $0x38;
	[tilespmem:$0x1EB00] =	vst v63  }
0x4f: {  	_ =	swait.ge [sflag:s20], $0x2000  }
0x50: {  	[sflag:s20] =	ssyncset.done $0x0  }
0x51: {  	s23 =	rddreg [dreg:$0x8];
	[sflag:s20] =	ssyncadd.s32 $0xFFFFE000  }
0x52: {  	[spmem:s23] =	stream.linear.scatter [tilespmem:s25], [sflag:$0x5], $0x2000, $0x38;
	[tilespmem:$0x1EB00] =	vst v63  }
0x53: {  	_ =	swait.ge [sflag:s20], $0x2000  }
0x54: {  	[sflag:s20] =	ssyncset.done $0x0  }
0x55: {  	[sflag:s20] =	ssyncadd.s32 $0xFFFFE000  }
0x56: {  	[spmem:s12] =	stream.linear.scatter [tilespmem:s25], [sflag:$0x5], $0x2000, $0x38;
	[tilespmem:$0x1EB00] =	vst v63  }
0x57: {  	_ =	swait.ge [sflag:s20], $0x2000  }
0x58: {  	[sflag:s20] =	ssyncset.done $0x0  }
0x59: {  	[sflag:s20] =	ssyncadd.s32 $0xFFFFE000  }
0x5a: {  	[spmem:s13] =	stream.linear.scatter [tilespmem:s25], [sflag:$0x5], $0x2000, $0x38;
	[tilespmem:$0x1EB00] =	vst v63  }
0x5b: {  	_ =	swait.ge [sflag:s20], $0x2000  }
0x5c: {  	[sflag:s20] =	ssyncset.done $0x0  }
0x5d: {  	[sflag:s20] =	ssyncadd.s32 $0xFFFFE000  }
0x5e: {  	[spmem:s14] =	stream.linear.scatter [tilespmem:s25], [sflag:$0x5], $0x2000, $0x38;
	[tilespmem:$0x1EB00] =	vst v63  }
0x5f: {  	_ =	swait.ge [sflag:s20], $0x2000  }
0x60: {  	[sflag:s20] =	ssyncset.done $0x0  }
0x61: {  	[sflag:s20] =	ssyncadd.s32 $0xFFFFE000  }
0x62: {  	[spmem:s15] =	stream.linear.scatter [tilespmem:s25], [sflag:$0x5], $0x2000, $0x38;
	[tilespmem:$0x1EB00] =	vst v63  }
0x63: {  	_ =	swait.ge [sflag:s20], $0x2000  }
0x64: {  	[sflag:s20] =	ssyncset.done $0x0  }
0x65: {  	[sflag:s20] =	ssyncadd.s32 $0xFFFFE000  }
0x66: {  	[spmem:s16] =	stream.linear.scatter [tilespmem:s25], [sflag:$0x5], $0x2000, $0x38;
	[tilespmem:$0x1EB00] =	vst v63  }
0x67: {  	_ =	swait.ge [sflag:s20], $0x2000  }
0x68: {  	[sflag:s20] =	ssyncset.done $0x0  }
0x69: {  	[sflag:s20] =	ssyncadd.s32 $0xFFFFE000  }
0x6a: {  	[spmem:s17] =	stream.linear.scatter [tilespmem:s25], [sflag:$0x5], $0x2000, $0x38;
	[tilespmem:$0x1EB00] =	vst v63  }
0x6b: {  	_ =	swait.ge [sflag:s20], $0x2000  }
0x6c: {  	[sflag:s20] =	ssyncset.done $0x0  }
0x6d: {  	[sflag:s20] =	ssyncadd.s32 $0xFFFFE000  }
0x6e: {  	s22 =	simm.s32 $0x0;
	s23 =	simm.s32 $0x0;
	[bflag:$0x0] =	sbarrier.arrive $0xFFFF  }
0x6f: {  	[tilespmem:s25], [sflag:$0x1] =	stream.indirect.gather [hbm4b:s4+s26], $0x80, s22, s26, $0xb8;
	[tilespmem:$0x1EB00] =	vst v63  }
.LBB2_6:
0x70: {  	_ =	swait.ge [sflag:s28], $0x3000  }
0x71: {  	p0 =	seq.s32 s23, $0x0;
	[sflag:s28] =	ssyncset.done $0x0  }
0x72: {  	s1 =	simm.s32 @!p0 $0x4;
	[sflag:s28] =	ssyncadd.s32 $0xFFFFD000  }
0x73: {  	s3 =	sshllo.u32 s23, $0x1;
	_ =	swait.ge @!p0 [sflag:s1], $0x3000  }
0x74: {  	s3 =	sshll.u32 s3, $0x9;
	[sflag:s1] =	ssyncset.done @!p0 $0x0  }
0x75: {  	[sflag:s1] =	ssyncadd.s32 @!p0 $0xFFFFD000;
	s1 =	sshrl.u32 s3, $0x2;
	s3 =	simm.s32 $0x4C00  }
0x76: {  	[tilespmem:s29], [sflag:$0x2] =	stream.indirect.gather [hbm4b:s4+s26], $0x80, s1, s26, $0xb8;
	[tilespmem:$0x1EB00] =	vst v63  }
0x77: {  	v4 =	vld [tilespmem:s3+$0xFFFFFFF0]  }
0x78: {  	v3 =	vld [tilespmem:s3+$0xFFFFFF40]  }
0x79: {  	v5 =	vld [tilespmem:s3+$0xF0]  }
0x7a: {  	v6 =	vld [tilespmem:s3+$0x40]  }
0x7b: {  	v7 =	vld [tilespmem:s3+$0xC0]  }
0x7c: {  	v8 =	vld [tilespmem:s3+$0xFFFFFFD0]  }
0x7d: {  	v9 =	vld [tilespmem:s3+$0x50]  }
0x7e: {  	s5 =	sadd.s32 $0x0, s22;
	v11 =	vld [tilespmem:s3+$0xD0]  }
0x7f: {  	v2 =	vmov s5;
	s6 =	sadd.s32 $0x1, s5;
	s7 =	sadd.s32 $0x2, s5;
	s5 =	sadd.s32 $0x3, s5;
	v13 =	vld [tilespmem:s3+$0xFFFFFF60]  }
0x80: {  	v17 =	vmov s5;
	v14 =	vld [tilespmem:s3+$0xFFFFFFE0]  }
0x81: {  	v2 =	vand.u32 $0xFFFFFFFC, v2;
	v15 =	vld [tilespmem:s3+$0x60]  }
0x82: {  	v2 =	vbroadcast v2, $0x0;
	v16 =	vld [tilespmem:s3+$0xE0]  }
0x83: {  	v10 =	vmov s6;
	v18 =	vld [tilespmem:s3+$0xFFFFFF70]  }
0x84: {  	v12 =	vmov s7;
	v10 =	vand.u32 $0xFFFFFFFD, v10;
	v19 =	vld [tilespmem:s3+$0x70]  }
0x85: {  	v12 =	vand.u32 $0xFFFFFFFE, v12;
	v10 =	vbroadcast v10, $0x0;
	v17 =	vld.idx.msk [tilespmem:v17+s24+$0x0], $0xffff  }
0x86: {  	v12 =	vbroadcast v12, $0x0;
	v22 =	vld [tilespmem:s3+$0xFFFFFFB0]  }
0x87: {  	v24 =	vld [tilespmem:s3+$0xA0]  }
0x88: {  	v2 =	vld.idx.msk [tilespmem:v2+s24+$0x0], $0xffff  }
0x89: {  	v23 =	vld [tilespmem:s3+$0xFFFFFF30]  }
0x8a: {  	v25 =	vld [tilespmem:s3+$0x90]  }
0x8b: {  	v20 =	vld.idx.msk [tilespmem:v10+s24+$0x0], $0xffff;
	v5 =	vmul.f32 v5, v17  }
0x8c: {  	v21 =	vld.idx.msk [tilespmem:v12+s24+$0x0], $0xffff;
	v24 =	vmul.f32 v24, v17  }
0x8d: {  	v10 =	vld [tilespmem:s3+$0xB0];
	v3 =	vmul.f32 v3, v2;
	[tilespmem:s3+$0xF0] =	vst v5  }
0x8e: {  	v26 =	vld [tilespmem:s3+$0x10];
	v13 =	vmul.f32 v13, v2;
	[tilespmem:s3+$0xA0] =	vst v24  }
0x8f: {  	v62 =	vld [tilespmem:s3+$0xFFFFFF10];
	v5 =	vmul.f32 v18, v2;
	[tilespmem:s3+$0xFFFFFF40] =	vst v3  }
0x90: {  	v28 =	vld [tilespmem:s3+$0xFFFFFF00];
	v14 =	vmul.f32 v14, v20;
	[tilespmem:s3+$0xFFFFFF60] =	vst v13  }
0x91: {  	v12 =	vld [tilespmem:s3+$0x30];
	v6 =	vmul.f32 v6, v21;
	[tilespmem:s3+$0xFFFFFF70] =	vst v5  }
0x92: {  	v27 =	vld [tilespmem:s3+$0xFFFFFF80];
	v10 =	vmul.f32 v10, v17;
	[tilespmem:s3+$0xFFFFFFE0] =	vst v14  }
0x93: {  	v63 =	vld [tilespmem:s3+$0x80];
	v15 =	vmul.f32 v15, v21;
	[tilespmem:s3+$0x40] =	vst v6  }
0x94: {  	v4 =	vmul.f32 v4, v20;
	v3 =	vmul.f32 v8, v20;
	v8 =	vld [tilespmem:s3+$0x20];
	[tilespmem:s3+$0xB0] =	vst v10  }
0x95: {  	v29 =	vld [tilespmem:s3+$0xFFFFFFC0];
	v19 =	vmul.f32 v19, v21;
	v5 =	vmul.f32 v28, v2;
	[tilespmem:s3+$0x60] =	vst v15  }
0x96: {  	v13 =	vld [tilespmem:s3+$0xFFFFFFA0];
	v6 =	vmul.f32 v7, v17;
	v7 =	vmul.f32 v12, v21;
	[tilespmem:s3+$0xFFFFFFF0] =	vst v4  }
0x97: {  	v14 =	vld [tilespmem:s3+$0xFFFFFF20];
	v10 =	vmul.f32 v22, v20;
	v4 =	vmul.f32 v27, v20;
	[tilespmem:s3+$0xFFFFFFD0] =	vst v3  }
0x98: {  	v12 =	vld [tilespmem:s3+$0xFFFFFF90];
	v3 =	vmul.f32 v9, v21;
	v9 =	vmul.f32 v11, v17;
	[tilespmem:s3+$0xC0] =	vst v6  }
0x99: {  	v11 =	vmul.f32 v23, v2;
	[tilespmem:s3+$0xFFFFFFB0] =	vst v10;
	v6 =	vmul.f32 v8, v21;
	v8 =	vld [tilespmem:s3+$0x0]  }
0x9a: {  	v15 =	vmul.f32 v29, v20;
	[tilespmem:s3+$0x50] =	vst v3;
	v3 =	vmul.f32 v16, v17;
	v16 =	vld [tilespmem:s3+$0xFFFFFF50]  }
0x9b: {  	v10 =	vmul.f32 v25, v17;
	[tilespmem:s3+$0xFFFFFF30] =	vst v11;
	v11 =	vmul.f32 v26, v21  }
0x9c: {  	[tilespmem:s3+$0x30] =	vst v7;
	v7 =	vmul.f32 v13, v20;
	v13 =	vmul.f32 v62, v2  }
0x9d: {  	[tilespmem:s3+$0xD0] =	vst v9;
	v9 =	vmul.f32 v14, v2;
	v12 =	vmul.f32 v12, v20  }
0x9e: {  	s5 =	simm.s32 $0x4;
	s6 =	simm.s32 $0x4E00;
	[tilespmem:s3+$0x70] =	vst v19;
	v14 =	vmul.f32 v63, v17;
	v8 =	vmul.f32 v8, v21  }
.LBB2_7:
0x9f: {  	s7 =	sadd.s32 s5, s22;
	v17 =	vld [tilespmem:s6+$0xFFFFFFF0];
	p0 =	sne.s32 s5, $0x5C;
	s5 =	sadd.s32 $0x4, s5;
	[tilespmem:s3+$0x20] =	vst v6;
	v2 =	vmul.f32 v16, v2  }
0xa0: {  	v6 =	vmov s7;
	s9 =	sadd.s32 $0x1, s7;
	s10 =	sadd.s32 $0x2, s7;
	s7 =	sadd.s32 $0x3, s7;
	v16 =	vld [tilespmem:s6+$0xFFFFFF40];
	[tilespmem:s3+$0xFFFFFFA0] =	vst v7  }
0xa1: {  	v6 =	vand.u32 $0xFFFFFFFC, v6;
	v7 =	vmov s9;
	v18 =	vmov s10;
	v19 =	vld [tilespmem:s6+$0xF0];
	[tilespmem:s3+$0xFFFFFF20] =	vst v9  }
0xa2: {  	v9 =	vmov s7;
	v6 =	vbroadcast v6, $0x0;
	v7 =	vand.u32 $0xFFFFFFFD, v7;
	v20 =	vld [tilespmem:s6+$0x40];
	[tilespmem:s3+$0x90] =	vst v10  }
0xa3: {  	v10 =	vand.u32 $0xFFFFFFFE, v18;
	v7 =	vbroadcast v7, $0x0;
	v18 =	vld [tilespmem:s6+$0xC0];
	[tilespmem:s3+$0x10] =	vst v11  }
0xa4: {  	v10 =	vbroadcast v10, $0x0;
	v11 =	vld [tilespmem:s6+$0xFFFFFFD0];
	[tilespmem:s3+$0xFFFFFF90] =	vst v12  }
0xa5: {  	v12 =	vld [tilespmem:s6+$0x50];
	[tilespmem:s3+$0xFFFFFF10] =	vst v13  }
0xa6: {  	v13 =	vld [tilespmem:s6+$0xD0];
	[tilespmem:s3+$0x80] =	vst v14  }
0xa7: {  	v14 =	vld [tilespmem:s6+$0xFFFFFF60];
	[tilespmem:s3+$0xFFFFFFC0] =	vst v15  }
0xa8: {  	v15 =	vld [tilespmem:s6+$0xFFFFFFE0];
	[tilespmem:s3+$0xE0] =	vst v3  }
0xa9: {  	v21 =	vld [tilespmem:s6+$0x60];
	[tilespmem:s3+$0x0] =	vst v8  }
0xaa: {  	v3 =	vld [tilespmem:s6+$0xE0];
	[tilespmem:s3+$0xFFFFFF50] =	vst v2  }
0xab: {  	v8 =	vld [tilespmem:s6+$0xFFFFFF70];
	[tilespmem:s3+$0xFFFFFF80] =	vst v4  }
0xac: {  	v4 =	vld [tilespmem:s6+$0x70];
	[tilespmem:s3+$0xFFFFFF00] =	vst v5;
	s3 =	smov.u32 s6  }
0xad: {  	v2 =	vld.idx.msk [tilespmem:v6+s24+$0x0], $0xffff  }
0xae: {  	v22 =	vld.idx.msk [tilespmem:v7+s24+$0x0], $0xffff  }
0xaf: {  	v5 =	vld.idx.msk [tilespmem:v10+s24+$0x0], $0xffff  }
0xb0: {  	v23 =	vld.idx.msk [tilespmem:v9+s24+$0x0], $0xffff  }
0xb1: {  	v6 =	vld [tilespmem:s6+$0xB0]  }
0xb2: {  	v7 =	vld [tilespmem:s6+$0x30]  }
0xb3: {  	v10 =	vmul.f32 v16, v2;
	v14 =	vmul.f32 v14, v2;
	v9 =	vld [tilespmem:s6+$0xFFFFFFB0]  }
0xb4: {  	v11 =	vmul.f32 v11, v22;
	v15 =	vmul.f32 v15, v22;
	v16 =	vld [tilespmem:s6+$0xFFFFFF30]  }
0xb5: {  	v12 =	vmul.f32 v12, v5;
	v24 =	vld [tilespmem:s6+$0xA0];
	[tilespmem:s6+$0xFFFFFF40] =	vst v10;
	v10 =	vmul.f32 v20, v5  }
0xb6: {  	v18 =	vmul.f32 v18, v23;
	v20 =	vld [tilespmem:s6+$0x20];
	v6 =	vmul.f32 v6, v23;
	[tilespmem:s6+$0xFFFFFF60] =	vst v14  }
0xb7: {  	v13 =	vmul.f32 v13, v23;
	v14 =	vld [tilespmem:s6+$0xFFFFFFA0];
	v25 =	vmul.f32 v7, v5;
	[tilespmem:s6+$0xFFFFFFE0] =	vst v15  }
0xb8: {  	v3 =	vmul.f32 v3, v23;
	v15 =	vld [tilespmem:s6+$0xFFFFFF20];
	v26 =	vmul.f32 v9, v22;
	[tilespmem:s6+$0xFFFFFFD0] =	vst v11  }
0xb9: {  	v19 =	vmul.f32 v19, v23;
	v11 =	vld [tilespmem:s6+$0x90];
	v16 =	vmul.f32 v16, v2;
	[tilespmem:s6+$0x40] =	vst v10  }
0xba: {  	v21 =	vmul.f32 v21, v5;
	v27 =	vld [tilespmem:s6+$0x10];
	v24 =	vmul.f32 v24, v23;
	[tilespmem:s6+$0xB0] =	vst v6  }
0xbb: {  	v28 =	vld [tilespmem:s6+$0xFFFFFF90];
	v6 =	vmul.f32 v20, v5;
	[tilespmem:s6+$0x50] =	vst v12;
	v20 =	vmul.f32 v4, v5  }
0xbc: {  	v17 =	vmul.f32 v17, v22;
	v4 =	vld [tilespmem:s6+$0xFFFFFF10];
	v7 =	vmul.f32 v14, v22;
	[tilespmem:s6+$0xC0] =	vst v18  }
0xbd: {  	v14 =	vld [tilespmem:s6+$0x80];
	v9 =	vmul.f32 v15, v2;
	[tilespmem:s6+$0x30] =	vst v25;
	v15 =	vmul.f32 v8, v2  }
0xbe: {  	v8 =	vld [tilespmem:s6+$0x0];
	v10 =	vmul.f32 v11, v23;
	[tilespmem:s6+$0xD0] =	vst v13  }
0xbf: {  	v18 =	vld [tilespmem:s6+$0xFFFFFF80];
	v11 =	vmul.f32 v27, v5;
	[tilespmem:s6+$0xFFFFFFB0] =	vst v26  }
0xc0: {  	v25 =	vld [tilespmem:s6+$0xFFFFFF00];
	v12 =	vmul.f32 v28, v22;
	[tilespmem:s6+$0xF0] =	vst v19  }
0xc1: {  	v13 =	vmul.f32 v4, v2;
	v19 =	vld [tilespmem:s6+$0xFFFFFFC0];
	[tilespmem:s6+$0x60] =	vst v21  }
.Ltmp2:
0xc2: {  	v14 =	vmul.f32 v14, v23;
	[tilespmem:s6+$0xFFFFFF30] =	vst v16;
	v16 =	vld [tilespmem:s6+$0xFFFFFF50];
	(pc) =	sbr.rel @p0 .LBB2_7-.Ltmp2, $4  }
0xc3: {  	v8 =	vmul.f32 v8, v5;
	[tilespmem:s6+$0xFFFFFFF0] =	vst v17  }
0xc4: {  	v4 =	vmul.f32 v18, v22;
	[tilespmem:s6+$0xFFFFFF70] =	vst v15  }
0xc5: {  	v5 =	vmul.f32 v25, v2;
	[tilespmem:s6+$0x70] =	vst v20  }
0xc6: {  	s6 =	sadd.s32 $0x200, s6;
	[tilespmem:s3+$0xA0] =	vst v24;
	v15 =	vmul.f32 v19, v22  }
0xc7: {  	[tilespmem:s3+$0x20] =	vst v6  }
0xc8: {  	[tilespmem:s3+$0xFFFFFFA0] =	vst v7  }
0xc9: {  	[tilespmem:s3+$0xFFFFFF20] =	vst v9  }
0xca: {  	[tilespmem:s3+$0x90] =	vst v10  }
0xcb: {  	[tilespmem:s3+$0x10] =	vst v11  }
0xcc: {  	[tilespmem:s3+$0xFFFFFF90] =	vst v12  }
0xcd: {  	[tilespmem:s3+$0xFFFFFF10] =	vst v13  }
0xce: {  	[tilespmem:s3+$0x80] =	vst v14  }
0xcf: {  	[tilespmem:s3+$0xE0] =	vst v3  }
0xd0: {  	[tilespmem:s3+$0x0] =	vst v8  }
0xd1: {  	[tilespmem:s3+$0xFFFFFF80] =	vst v4  }
0xd2: {  	v2 =	vmul.f32 v16, v2;
	s5 =	sshll.u32 s23, $0xA;
	[tilespmem:s3+$0xFFFFFF00] =	vst v5  }
0xd3: {  	[tilespmem:s3+$0xFFFFFFC0] =	vst v15;
	s6 =	sshrl.u32 s5, $0x2  }
0xd4: {  	[tilespmem:s3+$0xFFFFFF50] =	vst v2;
	s7 =	sadd.s32 $0x1C00, s6  }
0xd5: {  	[spmem:s2] =	stream.indirect.scatter.add.f32 [tilespmem:s25], [sflag:$0x3], $0x80, s7, s26, $0xb8;
	[tilespmem:$0x1EB00] =	vst v63  }
0xd6: {  	_ =	swait.ge [sflag:s30], $0x3000  }
0xd7: {  	p0 =	seq.s32 s23, $0x18;
	[sflag:s30] =	ssyncset.done $0x0  }
0xd8: {  	s3 =	simm.s32 @!p0 $0x3;
	[sflag:s30] =	ssyncadd.s32 $0xFFFFD000  }
0xd9: {  	_ =	swait.ge @!p0 [sflag:s3], $0x3000  }
0xda: {  	[sflag:s3] =	ssyncset.done @!p0 $0x0  }
0xdb: {  	[sflag:s3] =	ssyncadd.s32 @!p0 $0xFFFFD000;
	s3 =	sshrl.u32 @!p0 s5, $0x2  }
0xdc: {  	s6 =	simm.s32 @!p0 $0x4B00;
	s5 =	simm.s32 @!p0 $0x60;
	s3 =	sadd.s32 @!p0 $0x100, s3  }
0xdd: {  	[tilespmem:s6], [sflag:$0x1] =	stream.indirect.gather @!p0 [hbm4b:s4+s5], $0x80, s3, s5, $0xb8;
	[tilespmem:$0x1EB00] =	vst v63  }
0xde: {  	s3 =	simm.s32 $0x7CF0  }
0xdf: {  	v3 =	vld [tilespmem:s3+$0xFFFFFF00]  }
0xe0: {  	v4 =	vld [tilespmem:s3+$0xFFFFFE50]  }
0xe1: {  	v5 =	vld [tilespmem:s3+$0x0]  }
0xe2: {  	v6 =	vld [tilespmem:s3+$0xFFFFFF50]  }
0xe3: {  	s9 =	sadd.s32 $0xFFFFFFA0, s22;
	v7 =	vld [tilespmem:s3+$0xFFFFFFD0]  }
0xe4: {  	s10 =	sadd.s32 $0xC0, s9;
	v8 =	vld [tilespmem:s3+$0xFFFFFEE0]  }
0xe5: {  	v2 =	vmov s10;
	s7 =	sadd.s32 $0xC1, s9;
	v9 =	vld [tilespmem:s3+$0xFFFFFF60]  }
0xe6: {  	s11 =	sadd.s32 $0xC2, s9;
	v2 =	vand.u32 $0xFFFFFFFC, v2;
	v10 =	vmov s7;
	v11 =	vld [tilespmem:s3+$0xFFFFFFE0]  }
0xe7: {  	v12 =	vmov s11;
	v2 =	vbroadcast v2, $0x0;
	v10 =	vand.u32 $0xFFFFFFFD, v10;
	v13 =	vld [tilespmem:s3+$0xFFFFFE70]  }
0xe8: {  	v12 =	vand.u32 $0xFFFFFFFE, v12;
	v10 =	vbroadcast v10, $0x0;
	v14 =	vld [tilespmem:s3+$0xFFFFFEF0]  }
0xe9: {  	v12 =	vbroadcast v12, $0x0;
	v15 =	vld [tilespmem:s3+$0xFFFFFF70]  }
0xea: {  	v16 =	vld [tilespmem:s3+$0xFFFFFFF0]  }
0xeb: {  	v18 =	vld [tilespmem:s3+$0xFFFFFE80]  }
0xec: {  	v19 =	vld [tilespmem:s3+$0xFFFFFF80]  }
0xed: {  	v2 =	vld.idx.msk [tilespmem:v2+s24+$0x0], $0xffff  }
0xee: {  	v20 =	vld.idx.msk [tilespmem:v10+s24+$0x0], $0xffff  }
0xef: {  	s5 =	sadd.s32 $0xC3, s9;
	v21 =	vld.idx.msk [tilespmem:v12+s24+$0x0], $0xffff  }
0xf0: {  	v17 =	vmov s5;
	v10 =	vld [tilespmem:s3+$0xFFFFFFC0]  }
0xf1: {  	v12 =	vld [tilespmem:s3+$0xFFFFFF40]  }
0xf2: {  	v22 =	vld [tilespmem:s3+$0xFFFFFEC0]  }
0xf3: {  	v23 =	vld [tilespmem:s3+$0xFFFFFE40];
	v4 =	vmul.f32 v4, v2  }
0xf4: {  	v24 =	vld [tilespmem:s3+$0xFFFFFFB0];
	v13 =	vmul.f32 v13, v2  }
0xf5: {  	v17 =	vld.idx.msk [tilespmem:v17+s24+$0x0], $0xffff;
	v3 =	vmul.f32 v3, v20;
	[tilespmem:s3+$0xFFFFFE50] =	vst v4  }
0xf6: {  	v25 =	vld [tilespmem:s3+$0xFFFFFEA0];
	v9 =	vmul.f32 v9, v21;
	[tilespmem:s3+$0xFFFFFE70] =	vst v13  }
0xf7: {  	v62 =	vld [tilespmem:s3+$0xFFFFFE20];
	v19 =	vmul.f32 v19, v21;
	[tilespmem:s3+$0xFFFFFF00] =	vst v3  }
0xf8: {  	v63 =	vld [tilespmem:s3+$0xFFFFFF90];
	v4 =	vmul.f32 v8, v20;
	[tilespmem:s3+$0xFFFFFF60] =	vst v9  }
0xf9: {  	v26 =	vld [tilespmem:s3+$0xFFFFFF10];
	v9 =	vmul.f32 v12, v21;
	[tilespmem:s3+$0xFFFFFF80] =	vst v19  }
0xfa: {  	v8 =	vld [tilespmem:s3+$0xFFFFFF30];
	[tilespmem:s3+$0xFFFFFEE0] =	vst v4;
	v4 =	vmul.f32 v6, v21  }
0xfb: {  	v13 =	vld [tilespmem:s3+$0xFFFFFEB0];
	[tilespmem:s3+$0xFFFFFF40] =	vst v9;
	v3 =	vmul.f32 v10, v17  }
0xfc: {  	v27 =	vld [tilespmem:s3+$0xFFFFFE10];
	v7 =	vmul.f32 v7, v17;
	v5 =	vmul.f32 v5, v17;
	[tilespmem:s3+$0xFFFFFF50] =	vst v4  }
0xfd: {  	v12 =	vld [tilespmem:s3+$0xFFFFFF20];
	v24 =	vmul.f32 v24, v17;
	v4 =	vmul.f32 v11, v17;
	[tilespmem:s3+$0xFFFFFFC0] =	vst v3  }
0xfe: {  	v10 =	vld [tilespmem:s3+$0xFFFFFE30];
	v11 =	vmul.f32 v22, v20;
	v3 =	vmul.f32 v16, v17;
	[tilespmem:s3+$0xFFFFFFD0] =	vst v7  }
0xff: {  	v6 =	vld [tilespmem:s3+$0xFFFFFFA0];
	v16 =	vmul.f32 v23, v2;
	v7 =	vmul.f32 v8, v21;
	[tilespmem:s3+$0x0] =	vst v5  }
0x100: {  	v28 =	vld [tilespmem:s3+$0xFFFFFED0];
	v8 =	vmul.f32 v13, v20;
	v5 =	vmul.f32 v18, v2;
	[tilespmem:s3+$0xFFFFFEC0] =	vst v11  }
0x101: {  	v13 =	vmul.f32 v62, v2;
	v11 =	vmul.f32 v15, v21;
	v15 =	vld [tilespmem:s3+$0xFFFFFE90];
	[tilespmem:s3+$0xFFFFFFE0] =	vst v4  }
0x102: {  	v4 =	vmul.f32 v14, v20;
	v14 =	vmul.f32 v63, v17;
	[tilespmem:s3+$0xFFFFFE40] =	vst v16  }
0x103: {  	v16 =	vld [tilespmem:s3+$0xFFFFFE60];
	[tilespmem:s3+$0xFFFFFE80] =	vst v5;
	v5 =	vmul.f32 v27, v2;
	v9 =	vmul.f32 v10, v2  }
0x104: {  	[tilespmem:s3+$0xFFFFFF70] =	vst v11;
	v10 =	vmul.f32 v6, v17;
	v11 =	vmul.f32 v12, v21  }
0x105: {  	[tilespmem:s3+$0xFFFFFFB0] =	vst v24;
	v12 =	vmul.f32 v25, v20;
	v6 =	vmul.f32 v26, v21  }
0x106: {  	s6 =	simm.s32 $0x7EF0;
	s5 =	simm.s32 $0xFFFFFFA4;
	[tilespmem:s3+$0xFFFFFEF0] =	vst v4;
	v4 =	vmul.f32 v15, v20;
	v15 =	vmul.f32 v28, v20  }
.LBB2_9:
0x107: {  	s7 =	sadd.s32 s5, s22  }
0x108: {  	v17 =	vld [tilespmem:s6+$0xFFFFFF00];
	p0 =	sne.s32 s5, $0xFFFFFFFC;
	s5 =	sadd.s32 $0x4, s5;
	[tilespmem:s3+$0xFFFFFF30] =	vst v7;
	v2 =	vmul.f32 v16, v2;
	s9 =	sadd.s32 $0xC0, s7  }
0x109: {  	s10 =	sadd.s32 $0xC1, s7;
	s11 =	sadd.s32 $0xC2, s7;
	v7 =	vld [tilespmem:s6+$0xFFFFFE50];
	[tilespmem:s3+$0xFFFFFEB0] =	vst v8;
	v8 =	vmov s9  }
0x10a: {  	s7 =	sadd.s32 $0xC3, s7;
	v16 =	vmov s10;
	v18 =	vmov s11;
	v19 =	vld [tilespmem:s6+$0x0];
	[tilespmem:s3+$0xFFFFFE30] =	vst v9  }
0x10b: {  	v8 =	vand.u32 $0xFFFFFFFC, v8;
	v9 =	vand.u32 $0xFFFFFFFE, v18;
	v18 =	vmov s7;
	v20 =	vld [tilespmem:s6+$0xFFFFFF50];
	[tilespmem:s3+$0xFFFFFFA0] =	vst v10  }
0x10c: {  	v10 =	vand.u32 $0xFFFFFFFD, v16;
	v8 =	vbroadcast v8, $0x0;
	v16 =	vld [tilespmem:s6+$0xFFFFFFD0];
	[tilespmem:s3+$0xFFFFFF20] =	vst v11  }
0x10d: {  	v10 =	vbroadcast v10, $0x0;
	v11 =	vld [tilespmem:s6+$0xFFFFFEE0];
	[tilespmem:s3+$0xFFFFFEA0] =	vst v12  }
0x10e: {  	v9 =	vbroadcast v9, $0x0;
	v12 =	vld [tilespmem:s6+$0xFFFFFF60];
	[tilespmem:s3+$0xFFFFFE20] =	vst v13  }
0x10f: {  	v13 =	vld [tilespmem:s6+$0xFFFFFFE0];
	[tilespmem:s3+$0xFFFFFF90] =	vst v14  }
0x110: {  	v14 =	vld [tilespmem:s6+$0xFFFFFE70];
	[tilespmem:s3+$0xFFFFFFF0] =	vst v3  }
0x111: {  	v21 =	vld [tilespmem:s6+$0xFFFFFEF0];
	[tilespmem:s3+$0xFFFFFED0] =	vst v15  }
0x112: {  	v15 =	vld [tilespmem:s6+$0xFFFFFF70];
	[tilespmem:s3+$0xFFFFFF10] =	vst v6  }
0x113: {  	v3 =	vld [tilespmem:s6+$0xFFFFFFF0];
	[tilespmem:s3+$0xFFFFFE60] =	vst v2  }
0x114: {  	v6 =	vld [tilespmem:s6+$0xFFFFFE80];
	[tilespmem:s3+$0xFFFFFE90] =	vst v4  }
0x115: {  	v4 =	vld [tilespmem:s6+$0xFFFFFF80];
	[tilespmem:s3+$0xFFFFFE10] =	vst v5;
	s3 =	smov.u32 s6  }
0x116: {  	v2 =	vld.idx.msk [tilespmem:v8+s24+$0x0], $0xffff  }
0x117: {  	v22 =	vld.idx.msk [tilespmem:v10+s24+$0x0], $0xffff  }
0x118: {  	v5 =	vld.idx.msk [tilespmem:v9+s24+$0x0], $0xffff  }
0x119: {  	v18 =	vld.idx.msk [tilespmem:v18+s24+$0x0], $0xffff  }
0x11a: {  	v8 =	vld [tilespmem:s6+$0xFFFFFFC0]  }
0x11b: {  	v9 =	vld [tilespmem:s6+$0xFFFFFF40]  }
0x11c: {  	v7 =	vmul.f32 v7, v2;
	v14 =	vmul.f32 v14, v2;
	v10 =	vld [tilespmem:s6+$0xFFFFFEC0]  }
0x11d: {  	v11 =	vmul.f32 v11, v22;
	v17 =	vmul.f32 v17, v22;
	v23 =	vld [tilespmem:s6+$0xFFFFFE40]  }
0x11e: {  	v20 =	vmul.f32 v20, v5;
	v24 =	vld [tilespmem:s6+$0xFFFFFFB0];
	[tilespmem:s6+$0xFFFFFE50] =	vst v7;
	v7 =	vmul.f32 v12, v5  }
0x11f: {  	v16 =	vmul.f32 v16, v18;
	v12 =	vld [tilespmem:s6+$0xFFFFFF30];
	v8 =	vmul.f32 v8, v18;
	[tilespmem:s6+$0xFFFFFE70] =	vst v14  }
0x120: {  	v13 =	vmul.f32 v13, v18;
	v14 =	vld [tilespmem:s6+$0xFFFFFEB0];
	v9 =	vmul.f32 v9, v5;
	[tilespmem:s6+$0xFFFFFF00] =	vst v17  }
0x121: {  	v3 =	vmul.f32 v3, v18;
	v17 =	vld [tilespmem:s6+$0xFFFFFE30];
	v25 =	vmul.f32 v10, v22;
	[tilespmem:s6+$0xFFFFFEE0] =	vst v11  }
0x122: {  	v19 =	vmul.f32 v19, v18;
	v10 =	vld [tilespmem:s6+$0xFFFFFFA0];
	v23 =	vmul.f32 v23, v2;
	[tilespmem:s6+$0xFFFFFF60] =	vst v7  }
0x123: {  	v15 =	vmul.f32 v15, v5;
	v11 =	vld [tilespmem:s6+$0xFFFFFF20];
	v24 =	vmul.f32 v24, v18;
	[tilespmem:s6+$0xFFFFFFC0] =	vst v8  }
0x124: {  	v26 =	vld [tilespmem:s6+$0xFFFFFEA0];
	v7 =	vmul.f32 v12, v5;
	[tilespmem:s6+$0xFFFFFF50] =	vst v20;
	v20 =	vmul.f32 v4, v5  }
0x125: {  	v21 =	vmul.f32 v21, v22;
	v4 =	vld [tilespmem:s6+$0xFFFFFE20];
	v8 =	vmul.f32 v14, v22;
	[tilespmem:s6+$0xFFFFFF40] =	vst v9  }
0x126: {  	v14 =	vld [tilespmem:s6+$0xFFFFFF90];
	v9 =	vmul.f32 v17, v2;
	[tilespmem:s6+$0xFFFFFFD0] =	vst v16;
	v17 =	vmul.f32 v6, v2  }
0x127: {  	v6 =	vld [tilespmem:s6+$0xFFFFFF10];
	v10 =	vmul.f32 v10, v18;
	[tilespmem:s6+$0xFFFFFEC0] =	vst v25  }
0x128: {  	v25 =	vld [tilespmem:s6+$0xFFFFFE90];
	v11 =	vmul.f32 v11, v5;
	[tilespmem:s6+$0xFFFFFFE0] =	vst v13  }
0x129: {  	v27 =	vld [tilespmem:s6+$0xFFFFFE10];
	v12 =	vmul.f32 v26, v22;
	[tilespmem:s6+$0x0] =	vst v19  }
0x12a: {  	v13 =	vmul.f32 v4, v2;
	v19 =	vld [tilespmem:s6+$0xFFFFFED0];
	[tilespmem:s6+$0xFFFFFF70] =	vst v15  }
.Ltmp3:
0x12b: {  	v14 =	vmul.f32 v14, v18;
	[tilespmem:s6+$0xFFFFFE40] =	vst v23;
	v16 =	vld [tilespmem:s6+$0xFFFFFE60];
	(pc) =	sbr.rel @p0 .LBB2_9-.Ltmp3, $4  }
0x12c: {  	v6 =	vmul.f32 v6, v5;
	[tilespmem:s6+$0xFFFFFEF0] =	vst v21  }
0x12d: {  	v4 =	vmul.f32 v25, v22;
	[tilespmem:s6+$0xFFFFFE80] =	vst v17  }
0x12e: {  	v5 =	vmul.f32 v27, v2;
	[tilespmem:s6+$0xFFFFFF80] =	vst v20  }
0x12f: {  	s6 =	sadd.s32 $0x200, s6;
	[tilespmem:s3+$0xFFFFFFB0] =	vst v24;
	v15 =	vmul.f32 v19, v22  }
0x130: {  	[tilespmem:s3+$0xFFFFFF30] =	vst v7  }
0x131: {  	[tilespmem:s3+$0xFFFFFEB0] =	vst v8  }
0x132: {  	[tilespmem:s3+$0xFFFFFE30] =	vst v9  }
0x133: {  	[tilespmem:s3+$0xFFFFFFA0] =	vst v10  }
0x134: {  	[tilespmem:s3+$0xFFFFFF20] =	vst v11  }
0x135: {  	[tilespmem:s3+$0xFFFFFEA0] =	vst v12  }
0x136: {  	[tilespmem:s3+$0xFFFFFE20] =	vst v13  }
0x137: {  	[tilespmem:s3+$0xFFFFFF90] =	vst v14  }
0x138: {  	[tilespmem:s3+$0xFFFFFFF0] =	vst v3;
	s23 =	sadd.s32 $0x1, s23  }
0x139: {  	[tilespmem:s3+$0xFFFFFF10] =	vst v6;
	p0 =	sne.s32 s23, $0x19  }
.Ltmp4:
0x13a: {  	[tilespmem:s3+$0xFFFFFE90] =	vst v4;
	(pc) =	sbr.rel @p0 .LBB2_6-.Ltmp4, $4  }
0x13b: {  	v2 =	vmul.f32 v16, v2;
	[tilespmem:s3+$0xFFFFFE10] =	vst v5  }
0x13c: {  	[tilespmem:s3+$0xFFFFFED0] =	vst v15  }
0x13d: {  	s1 =	sadd.s32 $0x1C00, s1;
	s22 =	sadd.s32 $0xC0, s22;
	[tilespmem:s3+$0xFFFFFE60] =	vst v2  }
0x13e: {  	[spmem:s2] =	stream.indirect.scatter.add.f32 [tilespmem:s29], [sflag:$0x4], $0x80, s1, s26, $0xb8;
	[tilespmem:$0x1EB00] =	vst v63  }
0x13f: {  	_ =	swait.ge [sflag:s31], $0x3000  }
0x140: {  	[sflag:s31] =	ssyncset.done $0x0  }
0x141: {  	[sflag:s31] =	ssyncadd.s32 $0xFFFFD000  }
0x142: {  	s1 =	stileid.u32;
	_ =	swait.ge [sflag:s0], $0x3000  }
0x143: {  	s3 =	sshrl.u32 s8, $0x3;
	s21 =	sadd.s32 $0x1, s21;
	[sflag:s0] =	ssyncset.done $0x0  }
0x144: {  	s1 =	sshll.u32 s1, $0x6;
	p0 =	sne.s32 s21, s19;
	[sflag:s0] =	ssyncadd.s32 $0xFFFFD000  }
.Ltmp5:
0x145: {  	s1 =	sor.u32 $0x1C05, s1;
	[bflag:$0x0] =	sbarrier.arrive $0xFFFF;
	(pc) =	sbr.rel @p0 .LBB2_1-.Ltmp5, $4  }
0x146: {  	[hbm:s18], [sflag:s1] =	dma.local [spmem:s3], $0x2800  }
0x147: {  	_ =	swait.ge [sflag:s20], $0x2800  }
0x148: {  	[sflag:s20] =	ssyncset.done $0x0  }
0x149: {  	[sflag:s20] =	ssyncadd.s32 $0xFFFFD800  }
0x14a: {  	_ =	sfence.sel $0x180000  }
0x14b: {  	[bflag:$0x0] =	sbarrier.arrive $0xFFFF  }
0x14c: {  	_ =	strace $0x90000047  }
0x14d: {  	s0 =	stileid.u32;
	[bflag:$0x2] =	sbarrier.arrive $0xFFFF  }
0x14e: {  	p0 =	sne.s32 s0, $0x0;
	s0 =	rddreg [dreg:$0x2]  }
0x14f: {  	s0 =	sadd.s32 @!p0 $0x100000, s0  }
0x150: {  	[sflag:s0] =	ssyncadd.tile.s32 @!p0 $0x1;
	_ =	shalt  }
.Lfunc_end2:
_tile_overlayer_lowered:
.L_overlay_start_2:
0x151: {  	(tag) =	ssettag $0x2  }
0x152: {  	s0 =	rddreg [dreg:$0x0];
	s2 =	stileid.u32  }
0x153: {  	s1 =	rddreg [dreg:$0x1];
	p0 =	sne.s32 s2, $0x0  }
0x154: {  	s3 =	rddreg [dreg:$0x2];
	[bflag:$0x3] =	sbarrier.arrive $0xFFFF;
	s2 =	simm.s32 @!p0 $0x1C05  }
0x155: {  	[timem:s3], [sflag:s2] =	dma.local @!p0 [hbm:s0], s1  }
0x156: {  	s0 =	simm.s32 @!p0 $0x5  }
0x157: {  	_ =	swait.ge @!p0 [sflag:s0], s1  }
0x158: {  	s1 =	ssub.s32 @!p0 $0x0, s1;
	[sflag:s0] =	ssyncset.done @!p0 $0x0  }
0x159: {  	[sflag:s0] =	ssyncadd.s32 @!p0 s1  }
0x15a: {  	[bflag:$0x3] =	sbarrier.arrive $0xFFFF  }
0x15b: {  	_ =	shalt  }

</sc_bundles>
